<compile_context>
chip_gen: v7x
topology: tpu7x:2x2x1
jax: 0.10.2.dev20260603
libtpu: 0.0.44.dev20260713+nightly
codegen_flags: <defaults>
</compile_context>

<pallas_src>
import functools

import jax
import jax.numpy as jnp
from jax import lax
from jax.experimental import pallas as pl
from jax.experimental.pallas import tpu as pltpu
from jax.experimental.pallas import tpu_sc as plsc

N_FINE = 100000
N_COARSE = 25000
VAL_DIM = 128
FE = 9
NR_FILTERS = 128

_NC = 2
_NS = 16
_NW = _NC * _NS

NCP = 25088
NCPH = NCP // 2
TOT_PAIRS = FE * NCPH
TOT_ROWS = 2 * TOT_PAIRS
CHUNK = 128
PCHUNK = CHUNK // 2
TOTAL_CHUNKS = TOT_ROWS // CHUNK
_BASE_CH = TOTAL_CHUNKS // _NW
_EXTRA = TOTAL_CHUNKS - _BASE_CH * _NW
_MAX_CH = _BASE_CH + 1
IDX_PAD = _MAX_CH * CHUNK

_NBUF = 5
_NPK = 4
_GA = 4
_LAG = 3
_L = 16


@functools.partial(
    pl.kernel,
    out_type=jax.ShapeDtypeStruct((TOT_PAIRS, VAL_DIM), jnp.float32),
    mesh=plsc.VectorSubcoreMesh(core_axis_name="c", subcore_axis_name="s"),
    scratch_types=[
        pltpu.VMEM((IDX_PAD,), jnp.int32),
        pltpu.VMEM((_NBUF, CHUNK, VAL_DIM), jnp.float32),
        pltpu.VMEM((_NPK, PCHUNK, VAL_DIM), jnp.float32),
        pltpu.SemaphoreType.DMA,
        pltpu.SemaphoreType.DMA,
    ],
)
def _sc_gather(idx_hbm, table_hbm, out_hbm, idx_v, rows_v, pk_v, gsem, wsem):
    wid = lax.axis_index("s") * _NC + lax.axis_index("c")
    nch = jnp.where(wid < _EXTRA, _BASE_CH + 1, _BASE_CH)
    base_ch = wid * _BASE_CH + jnp.minimum(wid, _EXTRA)
    row0 = pl.multiple_of(base_ch * CHUNK, CHUNK)
    prow0 = pl.multiple_of(base_ch * PCHUNK, PCHUNK)
    pltpu.sync_copy(idx_hbm.at[pl.ds(row0, IDX_PAD)], idx_v)

    def _gather(j):
        pltpu.make_async_copy(
            table_hbm.at[idx_v.at[pl.ds(j * CHUNK, CHUNK)]],
            rows_v.at[j % _NBUF],
            gsem,
        ).start()

    def _wait_gather(j):
        pltpu.make_async_copy(
            table_hbm.at[idx_v.at[pl.ds(j * CHUNK, CHUNK)]],
            rows_v.at[j % _NBUF],
            gsem,
        ).wait()

    def _pack_chunk(c):
        b = c % _NBUF
        p = c % _NPK

        @plsc.parallel_loop(0, PCHUNK, unroll=8)
        def _row(r):
            for j in range(FE - 1):
                a = rows_v[b, r, pl.ds(_L * j, _L)]
                bvec = rows_v[b, PCHUNK + r, pl.ds(_L * j, _L)]
                ai = lax.bitcast_convert_type(a, jnp.int32)
                bi = lax.bitcast_convert_type(bvec, jnp.int32)
                ar = ai + jnp.int32(0x7FFF) + ((ai >> 16) & jnp.int32(1))
                br = bi + jnp.int32(0x7FFF) + ((bi >> 16) & jnp.int32(1))
                packed_i = (br & jnp.int32(-65536)) | (
                    (ar >> 16) & jnp.int32(0xFFFF)
                )
                pk_v[p, r, pl.ds(_L * j, _L)] = lax.bitcast_convert_type(
                    packed_i, jnp.float32)

    def _wb(j):
        pltpu.make_async_copy(
            pk_v.at[j % _NPK],
            out_hbm.at[pl.ds(prow0 + j * PCHUNK, PCHUNK)],
            wsem,
        ).start()

    def _wait_wb(j):
        pltpu.make_async_copy(
            pk_v.at[j % _NPK],
            out_hbm.at[pl.ds(prow0 + j * PCHUNK, PCHUNK)],
            wsem,
        ).wait()

    for j in range(_GA):
        _gather(j)

    def body(c, carry):
        _wait_gather(c)

        @pl.when(c >= _LAG)
        def _():
            _wait_wb(c - _LAG)

        _pack_chunk(c)
        _wb(c)

        @pl.when(c + _GA < nch)
        def _():
            _gather(c + _GA)

        return carry

    lax.fori_loop(0, nch, body, 0)

    def _drain(i, carry):
        _wait_wb(nch - _LAG + i)
        return carry

    lax.fori_loop(0, _LAG, _drain, 0)


_BMH = 1792
_NGRP = _BMH // PCHUNK


def _mm_body(g_ref, w_ref, o_ref):
    acc_lo = acc_hi = None
    for k in range(FE):
        xi = lax.bitcast_convert_type(g_ref[k], jnp.int32)
        lo = lax.bitcast_convert_type(xi << 16, jnp.float32)
        hi = lax.bitcast_convert_type(xi & jnp.int32(-65536), jnp.float32)
        dl = jnp.dot(lo.astype(jnp.bfloat16), w_ref[k],
                     preferred_element_type=jnp.float32)
        dh = jnp.dot(hi.astype(jnp.bfloat16), w_ref[k],
                     preferred_element_type=jnp.float32)
        acc_lo = dl if acc_lo is None else acc_lo + dl
        acc_hi = dh if acc_hi is None else acc_hi + dh
    for i in range(_NGRP):
        o_ref[pl.ds(i * CHUNK, PCHUNK), :] = acc_lo[i * PCHUNK:(i + 1) * PCHUNK, :]
        o_ref[pl.ds(i * CHUNK + PCHUNK, PCHUNK), :] = acc_hi[i * PCHUNK:(i + 1) * PCHUNK, :]


def _tc_matmul(g3, w3):
    return pl.pallas_call(
        _mm_body,
        grid=(NCPH // _BMH,),
        in_specs=[
            pl.BlockSpec((FE, _BMH, VAL_DIM), lambda m: (0, m, 0)),
            pl.BlockSpec((FE, VAL_DIM, NR_FILTERS), lambda m: (0, 0, 0)),
        ],
        out_specs=pl.BlockSpec((2 * _BMH, NR_FILTERS), lambda m: (m, 0)),
        out_shape=jax.ShapeDtypeStruct((N_COARSE, NR_FILTERS), jnp.float32),
    )(g3, w3)


def kernel(lattice_fine_values, coarse_neighbor_indices, weight):
    idx32 = coarse_neighbor_indices.astype(jnp.int32)
    idx_t = jnp.zeros((FE, NCP), jnp.int32).at[:, :N_COARSE].set(idx32.T)
    idx_flat = jnp.concatenate(
        [idx_t.reshape(-1), jnp.zeros((CHUNK,), jnp.int32)]
    )
    g = _sc_gather(idx_flat, lattice_fine_values)
    g3 = g.reshape(FE, NCPH, VAL_DIM)
    w3 = weight.reshape(FE, VAL_DIM, NR_FILTERS).astype(jnp.bfloat16)
    return _tc_matmul(g3, w3)

# --- scband reference (transcript-rebuilt; emitter-appended) ---
"""Pipeline reference for scband-coarsen-lattice-module-25400436588641 (READ-ONLY COPY).

The authoritative reference and input builder live on the scoring server;
editing this copy changes nothing except your own understanding.
"""

import jax, jax.numpy as jnp
import numpy as np
import math

N_FINE = 100000
N_COARSE = 25000
VAL_DIM = 128
FILTER_EXTENT = 9
NR_FILTERS = 128


def setup_inputs(seed: int = 0) -> dict:
    key = jax.random.key(seed)
    k1, k2, k3 = jax.random.split(key, 3)
    lattice_fine_values = jax.random.normal(k1, (N_FINE, VAL_DIM), dtype=jnp.float32)
    coarse_neighbor_indices = jax.random.randint(k2, (N_COARSE, FILTER_EXTENT), 0, N_FINE, dtype=jnp.int64)
    # weight init mirrors CoarsenLatticeModule.reset_parameters:
    # fan_out of weight [filter_extent*val_dim, nr_filters] is filter_extent*val_dim (torch 2D fan_out = size(0)),
    # fan = fan/2, gain = calculate_gain('relu') = sqrt(2), std = gain/sqrt(fan)*2, bound = sqrt(3)*std
    fan = (FILTER_EXTENT * VAL_DIM) / 2.0
    gain = math.sqrt(2.0)
    std = gain / math.sqrt(fan) * 2.0
    bound = math.sqrt(3.0) * std
    weight = jax.random.uniform(k3, (FILTER_EXTENT * VAL_DIM, NR_FILTERS), minval=-bound, maxval=bound, dtype=jnp.float32)
    return {
        "lattice_fine_values": lattice_fine_values,
        "coarse_neighbor_indices": coarse_neighbor_indices,
        "weight": weight,
    }


def reference(lattice_fine_values, coarse_neighbor_indices, weight):
    # CoarsenLattice: for each coarse vertex, gather the values of its
    # filter_extent fine-lattice neighbors (including the center vertex,
    # use_center_vertex_from_lattice_neigbhours=True), concatenate them into a
    # row of length filter_extent*val_dim, and apply the learned linear filter.
    gathered = jnp.take(lattice_fine_values, coarse_neighbor_indices, axis=0)  # [Nc, FE, val_dim]
    flat = gathered.reshape(gathered.shape[0], FILTER_EXTENT * VAL_DIM)        # [Nc, FE*val_dim]
    lv = flat @ weight                                                         # [Nc, nr_filters]
    return lv

if __name__ == "__main__":
    import jax
    _d = setup_inputs()
    print(jax.jit(kernel)(*tuple(_d.values())))

</pallas_src>

<mosaic_0001>
#map = affine_map<(d0, d1) -> (0)>
#map1 = affine_map<(d0, d1) -> (0, 0)>
module attributes {stable_mosaic.version = 14 : i64} {
  func.func @_sc_gather(%arg0: i32, %arg1: i32, %arg2: memref<225920xi32, #tpu.memory_space<hbm>>, %arg3: memref<100000x128xf32, #tpu.memory_space<hbm>>, %arg4: memref<112896x128xf32, #tpu.memory_space<hbm>>, %arg5: memref<7168xi32, #tpu.memory_space<vmem>>, %arg6: memref<5x128x128xf32, #tpu.memory_space<vmem>>, %arg7: memref<4x64x128xf32, #tpu.memory_space<vmem>>, %arg8: memref<!tpu.dma_semaphore, #tpu.memory_space<semaphore_mem>>, %arg9: memref<!tpu.dma_semaphore, #tpu.memory_space<semaphore_mem>>) attributes {dimension_semantics = [#tpu.dimension_semantics<core_parallel>, #tpu.dimension_semantics<subcore_parallel>], iteration_bounds = array<i64: 2, 16>, scalar_prefetch = 0 : i64, scratch_operands = 5 : i64, tpu.core_type = #tpu.core_type<sc_vector_subcore>, window_params = [{transform_indices = #map}, {transform_indices = #map1}, {transform_indices = #map1}]} {
    %mul3A = arith.constant 2 : i32
    %mul3A_0 = arith.muli %arg1, %mul3A : i32
    %add3A = arith.addi %mul3A_0, %arg0 : i32
    %lt3A = arith.constant 4 : i32
    %lt3A_1 = arith.cmpi slt, %add3A, %lt3A : i32
    %jit3A = arith.constant 56 : i32
    %jit3A_2 = arith.constant 55 : i32
    %select_n3A = arith.select %lt3A_1, %jit3A, %jit3A_2 : i32
    %mul3A_3 = arith.constant 55 : i32
    %mul3A_4 = arith.muli %add3A, %mul3A_3 : i32
    %min3A = arith.constant 4 : i32
    %min3A_5 = arith.minsi %add3A, %min3A : i32
    %add3A_6 = arith.addi %mul3A_4, %min3A_5 : i32
    %mul3A_7 = arith.constant 128 : i32
    %mul3A_8 = arith.muli %add3A_6, %mul3A_7 : i32
    %multiple_of3A = tpu.assume_multiple %mul3A_8, 128 : i32
    %mul3A_9 = arith.constant 64 : i32
    %mul3A_10 = arith.muli %add3A_6, %mul3A_9 : i32
    %multiple_of3A_11 = tpu.assume_multiple %mul3A_10, 64 : i32
    "tpu.region"() ({
      %run_scoped3A = tpu.sem_alloc : memref<!tpu.dma_semaphore, #tpu.memory_space<semaphore_mem>>
      %dma_start3A_65 = tpu.memref_slice %arg2[%multiple_of3A] : memref<225920xi32, #tpu.memory_space<hbm>> -> memref<7168xi32, #tpu.memory_space<hbm>>
      %dma_start3A_66 = tpu.memref_slice %arg2[%multiple_of3A] : memref<225920xi32, #tpu.memory_space<hbm>> -> memref<7168xi32, #tpu.memory_space<hbm>>
      tpu.enqueue_dma source(%dma_start3A_66 : memref<7168xi32, #tpu.memory_space<hbm>>) target(%arg5 : memref<7168xi32, #tpu.memory_space<vmem>>) target_semaphore(%run_scoped3A : memref<!tpu.dma_semaphore, #tpu.memory_space<semaphore_mem>>)
      %dma_wait3A = tpu.memref_slice %arg2[%multiple_of3A] : memref<225920xi32, #tpu.memory_space<hbm>> -> memref<7168xi32, #tpu.memory_space<hbm>>
      %dma_wait3A_67 = tpu.memref_slice %arg2[%multiple_of3A] : memref<225920xi32, #tpu.memory_space<hbm>> -> memref<7168xi32, #tpu.memory_space<hbm>>
      tpu.wait_dma2 semaphore(%run_scoped3A : memref<!tpu.dma_semaphore, #tpu.memory_space<semaphore_mem>>) src(%dma_wait3A_67 : memref<7168xi32, #tpu.memory_space<hbm>>) dst(%arg5 : memref<7168xi32, #tpu.memory_space<vmem>>)
      tpu.yield
    }) : () -> ()
    %dma_start3A = arith.constant 0 : i32
    %dma_start3A_12 = arith.constant 0 : i32
    %dma_start3A_13 = arith.constant 0 : i32
    %dma_start3A_14 = tpu.memref_slice %arg6[%dma_start3A, %dma_start3A_12, %dma_start3A_13] : memref<5x128x128xf32, #tpu.memory_space<vmem>> -> memref<1x128x128xf32, #tpu.memory_space<vmem>>
    %dma_start3A_15 = tpu.memref_squeeze %dma_start3A_14 : memref<1x128x128xf32, #tpu.memory_space<vmem>> -> memref<128x128xf32, #tpu.memory_space<vmem>>
    %dma_start3A_16 = arith.constant 0 : i32
    %dma_start3A_17 = tpu.memref_slice %arg5[%dma_start3A_16] : memref<7168xi32, #tpu.memory_space<vmem>> -> memref<128xi32, #tpu.memory_space<vmem>>
    %dma_start3A_18 = arith.constant 0 : i32
    %dma_start3A_19 = arith.constant 0 : i32
    %dma_start3A_20 = tpu.memref_slice %arg3[%dma_start3A_18, %dma_start3A_19] : memref<100000x128xf32, #tpu.memory_space<hbm>> -> memref<100000x128xf32, #tpu.memory_space<hbm>>
    tpu.enqueue_indirect_dma source(%dma_start3A_20 : memref<100000x128xf32, #tpu.memory_space<hbm>>) target(%dma_start3A_15 : memref<128x128xf32, #tpu.memory_space<vmem>>) offsets(%dma_start3A_17 : memref<128xi32, #tpu.memory_space<vmem>>) semaphore(%arg8 : memref<!tpu.dma_semaphore, #tpu.memory_space<semaphore_mem>>)
    %dma_start3A_21 = arith.constant 1 : i32
    %dma_start3A_22 = arith.constant 0 : i32
    %dma_start3A_23 = arith.constant 0 : i32
    %dma_start3A_24 = tpu.memref_slice %arg6[%dma_start3A_21, %dma_start3A_22, %dma_start3A_23] : memref<5x128x128xf32, #tpu.memory_space<vmem>> -> memref<1x128x128xf32, #tpu.memory_space<vmem>>
    %dma_start3A_25 = tpu.memref_squeeze %dma_start3A_24 : memref<1x128x128xf32, #tpu.memory_space<vmem>> -> memref<128x128xf32, #tpu.memory_space<vmem>>
    %dma_start3A_26 = arith.constant 128 : i32
    %dma_start3A_27 = tpu.memref_slice %arg5[%dma_start3A_26] : memref<7168xi32, #tpu.memory_space<vmem>> -> memref<128xi32, #tpu.memory_space<vmem>>
    %dma_start3A_28 = arith.constant 0 : i32
    %dma_start3A_29 = arith.constant 0 : i32
    %dma_start3A_30 = tpu.memref_slice %arg3[%dma_start3A_28, %dma_start3A_29] : memref<100000x128xf32, #tpu.memory_space<hbm>> -> memref<100000x128xf32, #tpu.memory_space<hbm>>
    tpu.enqueue_indirect_dma source(%dma_start3A_30 : memref<100000x128xf32, #tpu.memory_space<hbm>>) target(%dma_start3A_25 : memref<128x128xf32, #tpu.memory_space<vmem>>) offsets(%dma_start3A_27 : memref<128xi32, #tpu.memory_space<vmem>>) semaphore(%arg8 : memref<!tpu.dma_semaphore, #tpu.memory_space<semaphore_mem>>)
    %dma_start3A_31 = arith.constant 2 : i32
    %dma_start3A_32 = arith.constant 0 : i32
    %dma_start3A_33 = arith.constant 0 : i32
    %dma_start3A_34 = tpu.memref_slice %arg6[%dma_start3A_31, %dma_start3A_32, %dma_start3A_33] : memref<5x128x128xf32, #tpu.memory_space<vmem>> -> memref<1x128x128xf32, #tpu.memory_space<vmem>>
    %dma_start3A_35 = tpu.memref_squeeze %dma_start3A_34 : memref<1x128x128xf32, #tpu.memory_space<vmem>> -> memref<128x128xf32, #tpu.memory_space<vmem>>
    %dma_start3A_36 = arith.constant 256 : i32
    %dma_start3A_37 = tpu.memref_slice %arg5[%dma_start3A_36] : memref<7168xi32, #tpu.memory_space<vmem>> -> memref<128xi32, #tpu.memory_space<vmem>>
    %dma_start3A_38 = arith.constant 0 : i32
    %dma_start3A_39 = arith.constant 0 : i32
    %dma_start3A_40 = tpu.memref_slice %arg3[%dma_start3A_38, %dma_start3A_39] : memref<100000x128xf32, #tpu.memory_space<hbm>> -> memref<100000x128xf32, #tpu.memory_space<hbm>>
    tpu.enqueue_indirect_dma source(%dma_start3A_40 : memref<100000x128xf32, #tpu.memory_space<hbm>>) target(%dma_start3A_35 : memref<128x128xf32, #tpu.memory_space<vmem>>) offsets(%dma_start3A_37 : memref<128xi32, #tpu.memory_space<vmem>>) semaphore(%arg8 : memref<!tpu.dma_semaphore, #tpu.memory_space<semaphore_mem>>)
    %dma_start3A_41 = arith.constant 3 : i32
    %dma_start3A_42 = arith.constant 0 : i32
    %dma_start3A_43 = arith.constant 0 : i32
    %dma_start3A_44 = tpu.memref_slice %arg6[%dma_start3A_41, %dma_start3A_42, %dma_start3A_43] : memref<5x128x128xf32, #tpu.memory_space<vmem>> -> memref<1x128x128xf32, #tpu.memory_space<vmem>>
    %dma_start3A_45 = tpu.memref_squeeze %dma_start3A_44 : memref<1x128x128xf32, #tpu.memory_space<vmem>> -> memref<128x128xf32, #tpu.memory_space<vmem>>
    %dma_start3A_46 = arith.constant 384 : i32
    %dma_start3A_47 = tpu.memref_slice %arg5[%dma_start3A_46] : memref<7168xi32, #tpu.memory_space<vmem>> -> memref<128xi32, #tpu.memory_space<vmem>>
    %dma_start3A_48 = arith.constant 0 : i32
    %dma_start3A_49 = arith.constant 0 : i32
    %dma_start3A_50 = tpu.memref_slice %arg3[%dma_start3A_48, %dma_start3A_49] : memref<100000x128xf32, #tpu.memory_space<hbm>> -> memref<100000x128xf32, #tpu.memory_space<hbm>>
    tpu.enqueue_indirect_dma source(%dma_start3A_50 : memref<100000x128xf32, #tpu.memory_space<hbm>>) target(%dma_start3A_45 : memref<128x128xf32, #tpu.memory_space<vmem>>) offsets(%dma_start3A_47 : memref<128xi32, #tpu.memory_space<vmem>>) semaphore(%arg8 : memref<!tpu.dma_semaphore, #tpu.memory_space<semaphore_mem>>)
    %while3A = arith.constant 0 : i32
    %while3A_51 = arith.constant 0 : i32
    %while3A_52 = arith.subi %select_n3A, %while3A_51 : i32
    %while3A_53 = arith.addi %while3A_51, %while3A_52 : i32
    %while3A_54 = arith.constant 1 : i32
    %while3A_55 = arith.divsi %while3A_52, %while3A_54 : i32
    %while3A_56 = arith.muli %while3A_55, %while3A_54 : i32
    %while3A_57 = arith.addi %while3A_51, %while3A_56 : i32
    %while3A_58 = arith.constant 1 : i32
    scf.for %while3A_65 = %while3A_51 to %while3A_57 step %while3A_58  : i32 {
      %mul3A_66 = arith.constant 128 : i32
      %mul3A_67 = arith.muli %while3A_65, %mul3A_66 : i32
      %jit3A_68 = arith.constant 5 : i32
      %eq3A = arith.constant 0 : i32
      %eq3A_69 = arith.cmpi eq, %jit3A_68, %eq3A : i32
      %jit3A_70 = arith.constant 1 : i32
      %select_n3A_71 = arith.select %eq3A_69, %jit3A_70, %jit3A_68 : i32
      %rem3A = arith.remsi %while3A_65, %select_n3A_71 : i32
      %ne3A = arith.constant 0 : i32
      %ne3A_72 = arith.cmpi ne, %rem3A, %ne3A : i32
      %lt3A_73 = arith.constant 0 : i32
      %lt3A_74 = arith.cmpi slt, %rem3A, %lt3A_73 : i32
      %lt3A_75 = arith.constant 0 : i32
      %lt3A_76 = arith.cmpi slt, %select_n3A_71, %lt3A_75 : i32
      %ne3A_77 = arith.xori %lt3A_74, %lt3A_76 : i1
      %and3A = arith.andi %ne3A_77, %ne3A_72 : i1
      %add3A_78 = arith.addi %rem3A, %select_n3A_71 : i32
      %select_n3A_79 = arith.select %and3A, %add3A_78, %rem3A : i32
      %dma_wait3A = arith.constant 0 : i32
      %dma_wait3A_80 = arith.constant 0 : i32
      %dma_wait3A_81 = tpu.memref_slice %arg6[%select_n3A_79, %dma_wait3A, %dma_wait3A_80] : memref<5x128x128xf32, #tpu.memory_space<vmem>> -> memref<1x128x128xf32, #tpu.memory_space<vmem>>
      %dma_wait3A_82 = tpu.memref_squeeze %dma_wait3A_81 : memref<1x128x128xf32, #tpu.memory_space<vmem>> -> memref<128x128xf32, #tpu.memory_space<vmem>>
      %dma_wait3A_83 = tpu.memref_slice %arg5[%mul3A_67] : memref<7168xi32, #tpu.memory_space<vmem>> -> memref<128xi32, #tpu.memory_space<vmem>>
      %dma_wait3A_84 = arith.constant 0 : i32
      %dma_wait3A_85 = arith.constant 0 : i32
      %dma_wait3A_86 = tpu.memref_slice %arg3[%dma_wait3A_84, %dma_wait3A_85] : memref<100000x128xf32, #tpu.memory_space<hbm>> -> memref<100000x128xf32, #tpu.memory_space<hbm>>
      tpu.wait_indirect_dma semaphore(%arg8 : memref<!tpu.dma_semaphore, #tpu.memory_space<semaphore_mem>>) src(%dma_wait3A_86 : memref<100000x128xf32, #tpu.memory_space<hbm>>) dst(%dma_wait3A_82 : memref<128x128xf32, #tpu.memory_space<vmem>>)
      %ge3A = arith.constant 3 : i32
      %ge3A_87 = arith.cmpi sge, %while3A_65, %ge3A : i32
      %convert_element_type3A = arith.extui %ge3A_87 : i1 to i32
      %cond3A = arith.constant 0 : i32
      %cond3A_88 = arith.cmpi ne, %convert_element_type3A, %cond3A : i32
      scf.if %cond3A_88 {
        %sub3A = arith.constant 3 : i32
        %sub3A_160 = arith.subi %while3A_65, %sub3A : i32
        %jit3A_161 = arith.constant 4 : i32
        %eq3A_162 = arith.constant 0 : i32
        %eq3A_163 = arith.cmpi eq, %jit3A_161, %eq3A_162 : i32
        %jit3A_164 = arith.constant 1 : i32
        %select_n3A_165 = arith.select %eq3A_163, %jit3A_164, %jit3A_161 : i32
        %rem3A_166 = arith.remsi %sub3A_160, %select_n3A_165 : i32
        %ne3A_167 = arith.constant 0 : i32
        %ne3A_168 = arith.cmpi ne, %rem3A_166, %ne3A_167 : i32
        %lt3A_169 = arith.constant 0 : i32
        %lt3A_170 = arith.cmpi slt, %rem3A_166, %lt3A_169 : i32
        %lt3A_171 = arith.constant 0 : i32
        %lt3A_172 = arith.cmpi slt, %select_n3A_165, %lt3A_171 : i32
        %ne3A_173 = arith.xori %lt3A_170, %lt3A_172 : i1
        %and3A_174 = arith.andi %ne3A_173, %ne3A_168 : i1
        %add3A_175 = arith.addi %rem3A_166, %select_n3A_165 : i32
        %select_n3A_176 = arith.select %and3A_174, %add3A_175, %rem3A_166 : i32
        %mul3A_177 = arith.constant 64 : i32
        %mul3A_178 = arith.muli %sub3A_160, %mul3A_177 : i32
        %add3A_179 = arith.addi %multiple_of3A_11, %mul3A_178 : i32
        %dma_wait3A_180 = arith.constant 0 : i32
        %dma_wait3A_181 = arith.constant 0 : i32
        %dma_wait3A_182 = tpu.memref_slice %arg7[%select_n3A_176, %dma_wait3A_180, %dma_wait3A_181] : memref<4x64x128xf32, #tpu.memory_space<vmem>> -> memref<1x64x128xf32, #tpu.memory_space<vmem>>
        %dma_wait3A_183 = tpu.memref_squeeze %dma_wait3A_182 : memref<1x64x128xf32, #tpu.memory_space<vmem>> -> memref<64x128xf32, #tpu.memory_space<vmem>>
        %dma_wait3A_184 = arith.constant 0 : i32
        %dma_wait3A_185 = tpu.memref_slice %arg4[%add3A_179, %dma_wait3A_184] : memref<112896x128xf32, #tpu.memory_space<hbm>> -> memref<64x128xf32, #tpu.memory_space<hbm>>
        %dma_wait3A_186 = arith.constant 0 : i32
        %dma_wait3A_187 = tpu.memref_slice %arg4[%add3A_179, %dma_wait3A_186] : memref<112896x128xf32, #tpu.memory_space<hbm>> -> memref<64x128xf32, #tpu.memory_space<hbm>>
        %dma_wait3A_188 = arith.constant 0 : i32
        %dma_wait3A_189 = arith.constant 0 : i32
        %dma_wait3A_190 = tpu.memref_slice %arg7[%select_n3A_176, %dma_wait3A_188, %dma_wait3A_189] : memref<4x64x128xf32, #tpu.memory_space<vmem>> -> memref<1x64x128xf32, #tpu.memory_space<vmem>>
        %dma_wait3A_191 = tpu.memref_squeeze %dma_wait3A_190 : memref<1x64x128xf32, #tpu.memory_space<vmem>> -> memref<64x128xf32, #tpu.memory_space<vmem>>
        tpu.wait_dma2 semaphore(%arg9 : memref<!tpu.dma_semaphore, #tpu.memory_space<semaphore_mem>>) src(%dma_wait3A_191 : memref<64x128xf32, #tpu.memory_space<vmem>>) dst(%dma_wait3A_187 : memref<64x128xf32, #tpu.memory_space<hbm>>)
      } else {
      }
      %jit3A_89 = arith.constant 5 : i32
      %eq3A_90 = arith.constant 0 : i32
      %eq3A_91 = arith.cmpi eq, %jit3A_89, %eq3A_90 : i32
      %jit3A_92 = arith.constant 1 : i32
      %select_n3A_93 = arith.select %eq3A_91, %jit3A_92, %jit3A_89 : i32
      %rem3A_94 = arith.remsi %while3A_65, %select_n3A_93 : i32
      %ne3A_95 = arith.constant 0 : i32
      %ne3A_96 = arith.cmpi ne, %rem3A_94, %ne3A_95 : i32
      %lt3A_97 = arith.constant 0 : i32
      %lt3A_98 = arith.cmpi slt, %rem3A_94, %lt3A_97 : i32
      %lt3A_99 = arith.constant 0 : i32
      %lt3A_100 = arith.cmpi slt, %select_n3A_93, %lt3A_99 : i32
      %ne3A_101 = arith.xori %lt3A_98, %lt3A_100 : i1
      %and3A_102 = arith.andi %ne3A_101, %ne3A_96 : i1
      %add3A_103 = arith.addi %rem3A_94, %select_n3A_93 : i32
      %select_n3A_104 = arith.select %and3A_102, %add3A_103, %rem3A_94 : i32
      %jit3A_105 = arith.constant 4 : i32
      %eq3A_106 = arith.constant 0 : i32
      %eq3A_107 = arith.cmpi eq, %jit3A_105, %eq3A_106 : i32
      %jit3A_108 = arith.constant 1 : i32
      %select_n3A_109 = arith.select %eq3A_107, %jit3A_108, %jit3A_105 : i32
      %rem3A_110 = arith.remsi %while3A_65, %select_n3A_109 : i32
      %ne3A_111 = arith.constant 0 : i32
      %ne3A_112 = arith.cmpi ne, %rem3A_110, %ne3A_111 : i32
      %lt3A_113 = arith.constant 0 : i32
      %lt3A_114 = arith.cmpi slt, %rem3A_110, %lt3A_113 : i32
      %lt3A_115 = arith.constant 0 : i32
      %lt3A_116 = arith.cmpi slt, %select_n3A_109, %lt3A_115 : i32
      %ne3A_117 = arith.xori %lt3A_114, %lt3A_116 : i1
      %and3A_118 = arith.andi %ne3A_117, %ne3A_112 : i1
      %add3A_119 = arith.addi %rem3A_110, %select_n3A_109 : i32
      %select_n3A_120 = arith.select %and3A_118, %add3A_119, %rem3A_110 : i32
      %parallel_loop3A = arith.constant 0 : i32
      %parallel_loop3A_121 = arith.constant 64 : i32
      %parallel_loop3A_122 = arith.constant 1 : i32
      scf.for %parallel_loop3A_160 = %parallel_loop3A to %parallel_loop3A_121 step %parallel_loop3A_122  : i32 {
        %parallel_loop3A_161 = arith.index_cast %select_n3A_104 : i32 to index
        %parallel_loop3A_162 = arith.index_cast %parallel_loop3A_160 : i32 to index
        %parallel_loop3A_163 = arith.constant 0 : index
        %parallel_loop3A_164 = tpu.vector_load %arg6[%parallel_loop3A_161, %parallel_loop3A_162, %parallel_loop3A_163] {strides = array<i32>} : memref<5x128x128xf32, #tpu.memory_space<vmem>>, vector<1x1x16xf32>,
        %parallel_loop3A_165 = vector.shape_cast %parallel_loop3A_164 : vector<1x1x16xf32> to vector<16xf32>
        %parallel_loop3A_166 = arith.constant 64 : i32
        %parallel_loop3A_167 = arith.addi %parallel_loop3A_166, %parallel_loop3A_160 : i32
        %parallel_loop3A_168 = arith.index_cast %select_n3A_104 : i32 to index
        %parallel_loop3A_169 = arith.index_cast %parallel_loop3A_167 : i32 to index
        %parallel_loop3A_170 = arith.constant 0 : index
        %parallel_loop3A_171 = tpu.vector_load %arg6[%parallel_loop3A_168, %parallel_loop3A_169, %parallel_loop3A_170] {strides = array<i32>} : memref<5x128x128xf32, #tpu.memory_space<vmem>>, vector<1x1x16xf32>,
        %parallel_loop3A_172 = vector.shape_cast %parallel_loop3A_171 : vector<1x1x16xf32> to vector<16xf32>
        %parallel_loop3A_173 = tpu.bitcast %parallel_loop3A_165 : vector<16xf32> -> vector<16xi32>
        %parallel_loop3A_174 = tpu.bitcast %parallel_loop3A_172 : vector<16xf32> -> vector<16xi32>
        %parallel_loop3A_175 = arith.constant 32767 : i32
        %parallel_loop3A_176 = vector.broadcast %parallel_loop3A_175 : i32 to vector<16xi32>
        %parallel_loop3A_177 = arith.addi %parallel_loop3A_173, %parallel_loop3A_176 : vector<16xi32>
        %parallel_loop3A_178 = arith.constant 16 : i32
        %parallel_loop3A_179 = vector.broadcast %parallel_loop3A_178 : i32 to vector<16xi32>
        %parallel_loop3A_180 = arith.shrsi %parallel_loop3A_173, %parallel_loop3A_179 : vector<16xi32>
        %parallel_loop3A_181 = arith.constant 1 : i32
        %parallel_loop3A_182 = vector.broadcast %parallel_loop3A_181 : i32 to vector<16xi32>
        %parallel_loop3A_183 = arith.andi %parallel_loop3A_180, %parallel_loop3A_182 : vector<16xi32>
        %parallel_loop3A_184 = arith.addi %parallel_loop3A_177, %parallel_loop3A_183 : vector<16xi32>
        %parallel_loop3A_185 = arith.constant 32767 : i32
        %parallel_loop3A_186 = vector.broadcast %parallel_loop3A_185 : i32 to vector<16xi32>
        %parallel_loop3A_187 = arith.addi %parallel_loop3A_174, %parallel_loop3A_186 : vector<16xi32>
        %parallel_loop3A_188 = arith.constant 16 : i32
        %parallel_loop3A_189 = vector.broadcast %parallel_loop3A_188 : i32 to vector<16xi32>
        %parallel_loop3A_190 = arith.shrsi %parallel_loop3A_174, %parallel_loop3A_189 : vector<16xi32>
        %parallel_loop3A_191 = arith.constant 1 : i32
        %parallel_loop3A_192 = vector.broadcast %parallel_loop3A_191 : i32 to vector<16xi32>
        %parallel_loop3A_193 = arith.andi %parallel_loop3A_190, %parallel_loop3A_192 : vector<16xi32>
        %parallel_loop3A_194 = arith.addi %parallel_loop3A_187, %parallel_loop3A_193 : vector<16xi32>
        %parallel_loop3A_195 = arith.constant -65536 : i32
        %parallel_loop3A_196 = vector.broadcast %parallel_loop3A_195 : i32 to vector<16xi32>
        %parallel_loop3A_197 = arith.andi %parallel_loop3A_194, %parallel_loop3A_196 : vector<16xi32>
        %parallel_loop3A_198 = arith.constant 16 : i32
        %parallel_loop3A_199 = vector.broadcast %parallel_loop3A_198 : i32 to vector<16xi32>
        %parallel_loop3A_200 = arith.shrsi %parallel_loop3A_184, %parallel_loop3A_199 : vector<16xi32>
        %parallel_loop3A_201 = arith.constant 65535 : i32
        %parallel_loop3A_202 = vector.broadcast %parallel_loop3A_201 : i32 to vector<16xi32>
        %parallel_loop3A_203 = arith.andi %parallel_loop3A_200, %parallel_loop3A_202 : vector<16xi32>
        %parallel_loop3A_204 = arith.ori %parallel_loop3A_197, %parallel_loop3A_203 : vector<16xi32>
        %parallel_loop3A_205 = tpu.bitcast %parallel_loop3A_204 : vector<16xi32> -> vector<16xf32>
        %parallel_loop3A_206 = arith.index_cast %select_n3A_120 : i32 to index
        %parallel_loop3A_207 = arith.index_cast %parallel_loop3A_160 : i32 to index
        %parallel_loop3A_208 = arith.constant 0 : index
        %parallel_loop3A_209 = tpu.vector_load %arg7[%parallel_loop3A_206, %parallel_loop3A_207, %parallel_loop3A_208] {strides = array<i32>} : memref<4x64x128xf32, #tpu.memory_space<vmem>>, vector<1x1x16xf32>,
        %parallel_loop3A_210 = vector.shape_cast %parallel_loop3A_209 : vector<1x1x16xf32> to vector<16xf32>
        %parallel_loop3A_211 = vector.shape_cast %parallel_loop3A_205 : vector<16xf32> to vector<1x1x16xf32>
        tpu.vector_store %arg7[%parallel_loop3A_206, %parallel_loop3A_207, %parallel_loop3A_208], %parallel_loop3A_211 {strides = array<i32>} : memref<4x64x128xf32, #tpu.memory_space<vmem>>, vector<1x1x16xf32>,
        %parallel_loop3A_212 = arith.index_cast %select_n3A_104 : i32 to index
        %parallel_loop3A_213 = arith.index_cast %parallel_loop3A_160 : i32 to index
        %parallel_loop3A_214 = arith.constant 16 : index
        %parallel_loop3A_215 = tpu.vector_load %arg6[%parallel_loop3A_212, %parallel_loop3A_213, %parallel_loop3A_214] {strides = array<i32>} : memref<5x128x128xf32, #tpu.memory_space<vmem>>, vector<1x1x16xf32>,
        %parallel_loop3A_216 = vector.shape_cast %parallel_loop3A_215 : vector<1x1x16xf32> to vector<16xf32>
        %parallel_loop3A_217 = arith.constant 64 : i32
        %parallel_loop3A_218 = arith.addi %parallel_loop3A_217, %parallel_loop3A_160 : i32
        %parallel_loop3A_219 = arith.index_cast %select_n3A_104 : i32 to index
        %parallel_loop3A_220 = arith.index_cast %parallel_loop3A_218 : i32 to index
        %parallel_loop3A_221 = arith.constant 16 : index
        %parallel_loop3A_222 = tpu.vector_load %arg6[%parallel_loop3A_219, %parallel_loop3A_220, %parallel_loop3A_221] {strides = array<i32>} : memref<5x128x128xf32, #tpu.memory_space<vmem>>, vector<1x1x16xf32>,
        %parallel_loop3A_223 = vector.shape_cast %parallel_loop3A_222 : vector<1x1x16xf32> to vector<16xf32>
        %parallel_loop3A_224 = tpu.bitcast %parallel_loop3A_216 : vector<16xf32> -> vector<16xi32>
        %parallel_loop3A_225 = tpu.bitcast %parallel_loop3A_223 : vector<16xf32> -> vector<16xi32>
        %parallel_loop3A_226 = arith.constant 32767 : i32
        %parallel_loop3A_227 = vector.broadcast %parallel_loop3A_226 : i32 to vector<16xi32>
        %parallel_loop3A_228 = arith.addi %parallel_loop3A_224, %parallel_loop3A_227 : vector<16xi32>
        %parallel_loop3A_229 = arith.constant 16 : i32
        %parallel_loop3A_230 = vector.broadcast %parallel_loop3A_229 : i32 to vector<16xi32>
        %parallel_loop3A_231 = arith.shrsi %parallel_loop3A_224, %parallel_loop3A_230 : vector<16xi32>
        %parallel_loop3A_232 = arith.constant 1 : i32
        %parallel_loop3A_233 = vector.broadcast %parallel_loop3A_232 : i32 to vector<16xi32>
        %parallel_loop3A_234 = arith.andi %parallel_loop3A_231, %parallel_loop3A_233 : vector<16xi32>
        %parallel_loop3A_235 = arith.addi %parallel_loop3A_228, %parallel_loop3A_234 : vector<16xi32>
        %parallel_loop3A_236 = arith.constant 32767 : i32
        %parallel_loop3A_237 = vector.broadcast %parallel_loop3A_236 : i32 to vector<16xi32>
        %parallel_loop3A_238 = arith.addi %parallel_loop3A_225, %parallel_loop3A_237 : vector<16xi32>
        %parallel_loop3A_239 = arith.constant 16 : i32
        %parallel_loop3A_240 = vector.broadcast %parallel_loop3A_239 : i32 to vector<16xi32>
        %parallel_loop3A_241 = arith.shrsi %parallel_loop3A_225, %parallel_loop3A_240 : vector<16xi32>
        %parallel_loop3A_242 = arith.constant 1 : i32
        %parallel_loop3A_243 = vector.broadcast %parallel_loop3A_242 : i32 to vector<16xi32>
        %parallel_loop3A_244 = arith.andi %parallel_loop3A_241, %parallel_loop3A_243 : vector<16xi32>
        %parallel_loop3A_245 = arith.addi %parallel_loop3A_238, %parallel_loop3A_244 : vector<16xi32>
        %parallel_loop3A_246 = arith.constant -65536 : i32
        %parallel_loop3A_247 = vector.broadcast %parallel_loop3A_246 : i32 to vector<16xi32>
        %parallel_loop3A_248 = arith.andi %parallel_loop3A_245, %parallel_loop3A_247 : vector<16xi32>
        %parallel_loop3A_249 = arith.constant 16 : i32
        %parallel_loop3A_250 = vector.broadcast %parallel_loop3A_249 : i32 to vector<16xi32>
        %parallel_loop3A_251 = arith.shrsi %parallel_loop3A_235, %parallel_loop3A_250 : vector<16xi32>
        %parallel_loop3A_252 = arith.constant 65535 : i32
        %parallel_loop3A_253 = vector.broadcast %parallel_loop3A_252 : i32 to vector<16xi32>
        %parallel_loop3A_254 = arith.andi %parallel_loop3A_251, %parallel_loop3A_253 : vector<16xi32>
        %parallel_loop3A_255 = arith.ori %parallel_loop3A_248, %parallel_loop3A_254 : vector<16xi32>
        %parallel_loop3A_256 = tpu.bitcast %parallel_loop3A_255 : vector<16xi32> -> vector<16xf32>
        %parallel_loop3A_257 = arith.index_cast %select_n3A_120 : i32 to index
        %parallel_loop3A_258 = arith.index_cast %parallel_loop3A_160 : i32 to index
        %parallel_loop3A_259 = arith.constant 16 : index
        %parallel_loop3A_260 = tpu.vector_load %arg7[%parallel_loop3A_257, %parallel_loop3A_258, %parallel_loop3A_259] {strides = array<i32>} : memref<4x64x128xf32, #tpu.memory_space<vmem>>, vector<1x1x16xf32>,
        %parallel_loop3A_261 = vector.shape_cast %parallel_loop3A_260 : vector<1x1x16xf32> to vector<16xf32>
        %parallel_loop3A_262 = vector.shape_cast %parallel_loop3A_256 : vector<16xf32> to vector<1x1x16xf32>
        tpu.vector_store %arg7[%parallel_loop3A_257, %parallel_loop3A_258, %parallel_loop3A_259], %parallel_loop3A_262 {strides = array<i32>} : memref<4x64x128xf32, #tpu.memory_space<vmem>>, vector<1x1x16xf32>,
        %parallel_loop3A_263 = arith.index_cast %select_n3A_104 : i32 to index
        %parallel_loop3A_264 = arith.index_cast %parallel_loop3A_160 : i32 to index
        %parallel_loop3A_265 = arith.constant 32 : index
        %parallel_loop3A_266 = tpu.vector_load %arg6[%parallel_loop3A_263, %parallel_loop3A_264, %parallel_loop3A_265] {strides = array<i32>} : memref<5x128x128xf32, #tpu.memory_space<vmem>>, vector<1x1x16xf32>,
        %parallel_loop3A_267 = vector.shape_cast %parallel_loop3A_266 : vector<1x1x16xf32> to vector<16xf32>
        %parallel_loop3A_268 = arith.constant 64 : i32
        %parallel_loop3A_269 = arith.addi %parallel_loop3A_268, %parallel_loop3A_160 : i32
        %parallel_loop3A_270 = arith.index_cast %select_n3A_104 : i32 to index
        %parallel_loop3A_271 = arith.index_cast %parallel_loop3A_269 : i32 to index
        %parallel_loop3A_272 = arith.constant 32 : index
        %parallel_loop3A_273 = tpu.vector_load %arg6[%parallel_loop3A_270, %parallel_loop3A_271, %parallel_loop3A_272] {strides = array<i32>} : memref<5x128x128xf32, #tpu.memory_space<vmem>>, vector<1x1x16xf32>,
        %parallel_loop3A_274 = vector.shape_cast %parallel_loop3A_273 : vector<1x1x16xf32> to vector<16xf32>
        %parallel_loop3A_275 = tpu.bitcast %parallel_loop3A_267 : vector<16xf32> -> vector<16xi32>
        %parallel_loop3A_276 = tpu.bitcast %parallel_loop3A_274 : vector<16xf32> -> vector<16xi32>
        %parallel_loop3A_277 = arith.constant 32767 : i32
        %parallel_loop3A_278 = vector.broadcast %parallel_loop3A_277 : i32 to vector<16xi32>
        %parallel_loop3A_279 = arith.addi %parallel_loop3A_275, %parallel_loop3A_278 : vector<16xi32>
        %parallel_loop3A_280 = arith.constant 16 : i32
        %parallel_loop3A_281 = vector.broadcast %parallel_loop3A_280 : i32 to vector<16xi32>
        %parallel_loop3A_282 = arith.shrsi %parallel_loop3A_275, %parallel_loop3A_281 : vector<16xi32>
        %parallel_loop3A_283 = arith.constant 1 : i32
        %parallel_loop3A_284 = vector.broadcast %parallel_loop3A_283 : i32 to vector<16xi32>
        %parallel_loop3A_285 = arith.andi %parallel_loop3A_282, %parallel_loop3A_284 : vector<16xi32>
        %parallel_loop3A_286 = arith.addi %parallel_loop3A_279, %parallel_loop3A_285 : vector<16xi32>
        %parallel_loop3A_287 = arith.constant 32767 : i32
        %parallel_loop3A_288 = vector.broadcast %parallel_loop3A_287 : i32 to vector<16xi32>
        %parallel_loop3A_289 = arith.addi %parallel_loop3A_276, %parallel_loop3A_288 : vector<16xi32>
        %parallel_loop3A_290 = arith.constant 16 : i32
        %parallel_loop3A_291 = vector.broadcast %parallel_loop3A_290 : i32 to vector<16xi32>
        %parallel_loop3A_292 = arith.shrsi %parallel_loop3A_276, %parallel_loop3A_291 : vector<16xi32>
        %parallel_loop3A_293 = arith.constant 1 : i32
        %parallel_loop3A_294 = vector.broadcast %parallel_loop3A_293 : i32 to vector<16xi32>
        %parallel_loop3A_295 = arith.andi %parallel_loop3A_292, %parallel_loop3A_294 : vector<16xi32>
        %parallel_loop3A_296 = arith.addi %parallel_loop3A_289, %parallel_loop3A_295 : vector<16xi32>
        %parallel_loop3A_297 = arith.constant -65536 : i32
        %parallel_loop3A_298 = vector.broadcast %parallel_loop3A_297 : i32 to vector<16xi32>
        %parallel_loop3A_299 = arith.andi %parallel_loop3A_296, %parallel_loop3A_298 : vector<16xi32>
        %parallel_loop3A_300 = arith.constant 16 : i32
        %parallel_loop3A_301 = vector.broadcast %parallel_loop3A_300 : i32 to vector<16xi32>
        %parallel_loop3A_302 = arith.shrsi %parallel_loop3A_286, %parallel_loop3A_301 : vector<16xi32>
        %parallel_loop3A_303 = arith.constant 65535 : i32
        %parallel_loop3A_304 = vector.broadcast %parallel_loop3A_303 : i32 to vector<16xi32>
        %parallel_loop3A_305 = arith.andi %parallel_loop3A_302, %parallel_loop3A_304 : vector<16xi32>
        %parallel_loop3A_306 = arith.ori %parallel_loop3A_299, %parallel_loop3A_305 : vector<16xi32>
        %parallel_loop3A_307 = tpu.bitcast %parallel_loop3A_306 : vector<16xi32> -> vector<16xf32>
        %parallel_loop3A_308 = arith.index_cast %select_n3A_120 : i32 to index
        %parallel_loop3A_309 = arith.index_cast %parallel_loop3A_160 : i32 to index
        %parallel_loop3A_310 = arith.constant 32 : index
        %parallel_loop3A_311 = tpu.vector_load %arg7[%parallel_loop3A_308, %parallel_loop3A_309, %parallel_loop3A_310] {strides = array<i32>} : memref<4x64x128xf32, #tpu.memory_space<vmem>>, vector<1x1x16xf32>,
        %parallel_loop3A_312 = vector.shape_cast %parallel_loop3A_311 : vector<1x1x16xf32> to vector<16xf32>
        %parallel_loop3A_313 = vector.shape_cast %parallel_loop3A_307 : vector<16xf32> to vector<1x1x16xf32>
        tpu.vector_store %arg7[%parallel_loop3A_308, %parallel_loop3A_309, %parallel_loop3A_310], %parallel_loop3A_313 {strides = array<i32>} : memref<4x64x128xf32, #tpu.memory_space<vmem>>, vector<1x1x16xf32>,
        %parallel_loop3A_314 = arith.index_cast %select_n3A_104 : i32 to index
        %parallel_loop3A_315 = arith.index_cast %parallel_loop3A_160 : i32 to index
        %parallel_loop3A_316 = arith.constant 48 : index
        %parallel_loop3A_317 = tpu.vector_load %arg6[%parallel_loop3A_314, %parallel_loop3A_315, %parallel_loop3A_316] {strides = array<i32>} : memref<5x128x128xf32, #tpu.memory_space<vmem>>, vector<1x1x16xf32>,
        %parallel_loop3A_318 = vector.shape_cast %parallel_loop3A_317 : vector<1x1x16xf32> to vector<16xf32>
        %parallel_loop3A_319 = arith.constant 64 : i32
        %parallel_loop3A_320 = arith.addi %parallel_loop3A_319, %parallel_loop3A_160 : i32
        %parallel_loop3A_321 = arith.index_cast %select_n3A_104 : i32 to index
        %parallel_loop3A_322 = arith.index_cast %parallel_loop3A_320 : i32 to index
        %parallel_loop3A_323 = arith.constant 48 : index
        %parallel_loop3A_324 = tpu.vector_load %arg6[%parallel_loop3A_321, %parallel_loop3A_322, %parallel_loop3A_323] {strides = array<i32>} : memref<5x128x128xf32, #tpu.memory_space<vmem>>, vector<1x1x16xf32>,
        %parallel_loop3A_325 = vector.shape_cast %parallel_loop3A_324 : vector<1x1x16xf32> to vector<16xf32>
        %parallel_loop3A_326 = tpu.bitcast %parallel_loop3A_318 : vector<16xf32> -> vector<16xi32>
        %parallel_loop3A_327 = tpu.bitcast %parallel_loop3A_325 : vector<16xf32> -> vector<16xi32>
        %parallel_loop3A_328 = arith.constant 32767 : i32
        %parallel_loop3A_329 = vector.broadcast %parallel_loop3A_328 : i32 to vector<16xi32>
        %parallel_loop3A_330 = arith.addi %parallel_loop3A_326, %parallel_loop3A_329 : vector<16xi32>
        %parallel_loop3A_331 = arith.constant 16 : i32
        %parallel_loop3A_332 = vector.broadcast %parallel_loop3A_331 : i32 to vector<16xi32>
        %parallel_loop3A_333 = arith.shrsi %parallel_loop3A_326, %parallel_loop3A_332 : vector<16xi32>
        %parallel_loop3A_334 = arith.constant 1 : i32
        %parallel_loop3A_335 = vector.broadcast %parallel_loop3A_334 : i32 to vector<16xi32>
        %parallel_loop3A_336 = arith.andi %parallel_loop3A_333, %parallel_loop3A_335 : vector<16xi32>
        %parallel_loop3A_337 = arith.addi %parallel_loop3A_330, %parallel_loop3A_336 : vector<16xi32>
        %parallel_loop3A_338 = arith.constant 32767 : i32
        %parallel_loop3A_339 = vector.broadcast %parallel_loop3A_338 : i32 to vector<16xi32>
        %parallel_loop3A_340 = arith.addi %parallel_loop3A_327, %parallel_loop3A_339 : vector<16xi32>
        %parallel_loop3A_341 = arith.constant 16 : i32
        %parallel_loop3A_342 = vector.broadcast %parallel_loop3A_341 : i32 to vector<16xi32>
        %parallel_loop3A_343 = arith.shrsi %parallel_loop3A_327, %parallel_loop3A_342 : vector<16xi32>
        %parallel_loop3A_344 = arith.constant 1 : i32
        %parallel_loop3A_345 = vector.broadcast %parallel_loop3A_344 : i32 to vector<16xi32>
        %parallel_loop3A_346 = arith.andi %parallel_loop3A_343, %parallel_loop3A_345 : vector<16xi32>
        %parallel_loop3A_347 = arith.addi %parallel_loop3A_340, %parallel_loop3A_346 : vector<16xi32>
        %parallel_loop3A_348 = arith.constant -65536 : i32
        %parallel_loop3A_349 = vector.broadcast %parallel_loop3A_348 : i32 to vector<16xi32>
        %parallel_loop3A_350 = arith.andi %parallel_loop3A_347, %parallel_loop3A_349 : vector<16xi32>
        %parallel_loop3A_351 = arith.constant 16 : i32
        %parallel_loop3A_352 = vector.broadcast %parallel_loop3A_351 : i32 to vector<16xi32>
        %parallel_loop3A_353 = arith.shrsi %parallel_loop3A_337, %parallel_loop3A_352 : vector<16xi32>
        %parallel_loop3A_354 = arith.constant 65535 : i32
        %parallel_loop3A_355 = vector.broadcast %parallel_loop3A_354 : i32 to vector<16xi32>
        %parallel_loop3A_356 = arith.andi %parallel_loop3A_353, %parallel_loop3A_355 : vector<16xi32>
        %parallel_loop3A_357 = arith.ori %parallel_loop3A_350, %parallel_loop3A_356 : vector<16xi32>
        %parallel_loop3A_358 = tpu.bitcast %parallel_loop3A_357 : vector<16xi32> -> vector<16xf32>
        %parallel_loop3A_359 = arith.index_cast %select_n3A_120 : i32 to index
        %parallel_loop3A_360 = arith.index_cast %parallel_loop3A_160 : i32 to index
        %parallel_loop3A_361 = arith.constant 48 : index
        %parallel_loop3A_362 = tpu.vector_load %arg7[%parallel_loop3A_359, %parallel_loop3A_360, %parallel_loop3A_361] {strides = array<i32>} : memref<4x64x128xf32, #tpu.memory_space<vmem>>, vector<1x1x16xf32>,
        %parallel_loop3A_363 = vector.shape_cast %parallel_loop3A_362 : vector<1x1x16xf32> to vector<16xf32>
        %parallel_loop3A_364 = vector.shape_cast %parallel_loop3A_358 : vector<16xf32> to vector<1x1x16xf32>
        tpu.vector_store %arg7[%parallel_loop3A_359, %parallel_loop3A_360, %parallel_loop3A_361], %parallel_loop3A_364 {strides = array<i32>} : memref<4x64x128xf32, #tpu.memory_space<vmem>>, vector<1x1x16xf32>,
        %parallel_loop3A_365 = arith.index_cast %select_n3A_104 : i32 to index
        %parallel_loop3A_366 = arith.index_cast %parallel_loop3A_160 : i32 to index
        %parallel_loop3A_367 = arith.constant 64 : index
        %parallel_loop3A_368 = tpu.vector_load %arg6[%parallel_loop3A_365, %parallel_loop3A_366, %parallel_loop3A_367] {strides = array<i32>} : memref<5x128x128xf32, #tpu.memory_space<vmem>>, vector<1x1x16xf32>,
        %parallel_loop3A_369 = vector.shape_cast %parallel_loop3A_368 : vector<1x1x16xf32> to vector<16xf32>
        %parallel_loop3A_370 = arith.constant 64 : i32
        %parallel_loop3A_371 = arith.addi %parallel_loop3A_370, %parallel_loop3A_160 : i32
        %parallel_loop3A_372 = arith.index_cast %select_n3A_104 : i32 to index
        %parallel_loop3A_373 = arith.index_cast %parallel_loop3A_371 : i32 to index
        %parallel_loop3A_374 = arith.constant 64 : index
        %parallel_loop3A_375 = tpu.vector_load %arg6[%parallel_loop3A_372, %parallel_loop3A_373, %parallel_loop3A_374] {strides = array<i32>} : memref<5x128x128xf32, #tpu.memory_space<vmem>>, vector<1x1x16xf32>,
        %parallel_loop3A_376 = vector.shape_cast %parallel_loop3A_375 : vector<1x1x16xf32> to vector<16xf32>
        %parallel_loop3A_377 = tpu.bitcast %parallel_loop3A_369 : vector<16xf32> -> vector<16xi32>
        %parallel_loop3A_378 = tpu.bitcast %parallel_loop3A_376 : vector<16xf32> -> vector<16xi32>
        %parallel_loop3A_379 = arith.constant 32767 : i32
        %parallel_loop3A_380 = vector.broadcast %parallel_loop3A_379 : i32 to vector<16xi32>
        %parallel_loop3A_381 = arith.addi %parallel_loop3A_377, %parallel_loop3A_380 : vector<16xi32>
        %parallel_loop3A_382 = arith.constant 16 : i32
        %parallel_loop3A_383 = vector.broadcast %parallel_loop3A_382 : i32 to vector<16xi32>
        %parallel_loop3A_384 = arith.shrsi %parallel_loop3A_377, %parallel_loop3A_383 : vector<16xi32>
        %parallel_loop3A_385 = arith.constant 1 : i32
        %parallel_loop3A_386 = vector.broadcast %parallel_loop3A_385 : i32 to vector<16xi32>
        %parallel_loop3A_387 = arith.andi %parallel_loop3A_384, %parallel_loop3A_386 : vector<16xi32>
        %parallel_loop3A_388 = arith.addi %parallel_loop3A_381, %parallel_loop3A_387 : vector<16xi32>
        %parallel_loop3A_389 = arith.constant 32767 : i32
        %parallel_loop3A_390 = vector.broadcast %parallel_loop3A_389 : i32 to vector<16xi32>
        %parallel_loop3A_391 = arith.addi %parallel_loop3A_378, %parallel_loop3A_390 : vector<16xi32>
        %parallel_loop3A_392 = arith.constant 16 : i32
        %parallel_loop3A_393 = vector.broadcast %parallel_loop3A_392 : i32 to vector<16xi32>
        %parallel_loop3A_394 = arith.shrsi %parallel_loop3A_378, %parallel_loop3A_393 : vector<16xi32>
        %parallel_loop3A_395 = arith.constant 1 : i32
        %parallel_loop3A_396 = vector.broadcast %parallel_loop3A_395 : i32 to vector<16xi32>
        %parallel_loop3A_397 = arith.andi %parallel_loop3A_394, %parallel_loop3A_396 : vector<16xi32>
        %parallel_loop3A_398 = arith.addi %parallel_loop3A_391, %parallel_loop3A_397 : vector<16xi32>
        %parallel_loop3A_399 = arith.constant -65536 : i32
        %parallel_loop3A_400 = vector.broadcast %parallel_loop3A_399 : i32 to vector<16xi32>
        %parallel_loop3A_401 = arith.andi %parallel_loop3A_398, %parallel_loop3A_400 : vector<16xi32>
        %parallel_loop3A_402 = arith.constant 16 : i32
        %parallel_loop3A_403 = vector.broadcast %parallel_loop3A_402 : i32 to vector<16xi32>
        %parallel_loop3A_404 = arith.shrsi %parallel_loop3A_388, %parallel_loop3A_403 : vector<16xi32>
        %parallel_loop3A_405 = arith.constant 65535 : i32
        %parallel_loop3A_406 = vector.broadcast %parallel_loop3A_405 : i32 to vector<16xi32>
        %parallel_loop3A_407 = arith.andi %parallel_loop3A_404, %parallel_loop3A_406 : vector<16xi32>
        %parallel_loop3A_408 = arith.ori %parallel_loop3A_401, %parallel_loop3A_407 : vector<16xi32>
        %parallel_loop3A_409 = tpu.bitcast %parallel_loop3A_408 : vector<16xi32> -> vector<16xf32>
        %parallel_loop3A_410 = arith.index_cast %select_n3A_120 : i32 to index
        %parallel_loop3A_411 = arith.index_cast %parallel_loop3A_160 : i32 to index
        %parallel_loop3A_412 = arith.constant 64 : index
        %parallel_loop3A_413 = tpu.vector_load %arg7[%parallel_loop3A_410, %parallel_loop3A_411, %parallel_loop3A_412] {strides = array<i32>} : memref<4x64x128xf32, #tpu.memory_space<vmem>>, vector<1x1x16xf32>,
        %parallel_loop3A_414 = vector.shape_cast %parallel_loop3A_413 : vector<1x1x16xf32> to vector<16xf32>
        %parallel_loop3A_415 = vector.shape_cast %parallel_loop3A_409 : vector<16xf32> to vector<1x1x16xf32>
        tpu.vector_store %arg7[%parallel_loop3A_410, %parallel_loop3A_411, %parallel_loop3A_412], %parallel_loop3A_415 {strides = array<i32>} : memref<4x64x128xf32, #tpu.memory_space<vmem>>, vector<1x1x16xf32>,
        %parallel_loop3A_416 = arith.index_cast %select_n3A_104 : i32 to index
        %parallel_loop3A_417 = arith.index_cast %parallel_loop3A_160 : i32 to index
        %parallel_loop3A_418 = arith.constant 80 : index
        %parallel_loop3A_419 = tpu.vector_load %arg6[%parallel_loop3A_416, %parallel_loop3A_417, %parallel_loop3A_418] {strides = array<i32>} : memref<5x128x128xf32, #tpu.memory_space<vmem>>, vector<1x1x16xf32>,
        %parallel_loop3A_420 = vector.shape_cast %parallel_loop3A_419 : vector<1x1x16xf32> to vector<16xf32>
        %parallel_loop3A_421 = arith.constant 64 : i32
        %parallel_loop3A_422 = arith.addi %parallel_loop3A_421, %parallel_loop3A_160 : i32
        %parallel_loop3A_423 = arith.index_cast %select_n3A_104 : i32 to index
        %parallel_loop3A_424 = arith.index_cast %parallel_loop3A_422 : i32 to index
        %parallel_loop3A_425 = arith.constant 80 : index
        %parallel_loop3A_426 = tpu.vector_load %arg6[%parallel_loop3A_423, %parallel_loop3A_424, %parallel_loop3A_425] {strides = array<i32>} : memref<5x128x128xf32, #tpu.memory_space<vmem>>, vector<1x1x16xf32>,
        %parallel_loop3A_427 = vector.shape_cast %parallel_loop3A_426 : vector<1x1x16xf32> to vector<16xf32>
        %parallel_loop3A_428 = tpu.bitcast %parallel_loop3A_420 : vector<16xf32> -> vector<16xi32>
        %parallel_loop3A_429 = tpu.bitcast %parallel_loop3A_427 : vector<16xf32> -> vector<16xi32>
        %parallel_loop3A_430 = arith.constant 32767 : i32
        %parallel_loop3A_431 = vector.broadcast %parallel_loop3A_430 : i32 to vector<16xi32>
        %parallel_loop3A_432 = arith.addi %parallel_loop3A_428, %parallel_loop3A_431 : vector<16xi32>
        %parallel_loop3A_433 = arith.constant 16 : i32
        %parallel_loop3A_434 = vector.broadcast %parallel_loop3A_433 : i32 to vector<16xi32>
        %parallel_loop3A_435 = arith.shrsi %parallel_loop3A_428, %parallel_loop3A_434 : vector<16xi32>
        %parallel_loop3A_436 = arith.constant 1 : i32
        %parallel_loop3A_437 = vector.broadcast %parallel_loop3A_436 : i32 to vector<16xi32>
        %parallel_loop3A_438 = arith.andi %parallel_loop3A_435, %parallel_loop3A_437 : vector<16xi32>
        %parallel_loop3A_439 = arith.addi %parallel_loop3A_432, %parallel_loop3A_438 : vector<16xi32>
        %parallel_loop3A_440 = arith.constant 32767 : i32
        %parallel_loop3A_441 = vector.broadcast %parallel_loop3A_440 : i32 to vector<16xi32>
        %parallel_loop3A_442 = arith.addi %parallel_loop3A_429, %parallel_loop3A_441 : vector<16xi32>
        %parallel_loop3A_443 = arith.constant 16 : i32
        %parallel_loop3A_444 = vector.broadcast %parallel_loop3A_443 : i32 to vector<16xi32>
        %parallel_loop3A_445 = arith.shrsi %parallel_loop3A_429, %parallel_loop3A_444 : vector<16xi32>
        %parallel_loop3A_446 = arith.constant 1 : i32
        %parallel_loop3A_447 = vector.broadcast %parallel_loop3A_446 : i32 to vector<16xi32>
        %parallel_loop3A_448 = arith.andi %parallel_loop3A_445, %parallel_loop3A_447 : vector<16xi32>
        %parallel_loop3A_449 = arith.addi %parallel_loop3A_442, %parallel_loop3A_448 : vector<16xi32>
        %parallel_loop3A_450 = arith.constant -65536 : i32
        %parallel_loop3A_451 = vector.broadcast %parallel_loop3A_450 : i32 to vector<16xi32>
        %parallel_loop3A_452 = arith.andi %parallel_loop3A_449, %parallel_loop3A_451 : vector<16xi32>
        %parallel_loop3A_453 = arith.constant 16 : i32
        %parallel_loop3A_454 = vector.broadcast %parallel_loop3A_453 : i32 to vector<16xi32>
        %parallel_loop3A_455 = arith.shrsi %parallel_loop3A_439, %parallel_loop3A_454 : vector<16xi32>
        %parallel_loop3A_456 = arith.constant 65535 : i32
        %parallel_loop3A_457 = vector.broadcast %parallel_loop3A_456 : i32 to vector<16xi32>
        %parallel_loop3A_458 = arith.andi %parallel_loop3A_455, %parallel_loop3A_457 : vector<16xi32>
        %parallel_loop3A_459 = arith.ori %parallel_loop3A_452, %parallel_loop3A_458 : vector<16xi32>
        %parallel_loop3A_460 = tpu.bitcast %parallel_loop3A_459 : vector<16xi32> -> vector<16xf32>
        %parallel_loop3A_461 = arith.index_cast %select_n3A_120 : i32 to index
        %parallel_loop3A_462 = arith.index_cast %parallel_loop3A_160 : i32 to index
        %parallel_loop3A_463 = arith.constant 80 : index
        %parallel_loop3A_464 = tpu.vector_load %arg7[%parallel_loop3A_461, %parallel_loop3A_462, %parallel_loop3A_463] {strides = array<i32>} : memref<4x64x128xf32, #tpu.memory_space<vmem>>, vector<1x1x16xf32>,
        %parallel_loop3A_465 = vector.shape_cast %parallel_loop3A_464 : vector<1x1x16xf32> to vector<16xf32>
        %parallel_loop3A_466 = vector.shape_cast %parallel_loop3A_460 : vector<16xf32> to vector<1x1x16xf32>
        tpu.vector_store %arg7[%parallel_loop3A_461, %parallel_loop3A_462, %parallel_loop3A_463], %parallel_loop3A_466 {strides = array<i32>} : memref<4x64x128xf32, #tpu.memory_space<vmem>>, vector<1x1x16xf32>,
        %parallel_loop3A_467 = arith.index_cast %select_n3A_104 : i32 to index
        %parallel_loop3A_468 = arith.index_cast %parallel_loop3A_160 : i32 to index
        %parallel_loop3A_469 = arith.constant 96 : index
        %parallel_loop3A_470 = tpu.vector_load %arg6[%parallel_loop3A_467, %parallel_loop3A_468, %parallel_loop3A_469] {strides = array<i32>} : memref<5x128x128xf32, #tpu.memory_space<vmem>>, vector<1x1x16xf32>,
        %parallel_loop3A_471 = vector.shape_cast %parallel_loop3A_470 : vector<1x1x16xf32> to vector<16xf32>
        %parallel_loop3A_472 = arith.constant 64 : i32
        %parallel_loop3A_473 = arith.addi %parallel_loop3A_472, %parallel_loop3A_160 : i32
        %parallel_loop3A_474 = arith.index_cast %select_n3A_104 : i32 to index
        %parallel_loop3A_475 = arith.index_cast %parallel_loop3A_473 : i32 to index
        %parallel_loop3A_476 = arith.constant 96 : index
        %parallel_loop3A_477 = tpu.vector_load %arg6[%parallel_loop3A_474, %parallel_loop3A_475, %parallel_loop3A_476] {strides = array<i32>} : memref<5x128x128xf32, #tpu.memory_space<vmem>>, vector<1x1x16xf32>,
        %parallel_loop3A_478 = vector.shape_cast %parallel_loop3A_477 : vector<1x1x16xf32> to vector<16xf32>
        %parallel_loop3A_479 = tpu.bitcast %parallel_loop3A_471 : vector<16xf32> -> vector<16xi32>
        %parallel_loop3A_480 = tpu.bitcast %parallel_loop3A_478 : vector<16xf32> -> vector<16xi32>
        %parallel_loop3A_481 = arith.constant 32767 : i32
        %parallel_loop3A_482 = vector.broadcast %parallel_loop3A_481 : i32 to vector<16xi32>
        %parallel_loop3A_483 = arith.addi %parallel_loop3A_479, %parallel_loop3A_482 : vector<16xi32>
        %parallel_loop3A_484 = arith.constant 16 : i32
        %parallel_loop3A_485 = vector.broadcast %parallel_loop3A_484 : i32 to vector<16xi32>
        %parallel_loop3A_486 = arith.shrsi %parallel_loop3A_479, %parallel_loop3A_485 : vector<16xi32>
        %parallel_loop3A_487 = arith.constant 1 : i32
        %parallel_loop3A_488 = vector.broadcast %parallel_loop3A_487 : i32 to vector<16xi32>
        %parallel_loop3A_489 = arith.andi %parallel_loop3A_486, %parallel_loop3A_488 : vector<16xi32>
        %parallel_loop3A_490 = arith.addi %parallel_loop3A_483, %parallel_loop3A_489 : vector<16xi32>
        %parallel_loop3A_491 = arith.constant 32767 : i32
        %parallel_loop3A_492 = vector.broadcast %parallel_loop3A_491 : i32 to vector<16xi32>
        %parallel_loop3A_493 = arith.addi %parallel_loop3A_480, %parallel_loop3A_492 : vector<16xi32>
        %parallel_loop3A_494 = arith.constant 16 : i32
        %parallel_loop3A_495 = vector.broadcast %parallel_loop3A_494 : i32 to vector<16xi32>
        %parallel_loop3A_496 = arith.shrsi %parallel_loop3A_480, %parallel_loop3A_495 : vector<16xi32>
        %parallel_loop3A_497 = arith.constant 1 : i32
        %parallel_loop3A_498 = vector.broadcast %parallel_loop3A_497 : i32 to vector<16xi32>
        %parallel_loop3A_499 = arith.andi %parallel_loop3A_496, %parallel_loop3A_498 : vector<16xi32>
        %parallel_loop3A_500 = arith.addi %parallel_loop3A_493, %parallel_loop3A_499 : vector<16xi32>
        %parallel_loop3A_501 = arith.constant -65536 : i32
        %parallel_loop3A_502 = vector.broadcast %parallel_loop3A_501 : i32 to vector<16xi32>
        %parallel_loop3A_503 = arith.andi %parallel_loop3A_500, %parallel_loop3A_502 : vector<16xi32>
        %parallel_loop3A_504 = arith.constant 16 : i32
        %parallel_loop3A_505 = vector.broadcast %parallel_loop3A_504 : i32 to vector<16xi32>
        %parallel_loop3A_506 = arith.shrsi %parallel_loop3A_490, %parallel_loop3A_505 : vector<16xi32>
        %parallel_loop3A_507 = arith.constant 65535 : i32
        %parallel_loop3A_508 = vector.broadcast %parallel_loop3A_507 : i32 to vector<16xi32>
        %parallel_loop3A_509 = arith.andi %parallel_loop3A_506, %parallel_loop3A_508 : vector<16xi32>
        %parallel_loop3A_510 = arith.ori %parallel_loop3A_503, %parallel_loop3A_509 : vector<16xi32>
        %parallel_loop3A_511 = tpu.bitcast %parallel_loop3A_510 : vector<16xi32> -> vector<16xf32>
        %parallel_loop3A_512 = arith.index_cast %select_n3A_120 : i32 to index
        %parallel_loop3A_513 = arith.index_cast %parallel_loop3A_160 : i32 to index
        %parallel_loop3A_514 = arith.constant 96 : index
        %parallel_loop3A_515 = tpu.vector_load %arg7[%parallel_loop3A_512, %parallel_loop3A_513, %parallel_loop3A_514] {strides = array<i32>} : memref<4x64x128xf32, #tpu.memory_space<vmem>>, vector<1x1x16xf32>,
        %parallel_loop3A_516 = vector.shape_cast %parallel_loop3A_515 : vector<1x1x16xf32> to vector<16xf32>
        %parallel_loop3A_517 = vector.shape_cast %parallel_loop3A_511 : vector<16xf32> to vector<1x1x16xf32>
        tpu.vector_store %arg7[%parallel_loop3A_512, %parallel_loop3A_513, %parallel_loop3A_514], %parallel_loop3A_517 {strides = array<i32>} : memref<4x64x128xf32, #tpu.memory_space<vmem>>, vector<1x1x16xf32>,
        %parallel_loop3A_518 = arith.index_cast %select_n3A_104 : i32 to index
        %parallel_loop3A_519 = arith.index_cast %parallel_loop3A_160 : i32 to index
        %parallel_loop3A_520 = arith.constant 112 : index
        %parallel_loop3A_521 = tpu.vector_load %arg6[%parallel_loop3A_518, %parallel_loop3A_519, %parallel_loop3A_520] {strides = array<i32>} : memref<5x128x128xf32, #tpu.memory_space<vmem>>, vector<1x1x16xf32>,
        %parallel_loop3A_522 = vector.shape_cast %parallel_loop3A_521 : vector<1x1x16xf32> to vector<16xf32>
        %parallel_loop3A_523 = arith.constant 64 : i32
        %parallel_loop3A_524 = arith.addi %parallel_loop3A_523, %parallel_loop3A_160 : i32
        %parallel_loop3A_525 = arith.index_cast %select_n3A_104 : i32 to index
        %parallel_loop3A_526 = arith.index_cast %parallel_loop3A_524 : i32 to index
        %parallel_loop3A_527 = arith.constant 112 : index
        %parallel_loop3A_528 = tpu.vector_load %arg6[%parallel_loop3A_525, %parallel_loop3A_526, %parallel_loop3A_527] {strides = array<i32>} : memref<5x128x128xf32, #tpu.memory_space<vmem>>, vector<1x1x16xf32>,
        %parallel_loop3A_529 = vector.shape_cast %parallel_loop3A_528 : vector<1x1x16xf32> to vector<16xf32>
        %parallel_loop3A_530 = tpu.bitcast %parallel_loop3A_522 : vector<16xf32> -> vector<16xi32>
        %parallel_loop3A_531 = tpu.bitcast %parallel_loop3A_529 : vector<16xf32> -> vector<16xi32>
        %parallel_loop3A_532 = arith.constant 32767 : i32
        %parallel_loop3A_533 = vector.broadcast %parallel_loop3A_532 : i32 to vector<16xi32>
        %parallel_loop3A_534 = arith.addi %parallel_loop3A_530, %parallel_loop3A_533 : vector<16xi32>
        %parallel_loop3A_535 = arith.constant 16 : i32
        %parallel_loop3A_536 = vector.broadcast %parallel_loop3A_535 : i32 to vector<16xi32>
        %parallel_loop3A_537 = arith.shrsi %parallel_loop3A_530, %parallel_loop3A_536 : vector<16xi32>
        %parallel_loop3A_538 = arith.constant 1 : i32
        %parallel_loop3A_539 = vector.broadcast %parallel_loop3A_538 : i32 to vector<16xi32>
        %parallel_loop3A_540 = arith.andi %parallel_loop3A_537, %parallel_loop3A_539 : vector<16xi32>
        %parallel_loop3A_541 = arith.addi %parallel_loop3A_534, %parallel_loop3A_540 : vector<16xi32>
        %parallel_loop3A_542 = arith.constant 32767 : i32
        %parallel_loop3A_543 = vector.broadcast %parallel_loop3A_542 : i32 to vector<16xi32>
        %parallel_loop3A_544 = arith.addi %parallel_loop3A_531, %parallel_loop3A_543 : vector<16xi32>
        %parallel_loop3A_545 = arith.constant 16 : i32
        %parallel_loop3A_546 = vector.broadcast %parallel_loop3A_545 : i32 to vector<16xi32>
        %parallel_loop3A_547 = arith.shrsi %parallel_loop3A_531, %parallel_loop3A_546 : vector<16xi32>
        %parallel_loop3A_548 = arith.constant 1 : i32
        %parallel_loop3A_549 = vector.broadcast %parallel_loop3A_548 : i32 to vector<16xi32>
        %parallel_loop3A_550 = arith.andi %parallel_loop3A_547, %parallel_loop3A_549 : vector<16xi32>
        %parallel_loop3A_551 = arith.addi %parallel_loop3A_544, %parallel_loop3A_550 : vector<16xi32>
        %parallel_loop3A_552 = arith.constant -65536 : i32
        %parallel_loop3A_553 = vector.broadcast %parallel_loop3A_552 : i32 to vector<16xi32>
        %parallel_loop3A_554 = arith.andi %parallel_loop3A_551, %parallel_loop3A_553 : vector<16xi32>
        %parallel_loop3A_555 = arith.constant 16 : i32
        %parallel_loop3A_556 = vector.broadcast %parallel_loop3A_555 : i32 to vector<16xi32>
        %parallel_loop3A_557 = arith.shrsi %parallel_loop3A_541, %parallel_loop3A_556 : vector<16xi32>
        %parallel_loop3A_558 = arith.constant 65535 : i32
        %parallel_loop3A_559 = vector.broadcast %parallel_loop3A_558 : i32 to vector<16xi32>
        %parallel_loop3A_560 = arith.andi %parallel_loop3A_557, %parallel_loop3A_559 : vector<16xi32>
        %parallel_loop3A_561 = arith.ori %parallel_loop3A_554, %parallel_loop3A_560 : vector<16xi32>
        %parallel_loop3A_562 = tpu.bitcast %parallel_loop3A_561 : vector<16xi32> -> vector<16xf32>
        %parallel_loop3A_563 = arith.index_cast %select_n3A_120 : i32 to index
        %parallel_loop3A_564 = arith.index_cast %parallel_loop3A_160 : i32 to index
        %parallel_loop3A_565 = arith.constant 112 : index
        %parallel_loop3A_566 = tpu.vector_load %arg7[%parallel_loop3A_563, %parallel_loop3A_564, %parallel_loop3A_565] {strides = array<i32>} : memref<4x64x128xf32, #tpu.memory_space<vmem>>, vector<1x1x16xf32>,
        %parallel_loop3A_567 = vector.shape_cast %parallel_loop3A_566 : vector<1x1x16xf32> to vector<16xf32>
        %parallel_loop3A_568 = vector.shape_cast %parallel_loop3A_562 : vector<16xf32> to vector<1x1x16xf32>
        tpu.vector_store %arg7[%parallel_loop3A_563, %parallel_loop3A_564, %parallel_loop3A_565], %parallel_loop3A_568 {strides = array<i32>} : memref<4x64x128xf32, #tpu.memory_space<vmem>>, vector<1x1x16xf32>,
      } {sc.loop_unroll_factor = 8 : i64, sc.parallel_access}
      %jit3A_123 = arith.constant 4 : i32
      %eq3A_124 = arith.constant 0 : i32
      %eq3A_125 = arith.cmpi eq, %jit3A_123, %eq3A_124 : i32
      %jit3A_126 = arith.constant 1 : i32
      %select_n3A_127 = arith.select %eq3A_125, %jit3A_126, %jit3A_123 : i32
      %rem3A_128 = arith.remsi %while3A_65, %select_n3A_127 : i32
      %ne3A_129 = arith.constant 0 : i32
      %ne3A_130 = arith.cmpi ne, %rem3A_128, %ne3A_129 : i32
      %lt3A_131 = arith.constant 0 : i32
      %lt3A_132 = arith.cmpi slt, %rem3A_128, %lt3A_131 : i32
      %lt3A_133 = arith.constant 0 : i32
      %lt3A_134 = arith.cmpi slt, %select_n3A_127, %lt3A_133 : i32
      %ne3A_135 = arith.xori %lt3A_132, %lt3A_134 : i1
      %and3A_136 = arith.andi %ne3A_135, %ne3A_130 : i1
      %add3A_137 = arith.addi %rem3A_128, %select_n3A_127 : i32
      %select_n3A_138 = arith.select %and3A_136, %add3A_137, %rem3A_128 : i32
      %mul3A_139 = arith.constant 64 : i32
      %mul3A_140 = arith.muli %while3A_65, %mul3A_139 : i32
      %add3A_141 = arith.addi %multiple_of3A_11, %mul3A_140 : i32
      %dma_start3A_142 = arith.constant 0 : i32
      %dma_start3A_143 = arith.constant 0 : i32
      %dma_start3A_144 = tpu.memref_slice %arg7[%select_n3A_138, %dma_start3A_142, %dma_start3A_143] : memref<4x64x128xf32, #tpu.memory_space<vmem>> -> memref<1x64x128xf32, #tpu.memory_space<vmem>>
      %dma_start3A_145 = tpu.memref_squeeze %dma_start3A_144 : memref<1x64x128xf32, #tpu.memory_space<vmem>> -> memref<64x128xf32, #tpu.memory_space<vmem>>
      %dma_start3A_146 = arith.constant 0 : i32
      %dma_start3A_147 = tpu.memref_slice %arg4[%add3A_141, %dma_start3A_146] : memref<112896x128xf32, #tpu.memory_space<hbm>> -> memref<64x128xf32, #tpu.memory_space<hbm>>
      %dma_start3A_148 = arith.constant 0 : i32
      %dma_start3A_149 = tpu.memref_slice %arg4[%add3A_141, %dma_start3A_148] : memref<112896x128xf32, #tpu.memory_space<hbm>> -> memref<64x128xf32, #tpu.memory_space<hbm>>
      %dma_start3A_150 = arith.constant 0 : i32
      %dma_start3A_151 = arith.constant 0 : i32
      %dma_start3A_152 = tpu.memref_slice %arg7[%select_n3A_138, %dma_start3A_150, %dma_start3A_151] : memref<4x64x128xf32, #tpu.memory_space<vmem>> -> memref<1x64x128xf32, #tpu.memory_space<vmem>>
      %dma_start3A_153 = tpu.memref_squeeze %dma_start3A_152 : memref<1x64x128xf32, #tpu.memory_space<vmem>> -> memref<64x128xf32, #tpu.memory_space<vmem>>
      tpu.enqueue_dma source(%dma_start3A_153 : memref<64x128xf32, #tpu.memory_space<vmem>>) target(%dma_start3A_149 : memref<64x128xf32, #tpu.memory_space<hbm>>) target_semaphore(%arg9 : memref<!tpu.dma_semaphore, #tpu.memory_space<semaphore_mem>>)
      %add3A_154 = arith.constant 4 : i32
      %add3A_155 = arith.addi %while3A_65, %add3A_154 : i32
      %lt3A_156 = arith.cmpi slt, %add3A_155, %select_n3A : i32
      %convert_element_type3A_157 = arith.extui %lt3A_156 : i1 to i32
      %cond3A_158 = arith.constant 0 : i32
      %cond3A_159 = arith.cmpi ne, %convert_element_type3A_157, %cond3A_158 : i32
      scf.if %cond3A_159 {
        %add3A_160 = arith.constant 4 : i32
        %add3A_161 = arith.addi %while3A_65, %add3A_160 : i32
        %mul3A_162 = arith.constant 128 : i32
        %mul3A_163 = arith.muli %add3A_161, %mul3A_162 : i32
        %jit3A_164 = arith.constant 5 : i32
        %eq3A_165 = arith.constant 0 : i32
        %eq3A_166 = arith.cmpi eq, %jit3A_164, %eq3A_165 : i32
        %jit3A_167 = arith.constant 1 : i32
        %select_n3A_168 = arith.select %eq3A_166, %jit3A_167, %jit3A_164 : i32
        %rem3A_169 = arith.remsi %add3A_161, %select_n3A_168 : i32
        %ne3A_170 = arith.constant 0 : i32
        %ne3A_171 = arith.cmpi ne, %rem3A_169, %ne3A_170 : i32
        %lt3A_172 = arith.constant 0 : i32
        %lt3A_173 = arith.cmpi slt, %rem3A_169, %lt3A_172 : i32
        %lt3A_174 = arith.constant 0 : i32
        %lt3A_175 = arith.cmpi slt, %select_n3A_168, %lt3A_174 : i32
        %ne3A_176 = arith.xori %lt3A_173, %lt3A_175 : i1
        %and3A_177 = arith.andi %ne3A_176, %ne3A_171 : i1
        %add3A_178 = arith.addi %rem3A_169, %select_n3A_168 : i32
        %select_n3A_179 = arith.select %and3A_177, %add3A_178, %rem3A_169 : i32
        %dma_start3A_180 = arith.constant 0 : i32
        %dma_start3A_181 = arith.constant 0 : i32
        %dma_start3A_182 = tpu.memref_slice %arg6[%select_n3A_179, %dma_start3A_180, %dma_start3A_181] : memref<5x128x128xf32, #tpu.memory_space<vmem>> -> memref<1x128x128xf32, #tpu.memory_space<vmem>>
        %dma_start3A_183 = tpu.memref_squeeze %dma_start3A_182 : memref<1x128x128xf32, #tpu.memory_space<vmem>> -> memref<128x128xf32, #tpu.memory_space<vmem>>
        %dma_start3A_184 = tpu.memref_slice %arg5[%mul3A_163] : memref<7168xi32, #tpu.memory_space<vmem>> -> memref<128xi32, #tpu.memory_space<vmem>>
        %dma_start3A_185 = arith.constant 0 : i32
        %dma_start3A_186 = arith.constant 0 : i32
        %dma_start3A_187 = tpu.memref_slice %arg3[%dma_start3A_185, %dma_start3A_186] : memref<100000x128xf32, #tpu.memory_space<hbm>> -> memref<100000x128xf32, #tpu.memory_space<hbm>>
        tpu.enqueue_indirect_dma source(%dma_start3A_187 : memref<100000x128xf32, #tpu.memory_space<hbm>>) target(%dma_start3A_183 : memref<128x128xf32, #tpu.memory_space<vmem>>) offsets(%dma_start3A_184 : memref<128xi32, #tpu.memory_space<vmem>>) semaphore(%arg8 : memref<!tpu.dma_semaphore, #tpu.memory_space<semaphore_mem>>)
      } else {
      }
    }
    %while3A_59 = arith.constant 1 : i32
    scf.for %while3A_65 = %while3A_57 to %while3A_53 step %while3A_59  : i32 {
      %mul3A_66 = arith.constant 128 : i32
      %mul3A_67 = arith.muli %while3A_65, %mul3A_66 : i32
      %jit3A_68 = arith.constant 5 : i32
      %eq3A = arith.constant 0 : i32
      %eq3A_69 = arith.cmpi eq, %jit3A_68, %eq3A : i32
      %jit3A_70 = arith.constant 1 : i32
      %select_n3A_71 = arith.select %eq3A_69, %jit3A_70, %jit3A_68 : i32
      %rem3A = arith.remsi %while3A_65, %select_n3A_71 : i32
      %ne3A = arith.constant 0 : i32
      %ne3A_72 = arith.cmpi ne, %rem3A, %ne3A : i32
      %lt3A_73 = arith.constant 0 : i32
      %lt3A_74 = arith.cmpi slt, %rem3A, %lt3A_73 : i32
      %lt3A_75 = arith.constant 0 : i32
      %lt3A_76 = arith.cmpi slt, %select_n3A_71, %lt3A_75 : i32
      %ne3A_77 = arith.xori %lt3A_74, %lt3A_76 : i1
      %and3A = arith.andi %ne3A_77, %ne3A_72 : i1
      %add3A_78 = arith.addi %rem3A, %select_n3A_71 : i32
      %select_n3A_79 = arith.select %and3A, %add3A_78, %rem3A : i32
      %dma_wait3A = arith.constant 0 : i32
      %dma_wait3A_80 = arith.constant 0 : i32
      %dma_wait3A_81 = tpu.memref_slice %arg6[%select_n3A_79, %dma_wait3A, %dma_wait3A_80] : memref<5x128x128xf32, #tpu.memory_space<vmem>> -> memref<1x128x128xf32, #tpu.memory_space<vmem>>
      %dma_wait3A_82 = tpu.memref_squeeze %dma_wait3A_81 : memref<1x128x128xf32, #tpu.memory_space<vmem>> -> memref<128x128xf32, #tpu.memory_space<vmem>>
      %dma_wait3A_83 = tpu.memref_slice %arg5[%mul3A_67] : memref<7168xi32, #tpu.memory_space<vmem>> -> memref<128xi32, #tpu.memory_space<vmem>>
      %dma_wait3A_84 = arith.constant 0 : i32
      %dma_wait3A_85 = arith.constant 0 : i32
      %dma_wait3A_86 = tpu.memref_slice %arg3[%dma_wait3A_84, %dma_wait3A_85] : memref<100000x128xf32, #tpu.memory_space<hbm>> -> memref<100000x128xf32, #tpu.memory_space<hbm>>
      tpu.wait_indirect_dma semaphore(%arg8 : memref<!tpu.dma_semaphore, #tpu.memory_space<semaphore_mem>>) src(%dma_wait3A_86 : memref<100000x128xf32, #tpu.memory_space<hbm>>) dst(%dma_wait3A_82 : memref<128x128xf32, #tpu.memory_space<vmem>>)
      %ge3A = arith.constant 3 : i32
      %ge3A_87 = arith.cmpi sge, %while3A_65, %ge3A : i32
      %convert_element_type3A = arith.extui %ge3A_87 : i1 to i32
      %cond3A = arith.constant 0 : i32
      %cond3A_88 = arith.cmpi ne, %convert_element_type3A, %cond3A : i32
      scf.if %cond3A_88 {
        %sub3A = arith.constant 3 : i32
        %sub3A_160 = arith.subi %while3A_65, %sub3A : i32
        %jit3A_161 = arith.constant 4 : i32
        %eq3A_162 = arith.constant 0 : i32
        %eq3A_163 = arith.cmpi eq, %jit3A_161, %eq3A_162 : i32
        %jit3A_164 = arith.constant 1 : i32
        %select_n3A_165 = arith.select %eq3A_163, %jit3A_164, %jit3A_161 : i32
        %rem3A_166 = arith.remsi %sub3A_160, %select_n3A_165 : i32
        %ne3A_167 = arith.constant 0 : i32
        %ne3A_168 = arith.cmpi ne, %rem3A_166, %ne3A_167 : i32
        %lt3A_169 = arith.constant 0 : i32
        %lt3A_170 = arith.cmpi slt, %rem3A_166, %lt3A_169 : i32
        %lt3A_171 = arith.constant 0 : i32
        %lt3A_172 = arith.cmpi slt, %select_n3A_165, %lt3A_171 : i32
        %ne3A_173 = arith.xori %lt3A_170, %lt3A_172 : i1
        %and3A_174 = arith.andi %ne3A_173, %ne3A_168 : i1
        %add3A_175 = arith.addi %rem3A_166, %select_n3A_165 : i32
        %select_n3A_176 = arith.select %and3A_174, %add3A_175, %rem3A_166 : i32
        %mul3A_177 = arith.constant 64 : i32
        %mul3A_178 = arith.muli %sub3A_160, %mul3A_177 : i32
        %add3A_179 = arith.addi %multiple_of3A_11, %mul3A_178 : i32
        %dma_wait3A_180 = arith.constant 0 : i32
        %dma_wait3A_181 = arith.constant 0 : i32
        %dma_wait3A_182 = tpu.memref_slice %arg7[%select_n3A_176, %dma_wait3A_180, %dma_wait3A_181] : memref<4x64x128xf32, #tpu.memory_space<vmem>> -> memref<1x64x128xf32, #tpu.memory_space<vmem>>
        %dma_wait3A_183 = tpu.memref_squeeze %dma_wait3A_182 : memref<1x64x128xf32, #tpu.memory_space<vmem>> -> memref<64x128xf32, #tpu.memory_space<vmem>>
        %dma_wait3A_184 = arith.constant 0 : i32
        %dma_wait3A_185 = tpu.memref_slice %arg4[%add3A_179, %dma_wait3A_184] : memref<112896x128xf32, #tpu.memory_space<hbm>> -> memref<64x128xf32, #tpu.memory_space<hbm>>
        %dma_wait3A_186 = arith.constant 0 : i32
        %dma_wait3A_187 = tpu.memref_slice %arg4[%add3A_179, %dma_wait3A_186] : memref<112896x128xf32, #tpu.memory_space<hbm>> -> memref<64x128xf32, #tpu.memory_space<hbm>>
        %dma_wait3A_188 = arith.constant 0 : i32
        %dma_wait3A_189 = arith.constant 0 : i32
        %dma_wait3A_190 = tpu.memref_slice %arg7[%select_n3A_176, %dma_wait3A_188, %dma_wait3A_189] : memref<4x64x128xf32, #tpu.memory_space<vmem>> -> memref<1x64x128xf32, #tpu.memory_space<vmem>>
        %dma_wait3A_191 = tpu.memref_squeeze %dma_wait3A_190 : memref<1x64x128xf32, #tpu.memory_space<vmem>> -> memref<64x128xf32, #tpu.memory_space<vmem>>
        tpu.wait_dma2 semaphore(%arg9 : memref<!tpu.dma_semaphore, #tpu.memory_space<semaphore_mem>>) src(%dma_wait3A_191 : memref<64x128xf32, #tpu.memory_space<vmem>>) dst(%dma_wait3A_187 : memref<64x128xf32, #tpu.memory_space<hbm>>)
      } else {
      }
      %jit3A_89 = arith.constant 5 : i32
      %eq3A_90 = arith.constant 0 : i32
      %eq3A_91 = arith.cmpi eq, %jit3A_89, %eq3A_90 : i32
      %jit3A_92 = arith.constant 1 : i32
      %select_n3A_93 = arith.select %eq3A_91, %jit3A_92, %jit3A_89 : i32
      %rem3A_94 = arith.remsi %while3A_65, %select_n3A_93 : i32
      %ne3A_95 = arith.constant 0 : i32
      %ne3A_96 = arith.cmpi ne, %rem3A_94, %ne3A_95 : i32
      %lt3A_97 = arith.constant 0 : i32
      %lt3A_98 = arith.cmpi slt, %rem3A_94, %lt3A_97 : i32
      %lt3A_99 = arith.constant 0 : i32
      %lt3A_100 = arith.cmpi slt, %select_n3A_93, %lt3A_99 : i32
      %ne3A_101 = arith.xori %lt3A_98, %lt3A_100 : i1
      %and3A_102 = arith.andi %ne3A_101, %ne3A_96 : i1
      %add3A_103 = arith.addi %rem3A_94, %select_n3A_93 : i32
      %select_n3A_104 = arith.select %and3A_102, %add3A_103, %rem3A_94 : i32
      %jit3A_105 = arith.constant 4 : i32
      %eq3A_106 = arith.constant 0 : i32
      %eq3A_107 = arith.cmpi eq, %jit3A_105, %eq3A_106 : i32
      %jit3A_108 = arith.constant 1 : i32
      %select_n3A_109 = arith.select %eq3A_107, %jit3A_108, %jit3A_105 : i32
      %rem3A_110 = arith.remsi %while3A_65, %select_n3A_109 : i32
      %ne3A_111 = arith.constant 0 : i32
      %ne3A_112 = arith.cmpi ne, %rem3A_110, %ne3A_111 : i32
      %lt3A_113 = arith.constant 0 : i32
      %lt3A_114 = arith.cmpi slt, %rem3A_110, %lt3A_113 : i32
      %lt3A_115 = arith.constant 0 : i32
      %lt3A_116 = arith.cmpi slt, %select_n3A_109, %lt3A_115 : i32
      %ne3A_117 = arith.xori %lt3A_114, %lt3A_116 : i1
      %and3A_118 = arith.andi %ne3A_117, %ne3A_112 : i1
      %add3A_119 = arith.addi %rem3A_110, %select_n3A_109 : i32
      %select_n3A_120 = arith.select %and3A_118, %add3A_119, %rem3A_110 : i32
      %parallel_loop3A = arith.constant 0 : i32
      %parallel_loop3A_121 = arith.constant 64 : i32
      %parallel_loop3A_122 = arith.constant 1 : i32
      scf.for %parallel_loop3A_160 = %parallel_loop3A to %parallel_loop3A_121 step %parallel_loop3A_122  : i32 {
        %parallel_loop3A_161 = arith.index_cast %select_n3A_104 : i32 to index
        %parallel_loop3A_162 = arith.index_cast %parallel_loop3A_160 : i32 to index
        %parallel_loop3A_163 = arith.constant 0 : index
        %parallel_loop3A_164 = tpu.vector_load %arg6[%parallel_loop3A_161, %parallel_loop3A_162, %parallel_loop3A_163] {strides = array<i32>} : memref<5x128x128xf32, #tpu.memory_space<vmem>>, vector<1x1x16xf32>,
        %parallel_loop3A_165 = vector.shape_cast %parallel_loop3A_164 : vector<1x1x16xf32> to vector<16xf32>
        %parallel_loop3A_166 = arith.constant 64 : i32
        %parallel_loop3A_167 = arith.addi %parallel_loop3A_166, %parallel_loop3A_160 : i32
        %parallel_loop3A_168 = arith.index_cast %select_n3A_104 : i32 to index
        %parallel_loop3A_169 = arith.index_cast %parallel_loop3A_167 : i32 to index
        %parallel_loop3A_170 = arith.constant 0 : index
        %parallel_loop3A_171 = tpu.vector_load %arg6[%parallel_loop3A_168, %parallel_loop3A_169, %parallel_loop3A_170] {strides = array<i32>} : memref<5x128x128xf32, #tpu.memory_space<vmem>>, vector<1x1x16xf32>,
        %parallel_loop3A_172 = vector.shape_cast %parallel_loop3A_171 : vector<1x1x16xf32> to vector<16xf32>
        %parallel_loop3A_173 = tpu.bitcast %parallel_loop3A_165 : vector<16xf32> -> vector<16xi32>
        %parallel_loop3A_174 = tpu.bitcast %parallel_loop3A_172 : vector<16xf32> -> vector<16xi32>
        %parallel_loop3A_175 = arith.constant 32767 : i32
        %parallel_loop3A_176 = vector.broadcast %parallel_loop3A_175 : i32 to vector<16xi32>
        %parallel_loop3A_177 = arith.addi %parallel_loop3A_173, %parallel_loop3A_176 : vector<16xi32>
        %parallel_loop3A_178 = arith.constant 16 : i32
        %parallel_loop3A_179 = vector.broadcast %parallel_loop3A_178 : i32 to vector<16xi32>
        %parallel_loop3A_180 = arith.shrsi %parallel_loop3A_173, %parallel_loop3A_179 : vector<16xi32>
        %parallel_loop3A_181 = arith.constant 1 : i32
        %parallel_loop3A_182 = vector.broadcast %parallel_loop3A_181 : i32 to vector<16xi32>
        %parallel_loop3A_183 = arith.andi %parallel_loop3A_180, %parallel_loop3A_182 : vector<16xi32>
        %parallel_loop3A_184 = arith.addi %parallel_loop3A_177, %parallel_loop3A_183 : vector<16xi32>
        %parallel_loop3A_185 = arith.constant 32767 : i32
        %parallel_loop3A_186 = vector.broadcast %parallel_loop3A_185 : i32 to vector<16xi32>
        %parallel_loop3A_187 = arith.addi %parallel_loop3A_174, %parallel_loop3A_186 : vector<16xi32>
        %parallel_loop3A_188 = arith.constant 16 : i32
        %parallel_loop3A_189 = vector.broadcast %parallel_loop3A_188 : i32 to vector<16xi32>
        %parallel_loop3A_190 = arith.shrsi %parallel_loop3A_174, %parallel_loop3A_189 : vector<16xi32>
        %parallel_loop3A_191 = arith.constant 1 : i32
        %parallel_loop3A_192 = vector.broadcast %parallel_loop3A_191 : i32 to vector<16xi32>
        %parallel_loop3A_193 = arith.andi %parallel_loop3A_190, %parallel_loop3A_192 : vector<16xi32>
        %parallel_loop3A_194 = arith.addi %parallel_loop3A_187, %parallel_loop3A_193 : vector<16xi32>
        %parallel_loop3A_195 = arith.constant -65536 : i32
        %parallel_loop3A_196 = vector.broadcast %parallel_loop3A_195 : i32 to vector<16xi32>
        %parallel_loop3A_197 = arith.andi %parallel_loop3A_194, %parallel_loop3A_196 : vector<16xi32>
        %parallel_loop3A_198 = arith.constant 16 : i32
        %parallel_loop3A_199 = vector.broadcast %parallel_loop3A_198 : i32 to vector<16xi32>
        %parallel_loop3A_200 = arith.shrsi %parallel_loop3A_184, %parallel_loop3A_199 : vector<16xi32>
        %parallel_loop3A_201 = arith.constant 65535 : i32
        %parallel_loop3A_202 = vector.broadcast %parallel_loop3A_201 : i32 to vector<16xi32>
        %parallel_loop3A_203 = arith.andi %parallel_loop3A_200, %parallel_loop3A_202 : vector<16xi32>
        %parallel_loop3A_204 = arith.ori %parallel_loop3A_197, %parallel_loop3A_203 : vector<16xi32>
        %parallel_loop3A_205 = tpu.bitcast %parallel_loop3A_204 : vector<16xi32> -> vector<16xf32>
        %parallel_loop3A_206 = arith.index_cast %select_n3A_120 : i32 to index
        %parallel_loop3A_207 = arith.index_cast %parallel_loop3A_160 : i32 to index
        %parallel_loop3A_208 = arith.constant 0 : index
        %parallel_loop3A_209 = tpu.vector_load %arg7[%parallel_loop3A_206, %parallel_loop3A_207, %parallel_loop3A_208] {strides = array<i32>} : memref<4x64x128xf32, #tpu.memory_space<vmem>>, vector<1x1x16xf32>,
        %parallel_loop3A_210 = vector.shape_cast %parallel_loop3A_209 : vector<1x1x16xf32> to vector<16xf32>
        %parallel_loop3A_211 = vector.shape_cast %parallel_loop3A_205 : vector<16xf32> to vector<1x1x16xf32>
        tpu.vector_store %arg7[%parallel_loop3A_206, %parallel_loop3A_207, %parallel_loop3A_208], %parallel_loop3A_211 {strides = array<i32>} : memref<4x64x128xf32, #tpu.memory_space<vmem>>, vector<1x1x16xf32>,
        %parallel_loop3A_212 = arith.index_cast %select_n3A_104 : i32 to index
        %parallel_loop3A_213 = arith.index_cast %parallel_loop3A_160 : i32 to index
        %parallel_loop3A_214 = arith.constant 16 : index
        %parallel_loop3A_215 = tpu.vector_load %arg6[%parallel_loop3A_212, %parallel_loop3A_213, %parallel_loop3A_214] {strides = array<i32>} : memref<5x128x128xf32, #tpu.memory_space<vmem>>, vector<1x1x16xf32>,
        %parallel_loop3A_216 = vector.shape_cast %parallel_loop3A_215 : vector<1x1x16xf32> to vector<16xf32>
        %parallel_loop3A_217 = arith.constant 64 : i32
        %parallel_loop3A_218 = arith.addi %parallel_loop3A_217, %parallel_loop3A_160 : i32
        %parallel_loop3A_219 = arith.index_cast %select_n3A_104 : i32 to index
        %parallel_loop3A_220 = arith.index_cast %parallel_loop3A_218 : i32 to index
        %parallel_loop3A_221 = arith.constant 16 : index
        %parallel_loop3A_222 = tpu.vector_load %arg6[%parallel_loop3A_219, %parallel_loop3A_220, %parallel_loop3A_221] {strides = array<i32>} : memref<5x128x128xf32, #tpu.memory_space<vmem>>, vector<1x1x16xf32>,
        %parallel_loop3A_223 = vector.shape_cast %parallel_loop3A_222 : vector<1x1x16xf32> to vector<16xf32>
        %parallel_loop3A_224 = tpu.bitcast %parallel_loop3A_216 : vector<16xf32> -> vector<16xi32>
        %parallel_loop3A_225 = tpu.bitcast %parallel_loop3A_223 : vector<16xf32> -> vector<16xi32>
        %parallel_loop3A_226 = arith.constant 32767 : i32
        %parallel_loop3A_227 = vector.broadcast %parallel_loop3A_226 : i32 to vector<16xi32>
        %parallel_loop3A_228 = arith.addi %parallel_loop3A_224, %parallel_loop3A_227 : vector<16xi32>
        %parallel_loop3A_229 = arith.constant 16 : i32
        %parallel_loop3A_230 = vector.broadcast %parallel_loop3A_229 : i32 to vector<16xi32>
        %parallel_loop3A_231 = arith.shrsi %parallel_loop3A_224, %parallel_loop3A_230 : vector<16xi32>
        %parallel_loop3A_232 = arith.constant 1 : i32
        %parallel_loop3A_233 = vector.broadcast %parallel_loop3A_232 : i32 to vector<16xi32>
        %parallel_loop3A_234 = arith.andi %parallel_loop3A_231, %parallel_loop3A_233 : vector<16xi32>
        %parallel_loop3A_235 = arith.addi %parallel_loop3A_228, %parallel_loop3A_234 : vector<16xi32>
        %parallel_loop3A_236 = arith.constant 32767 : i32
        %parallel_loop3A_237 = vector.broadcast %parallel_loop3A_236 : i32 to vector<16xi32>
        %parallel_loop3A_238 = arith.addi %parallel_loop3A_225, %parallel_loop3A_237 : vector<16xi32>
        %parallel_loop3A_239 = arith.constant 16 : i32
        %parallel_loop3A_240 = vector.broadcast %parallel_loop3A_239 : i32 to vector<16xi32>
        %parallel_loop3A_241 = arith.shrsi %parallel_loop3A_225, %parallel_loop3A_240 : vector<16xi32>
        %parallel_loop3A_242 = arith.constant 1 : i32
        %parallel_loop3A_243 = vector.broadcast %parallel_loop3A_242 : i32 to vector<16xi32>
        %parallel_loop3A_244 = arith.andi %parallel_loop3A_241, %parallel_loop3A_243 : vector<16xi32>
        %parallel_loop3A_245 = arith.addi %parallel_loop3A_238, %parallel_loop3A_244 : vector<16xi32>
        %parallel_loop3A_246 = arith.constant -65536 : i32
        %parallel_loop3A_247 = vector.broadcast %parallel_loop3A_246 : i32 to vector<16xi32>
        %parallel_loop3A_248 = arith.andi %parallel_loop3A_245, %parallel_loop3A_247 : vector<16xi32>
        %parallel_loop3A_249 = arith.constant 16 : i32
        %parallel_loop3A_250 = vector.broadcast %parallel_loop3A_249 : i32 to vector<16xi32>
        %parallel_loop3A_251 = arith.shrsi %parallel_loop3A_235, %parallel_loop3A_250 : vector<16xi32>
        %parallel_loop3A_252 = arith.constant 65535 : i32
        %parallel_loop3A_253 = vector.broadcast %parallel_loop3A_252 : i32 to vector<16xi32>
        %parallel_loop3A_254 = arith.andi %parallel_loop3A_251, %parallel_loop3A_253 : vector<16xi32>
        %parallel_loop3A_255 = arith.ori %parallel_loop3A_248, %parallel_loop3A_254 : vector<16xi32>
        %parallel_loop3A_256 = tpu.bitcast %parallel_loop3A_255 : vector<16xi32> -> vector<16xf32>
        %parallel_loop3A_257 = arith.index_cast %select_n3A_120 : i32 to index
        %parallel_loop3A_258 = arith.index_cast %parallel_loop3A_160 : i32 to index
        %parallel_loop3A_259 = arith.constant 16 : index
        %parallel_loop3A_260 = tpu.vector_load %arg7[%parallel_loop3A_257, %parallel_loop3A_258, %parallel_loop3A_259] {strides = array<i32>} : memref<4x64x128xf32, #tpu.memory_space<vmem>>, vector<1x1x16xf32>,
        %parallel_loop3A_261 = vector.shape_cast %parallel_loop3A_260 : vector<1x1x16xf32> to vector<16xf32>
        %parallel_loop3A_262 = vector.shape_cast %parallel_loop3A_256 : vector<16xf32> to vector<1x1x16xf32>
        tpu.vector_store %arg7[%parallel_loop3A_257, %parallel_loop3A_258, %parallel_loop3A_259], %parallel_loop3A_262 {strides = array<i32>} : memref<4x64x128xf32, #tpu.memory_space<vmem>>, vector<1x1x16xf32>,
        %parallel_loop3A_263 = arith.index_cast %select_n3A_104 : i32 to index
        %parallel_loop3A_264 = arith.index_cast %parallel_loop3A_160 : i32 to index
        %parallel_loop3A_265 = arith.constant 32 : index
        %parallel_loop3A_266 = tpu.vector_load %arg6[%parallel_loop3A_263, %parallel_loop3A_264, %parallel_loop3A_265] {strides = array<i32>} : memref<5x128x128xf32, #tpu.memory_space<vmem>>, vector<1x1x16xf32>,
        %parallel_loop3A_267 = vector.shape_cast %parallel_loop3A_266 : vector<1x1x16xf32> to vector<16xf32>
        %parallel_loop3A_268 = arith.constant 64 : i32
        %parallel_loop3A_269 = arith.addi %parallel_loop3A_268, %parallel_loop3A_160 : i32
        %parallel_loop3A_270 = arith.index_cast %select_n3A_104 : i32 to index
        %parallel_loop3A_271 = arith.index_cast %parallel_loop3A_269 : i32 to index
        %parallel_loop3A_272 = arith.constant 32 : index
        %parallel_loop3A_273 = tpu.vector_load %arg6[%parallel_loop3A_270, %parallel_loop3A_271, %parallel_loop3A_272] {strides = array<i32>} : memref<5x128x128xf32, #tpu.memory_space<vmem>>, vector<1x1x16xf32>,
        %parallel_loop3A_274 = vector.shape_cast %parallel_loop3A_273 : vector<1x1x16xf32> to vector<16xf32>
        %parallel_loop3A_275 = tpu.bitcast %parallel_loop3A_267 : vector<16xf32> -> vector<16xi32>
        %parallel_loop3A_276 = tpu.bitcast %parallel_loop3A_274 : vector<16xf32> -> vector<16xi32>
        %parallel_loop3A_277 = arith.constant 32767 : i32
        %parallel_loop3A_278 = vector.broadcast %parallel_loop3A_277 : i32 to vector<16xi32>
        %parallel_loop3A_279 = arith.addi %parallel_loop3A_275, %parallel_loop3A_278 : vector<16xi32>
        %parallel_loop3A_280 = arith.constant 16 : i32
        %parallel_loop3A_281 = vector.broadcast %parallel_loop3A_280 : i32 to vector<16xi32>
        %parallel_loop3A_282 = arith.shrsi %parallel_loop3A_275, %parallel_loop3A_281 : vector<16xi32>
        %parallel_loop3A_283 = arith.constant 1 : i32
        %parallel_loop3A_284 = vector.broadcast %parallel_loop3A_283 : i32 to vector<16xi32>
        %parallel_loop3A_285 = arith.andi %parallel_loop3A_282, %parallel_loop3A_284 : vector<16xi32>
        %parallel_loop3A_286 = arith.addi %parallel_loop3A_279, %parallel_loop3A_285 : vector<16xi32>
        %parallel_loop3A_287 = arith.constant 32767 : i32
        %parallel_loop3A_288 = vector.broadcast %parallel_loop3A_287 : i32 to vector<16xi32>
        %parallel_loop3A_289 = arith.addi %parallel_loop3A_276, %parallel_loop3A_288 : vector<16xi32>
        %parallel_loop3A_290 = arith.constant 16 : i32
        %parallel_loop3A_291 = vector.broadcast %parallel_loop3A_290 : i32 to vector<16xi32>
        %parallel_loop3A_292 = arith.shrsi %parallel_loop3A_276, %parallel_loop3A_291 : vector<16xi32>
        %parallel_loop3A_293 = arith.constant 1 : i32
        %parallel_loop3A_294 = vector.broadcast %parallel_loop3A_293 : i32 to vector<16xi32>
        %parallel_loop3A_295 = arith.andi %parallel_loop3A_292, %parallel_loop3A_294 : vector<16xi32>
        %parallel_loop3A_296 = arith.addi %parallel_loop3A_289, %parallel_loop3A_295 : vector<16xi32>
        %parallel_loop3A_297 = arith.constant -65536 : i32
        %parallel_loop3A_298 = vector.broadcast %parallel_loop3A_297 : i32 to vector<16xi32>
        %parallel_loop3A_299 = arith.andi %parallel_loop3A_296, %parallel_loop3A_298 : vector<16xi32>
        %parallel_loop3A_300 = arith.constant 16 : i32
        %parallel_loop3A_301 = vector.broadcast %parallel_loop3A_300 : i32 to vector<16xi32>
        %parallel_loop3A_302 = arith.shrsi %parallel_loop3A_286, %parallel_loop3A_301 : vector<16xi32>
        %parallel_loop3A_303 = arith.constant 65535 : i32
        %parallel_loop3A_304 = vector.broadcast %parallel_loop3A_303 : i32 to vector<16xi32>
        %parallel_loop3A_305 = arith.andi %parallel_loop3A_302, %parallel_loop3A_304 : vector<16xi32>
        %parallel_loop3A_306 = arith.ori %parallel_loop3A_299, %parallel_loop3A_305 : vector<16xi32>
        %parallel_loop3A_307 = tpu.bitcast %parallel_loop3A_306 : vector<16xi32> -> vector<16xf32>
        %parallel_loop3A_308 = arith.index_cast %select_n3A_120 : i32 to index
        %parallel_loop3A_309 = arith.index_cast %parallel_loop3A_160 : i32 to index
        %parallel_loop3A_310 = arith.constant 32 : index
        %parallel_loop3A_311 = tpu.vector_load %arg7[%parallel_loop3A_308, %parallel_loop3A_309, %parallel_loop3A_310] {strides = array<i32>} : memref<4x64x128xf32, #tpu.memory_space<vmem>>, vector<1x1x16xf32>,
        %parallel_loop3A_312 = vector.shape_cast %parallel_loop3A_311 : vector<1x1x16xf32> to vector<16xf32>
        %parallel_loop3A_313 = vector.shape_cast %parallel_loop3A_307 : vector<16xf32> to vector<1x1x16xf32>
        tpu.vector_store %arg7[%parallel_loop3A_308, %parallel_loop3A_309, %parallel_loop3A_310], %parallel_loop3A_313 {strides = array<i32>} : memref<4x64x128xf32, #tpu.memory_space<vmem>>, vector<1x1x16xf32>,
        %parallel_loop3A_314 = arith.index_cast %select_n3A_104 : i32 to index
        %parallel_loop3A_315 = arith.index_cast %parallel_loop3A_160 : i32 to index
        %parallel_loop3A_316 = arith.constant 48 : index
        %parallel_loop3A_317 = tpu.vector_load %arg6[%parallel_loop3A_314, %parallel_loop3A_315, %parallel_loop3A_316] {strides = array<i32>} : memref<5x128x128xf32, #tpu.memory_space<vmem>>, vector<1x1x16xf32>,
        %parallel_loop3A_318 = vector.shape_cast %parallel_loop3A_317 : vector<1x1x16xf32> to vector<16xf32>
        %parallel_loop3A_319 = arith.constant 64 : i32
        %parallel_loop3A_320 = arith.addi %parallel_loop3A_319, %parallel_loop3A_160 : i32
        %parallel_loop3A_321 = arith.index_cast %select_n3A_104 : i32 to index
        %parallel_loop3A_322 = arith.index_cast %parallel_loop3A_320 : i32 to index
        %parallel_loop3A_323 = arith.constant 48 : index
        %parallel_loop3A_324 = tpu.vector_load %arg6[%parallel_loop3A_321, %parallel_loop3A_322, %parallel_loop3A_323] {strides = array<i32>} : memref<5x128x128xf32, #tpu.memory_space<vmem>>, vector<1x1x16xf32>,
        %parallel_loop3A_325 = vector.shape_cast %parallel_loop3A_324 : vector<1x1x16xf32> to vector<16xf32>
        %parallel_loop3A_326 = tpu.bitcast %parallel_loop3A_318 : vector<16xf32> -> vector<16xi32>
        %parallel_loop3A_327 = tpu.bitcast %parallel_loop3A_325 : vector<16xf32> -> vector<16xi32>
        %parallel_loop3A_328 = arith.constant 32767 : i32
        %parallel_loop3A_329 = vector.broadcast %parallel_loop3A_328 : i32 to vector<16xi32>
        %parallel_loop3A_330 = arith.addi %parallel_loop3A_326, %parallel_loop3A_329 : vector<16xi32>
        %parallel_loop3A_331 = arith.constant 16 : i32
        %parallel_loop3A_332 = vector.broadcast %parallel_loop3A_331 : i32 to vector<16xi32>
        %parallel_loop3A_333 = arith.shrsi %parallel_loop3A_326, %parallel_loop3A_332 : vector<16xi32>
        %parallel_loop3A_334 = arith.constant 1 : i32
        %parallel_loop3A_335 = vector.broadcast %parallel_loop3A_334 : i32 to vector<16xi32>
        %parallel_loop3A_336 = arith.andi %parallel_loop3A_333, %parallel_loop3A_335 : vector<16xi32>
        %parallel_loop3A_337 = arith.addi %parallel_loop3A_330, %parallel_loop3A_336 : vector<16xi32>
        %parallel_loop3A_338 = arith.constant 32767 : i32
        %parallel_loop3A_339 = vector.broadcast %parallel_loop3A_338 : i32 to vector<16xi32>
        %parallel_loop3A_340 = arith.addi %parallel_loop3A_327, %parallel_loop3A_339 : vector<16xi32>
        %parallel_loop3A_341 = arith.constant 16 : i32
        %parallel_loop3A_342 = vector.broadcast %parallel_loop3A_341 : i32 to vector<16xi32>
        %parallel_loop3A_343 = arith.shrsi %parallel_loop3A_327, %parallel_loop3A_342 : vector<16xi32>
        %parallel_loop3A_344 = arith.constant 1 : i32
        %parallel_loop3A_345 = vector.broadcast %parallel_loop3A_344 : i32 to vector<16xi32>
        %parallel_loop3A_346 = arith.andi %parallel_loop3A_343, %parallel_loop3A_345 : vector<16xi32>
        %parallel_loop3A_347 = arith.addi %parallel_loop3A_340, %parallel_loop3A_346 : vector<16xi32>
        %parallel_loop3A_348 = arith.constant -65536 : i32
        %parallel_loop3A_349 = vector.broadcast %parallel_loop3A_348 : i32 to vector<16xi32>
        %parallel_loop3A_350 = arith.andi %parallel_loop3A_347, %parallel_loop3A_349 : vector<16xi32>
        %parallel_loop3A_351 = arith.constant 16 : i32
        %parallel_loop3A_352 = vector.broadcast %parallel_loop3A_351 : i32 to vector<16xi32>
        %parallel_loop3A_353 = arith.shrsi %parallel_loop3A_337, %parallel_loop3A_352 : vector<16xi32>
        %parallel_loop3A_354 = arith.constant 65535 : i32
        %parallel_loop3A_355 = vector.broadcast %parallel_loop3A_354 : i32 to vector<16xi32>
        %parallel_loop3A_356 = arith.andi %parallel_loop3A_353, %parallel_loop3A_355 : vector<16xi32>
        %parallel_loop3A_357 = arith.ori %parallel_loop3A_350, %parallel_loop3A_356 : vector<16xi32>
        %parallel_loop3A_358 = tpu.bitcast %parallel_loop3A_357 : vector<16xi32> -> vector<16xf32>
        %parallel_loop3A_359 = arith.index_cast %select_n3A_120 : i32 to index
        %parallel_loop3A_360 = arith.index_cast %parallel_loop3A_160 : i32 to index
        %parallel_loop3A_361 = arith.constant 48 : index
        %parallel_loop3A_362 = tpu.vector_load %arg7[%parallel_loop3A_359, %parallel_loop3A_360, %parallel_loop3A_361] {strides = array<i32>} : memref<4x64x128xf32, #tpu.memory_space<vmem>>, vector<1x1x16xf32>,
        %parallel_loop3A_363 = vector.shape_cast %parallel_loop3A_362 : vector<1x1x16xf32> to vector<16xf32>
        %parallel_loop3A_364 = vector.shape_cast %parallel_loop3A_358 : vector<16xf32> to vector<1x1x16xf32>
        tpu.vector_store %arg7[%parallel_loop3A_359, %parallel_loop3A_360, %parallel_loop3A_361], %parallel_loop3A_364 {strides = array<i32>} : memref<4x64x128xf32, #tpu.memory_space<vmem>>, vector<1x1x16xf32>,
        %parallel_loop3A_365 = arith.index_cast %select_n3A_104 : i32 to index
        %parallel_loop3A_366 = arith.index_cast %parallel_loop3A_160 : i32 to index
        %parallel_loop3A_367 = arith.constant 64 : index
        %parallel_loop3A_368 = tpu.vector_load %arg6[%parallel_loop3A_365, %parallel_loop3A_366, %parallel_loop3A_367] {strides = array<i32>} : memref<5x128x128xf32, #tpu.memory_space<vmem>>, vector<1x1x16xf32>,
        %parallel_loop3A_369 = vector.shape_cast %parallel_loop3A_368 : vector<1x1x16xf32> to vector<16xf32>
        %parallel_loop3A_370 = arith.constant 64 : i32
        %parallel_loop3A_371 = arith.addi %parallel_loop3A_370, %parallel_loop3A_160 : i32
        %parallel_loop3A_372 = arith.index_cast %select_n3A_104 : i32 to index
        %parallel_loop3A_373 = arith.index_cast %parallel_loop3A_371 : i32 to index
        %parallel_loop3A_374 = arith.constant 64 : index
        %parallel_loop3A_375 = tpu.vector_load %arg6[%parallel_loop3A_372, %parallel_loop3A_373, %parallel_loop3A_374] {strides = array<i32>} : memref<5x128x128xf32, #tpu.memory_space<vmem>>, vector<1x1x16xf32>,
        %parallel_loop3A_376 = vector.shape_cast %parallel_loop3A_375 : vector<1x1x16xf32> to vector<16xf32>
        %parallel_loop3A_377 = tpu.bitcast %parallel_loop3A_369 : vector<16xf32> -> vector<16xi32>
        %parallel_loop3A_378 = tpu.bitcast %parallel_loop3A_376 : vector<16xf32> -> vector<16xi32>
        %parallel_loop3A_379 = arith.constant 32767 : i32
        %parallel_loop3A_380 = vector.broadcast %parallel_loop3A_379 : i32 to vector<16xi32>
        %parallel_loop3A_381 = arith.addi %parallel_loop3A_377, %parallel_loop3A_380 : vector<16xi32>
        %parallel_loop3A_382 = arith.constant 16 : i32
        %parallel_loop3A_383 = vector.broadcast %parallel_loop3A_382 : i32 to vector<16xi32>
        %parallel_loop3A_384 = arith.shrsi %parallel_loop3A_377, %parallel_loop3A_383 : vector<16xi32>
        %parallel_loop3A_385 = arith.constant 1 : i32
        %parallel_loop3A_386 = vector.broadcast %parallel_loop3A_385 : i32 to vector<16xi32>
        %parallel_loop3A_387 = arith.andi %parallel_loop3A_384, %parallel_loop3A_386 : vector<16xi32>
        %parallel_loop3A_388 = arith.addi %parallel_loop3A_381, %parallel_loop3A_387 : vector<16xi32>
        %parallel_loop3A_389 = arith.constant 32767 : i32
        %parallel_loop3A_390 = vector.broadcast %parallel_loop3A_389 : i32 to vector<16xi32>
        %parallel_loop3A_391 = arith.addi %parallel_loop3A_378, %parallel_loop3A_390 : vector<16xi32>
        %parallel_loop3A_392 = arith.constant 16 : i32
        %parallel_loop3A_393 = vector.broadcast %parallel_loop3A_392 : i32 to vector<16xi32>
        %parallel_loop3A_394 = arith.shrsi %parallel_loop3A_378, %parallel_loop3A_393 : vector<16xi32>
        %parallel_loop3A_395 = arith.constant 1 : i32
        %parallel_loop3A_396 = vector.broadcast %parallel_loop3A_395 : i32 to vector<16xi32>
        %parallel_loop3A_397 = arith.andi %parallel_loop3A_394, %parallel_loop3A_396 : vector<16xi32>
        %parallel_loop3A_398 = arith.addi %parallel_loop3A_391, %parallel_loop3A_397 : vector<16xi32>
        %parallel_loop3A_399 = arith.constant -65536 : i32
        %parallel_loop3A_400 = vector.broadcast %parallel_loop3A_399 : i32 to vector<16xi32>
        %parallel_loop3A_401 = arith.andi %parallel_loop3A_398, %parallel_loop3A_400 : vector<16xi32>
        %parallel_loop3A_402 = arith.constant 16 : i32
        %parallel_loop3A_403 = vector.broadcast %parallel_loop3A_402 : i32 to vector<16xi32>
        %parallel_loop3A_404 = arith.shrsi %parallel_loop3A_388, %parallel_loop3A_403 : vector<16xi32>
        %parallel_loop3A_405 = arith.constant 65535 : i32
        %parallel_loop3A_406 = vector.broadcast %parallel_loop3A_405 : i32 to vector<16xi32>
        %parallel_loop3A_407 = arith.andi %parallel_loop3A_404, %parallel_loop3A_406 : vector<16xi32>
        %parallel_loop3A_408 = arith.ori %parallel_loop3A_401, %parallel_loop3A_407 : vector<16xi32>
        %parallel_loop3A_409 = tpu.bitcast %parallel_loop3A_408 : vector<16xi32> -> vector<16xf32>
        %parallel_loop3A_410 = arith.index_cast %select_n3A_120 : i32 to index
        %parallel_loop3A_411 = arith.index_cast %parallel_loop3A_160 : i32 to index
        %parallel_loop3A_412 = arith.constant 64 : index
        %parallel_loop3A_413 = tpu.vector_load %arg7[%parallel_loop3A_410, %parallel_loop3A_411, %parallel_loop3A_412] {strides = array<i32>} : memref<4x64x128xf32, #tpu.memory_space<vmem>>, vector<1x1x16xf32>,
        %parallel_loop3A_414 = vector.shape_cast %parallel_loop3A_413 : vector<1x1x16xf32> to vector<16xf32>
        %parallel_loop3A_415 = vector.shape_cast %parallel_loop3A_409 : vector<16xf32> to vector<1x1x16xf32>
        tpu.vector_store %arg7[%parallel_loop3A_410, %parallel_loop3A_411, %parallel_loop3A_412], %parallel_loop3A_415 {strides = array<i32>} : memref<4x64x128xf32, #tpu.memory_space<vmem>>, vector<1x1x16xf32>,
        %parallel_loop3A_416 = arith.index_cast %select_n3A_104 : i32 to index
        %parallel_loop3A_417 = arith.index_cast %parallel_loop3A_160 : i32 to index
        %parallel_loop3A_418 = arith.constant 80 : index
        %parallel_loop3A_419 = tpu.vector_load %arg6[%parallel_loop3A_416, %parallel_loop3A_417, %parallel_loop3A_418] {strides = array<i32>} : memref<5x128x128xf32, #tpu.memory_space<vmem>>, vector<1x1x16xf32>,
        %parallel_loop3A_420 = vector.shape_cast %parallel_loop3A_419 : vector<1x1x16xf32> to vector<16xf32>
        %parallel_loop3A_421 = arith.constant 64 : i32
        %parallel_loop3A_422 = arith.addi %parallel_loop3A_421, %parallel_loop3A_160 : i32
        %parallel_loop3A_423 = arith.index_cast %select_n3A_104 : i32 to index
        %parallel_loop3A_424 = arith.index_cast %parallel_loop3A_422 : i32 to index
        %parallel_loop3A_425 = arith.constant 80 : index
        %parallel_loop3A_426 = tpu.vector_load %arg6[%parallel_loop3A_423, %parallel_loop3A_424, %parallel_loop3A_425] {strides = array<i32>} : memref<5x128x128xf32, #tpu.memory_space<vmem>>, vector<1x1x16xf32>,
        %parallel_loop3A_427 = vector.shape_cast %parallel_loop3A_426 : vector<1x1x16xf32> to vector<16xf32>
        %parallel_loop3A_428 = tpu.bitcast %parallel_loop3A_420 : vector<16xf32> -> vector<16xi32>
        %parallel_loop3A_429 = tpu.bitcast %parallel_loop3A_427 : vector<16xf32> -> vector<16xi32>
        %parallel_loop3A_430 = arith.constant 32767 : i32
        %parallel_loop3A_431 = vector.broadcast %parallel_loop3A_430 : i32 to vector<16xi32>
        %parallel_loop3A_432 = arith.addi %parallel_loop3A_428, %parallel_loop3A_431 : vector<16xi32>
        %parallel_loop3A_433 = arith.constant 16 : i32
        %parallel_loop3A_434 = vector.broadcast %parallel_loop3A_433 : i32 to vector<16xi32>
        %parallel_loop3A_435 = arith.shrsi %parallel_loop3A_428, %parallel_loop3A_434 : vector<16xi32>
        %parallel_loop3A_436 = arith.constant 1 : i32
        %parallel_loop3A_437 = vector.broadcast %parallel_loop3A_436 : i32 to vector<16xi32>
        %parallel_loop3A_438 = arith.andi %parallel_loop3A_435, %parallel_loop3A_437 : vector<16xi32>
        %parallel_loop3A_439 = arith.addi %parallel_loop3A_432, %parallel_loop3A_438 : vector<16xi32>
        %parallel_loop3A_440 = arith.constant 32767 : i32
        %parallel_loop3A_441 = vector.broadcast %parallel_loop3A_440 : i32 to vector<16xi32>
        %parallel_loop3A_442 = arith.addi %parallel_loop3A_429, %parallel_loop3A_441 : vector<16xi32>
        %parallel_loop3A_443 = arith.constant 16 : i32
        %parallel_loop3A_444 = vector.broadcast %parallel_loop3A_443 : i32 to vector<16xi32>
        %parallel_loop3A_445 = arith.shrsi %parallel_loop3A_429, %parallel_loop3A_444 : vector<16xi32>
        %parallel_loop3A_446 = arith.constant 1 : i32
        %parallel_loop3A_447 = vector.broadcast %parallel_loop3A_446 : i32 to vector<16xi32>
        %parallel_loop3A_448 = arith.andi %parallel_loop3A_445, %parallel_loop3A_447 : vector<16xi32>
        %parallel_loop3A_449 = arith.addi %parallel_loop3A_442, %parallel_loop3A_448 : vector<16xi32>
        %parallel_loop3A_450 = arith.constant -65536 : i32
        %parallel_loop3A_451 = vector.broadcast %parallel_loop3A_450 : i32 to vector<16xi32>
        %parallel_loop3A_452 = arith.andi %parallel_loop3A_449, %parallel_loop3A_451 : vector<16xi32>
        %parallel_loop3A_453 = arith.constant 16 : i32
        %parallel_loop3A_454 = vector.broadcast %parallel_loop3A_453 : i32 to vector<16xi32>
        %parallel_loop3A_455 = arith.shrsi %parallel_loop3A_439, %parallel_loop3A_454 : vector<16xi32>
        %parallel_loop3A_456 = arith.constant 65535 : i32
        %parallel_loop3A_457 = vector.broadcast %parallel_loop3A_456 : i32 to vector<16xi32>
        %parallel_loop3A_458 = arith.andi %parallel_loop3A_455, %parallel_loop3A_457 : vector<16xi32>
        %parallel_loop3A_459 = arith.ori %parallel_loop3A_452, %parallel_loop3A_458 : vector<16xi32>
        %parallel_loop3A_460 = tpu.bitcast %parallel_loop3A_459 : vector<16xi32> -> vector<16xf32>
        %parallel_loop3A_461 = arith.index_cast %select_n3A_120 : i32 to index
        %parallel_loop3A_462 = arith.index_cast %parallel_loop3A_160 : i32 to index
        %parallel_loop3A_463 = arith.constant 80 : index
        %parallel_loop3A_464 = tpu.vector_load %arg7[%parallel_loop3A_461, %parallel_loop3A_462, %parallel_loop3A_463] {strides = array<i32>} : memref<4x64x128xf32, #tpu.memory_space<vmem>>, vector<1x1x16xf32>,
        %parallel_loop3A_465 = vector.shape_cast %parallel_loop3A_464 : vector<1x1x16xf32> to vector<16xf32>
        %parallel_loop3A_466 = vector.shape_cast %parallel_loop3A_460 : vector<16xf32> to vector<1x1x16xf32>
        tpu.vector_store %arg7[%parallel_loop3A_461, %parallel_loop3A_462, %parallel_loop3A_463], %parallel_loop3A_466 {strides = array<i32>} : memref<4x64x128xf32, #tpu.memory_space<vmem>>, vector<1x1x16xf32>,
        %parallel_loop3A_467 = arith.index_cast %select_n3A_104 : i32 to index
        %parallel_loop3A_468 = arith.index_cast %parallel_loop3A_160 : i32 to index
        %parallel_loop3A_469 = arith.constant 96 : index
        %parallel_loop3A_470 = tpu.vector_load %arg6[%parallel_loop3A_467, %parallel_loop3A_468, %parallel_loop3A_469] {strides = array<i32>} : memref<5x128x128xf32, #tpu.memory_space<vmem>>, vector<1x1x16xf32>,
        %parallel_loop3A_471 = vector.shape_cast %parallel_loop3A_470 : vector<1x1x16xf32> to vector<16xf32>
        %parallel_loop3A_472 = arith.constant 64 : i32
        %parallel_loop3A_473 = arith.addi %parallel_loop3A_472, %parallel_loop3A_160 : i32
        %parallel_loop3A_474 = arith.index_cast %select_n3A_104 : i32 to index
        %parallel_loop3A_475 = arith.index_cast %parallel_loop3A_473 : i32 to index
        %parallel_loop3A_476 = arith.constant 96 : index
        %parallel_loop3A_477 = tpu.vector_load %arg6[%parallel_loop3A_474, %parallel_loop3A_475, %parallel_loop3A_476] {strides = array<i32>} : memref<5x128x128xf32, #tpu.memory_space<vmem>>, vector<1x1x16xf32>,
        %parallel_loop3A_478 = vector.shape_cast %parallel_loop3A_477 : vector<1x1x16xf32> to vector<16xf32>
        %parallel_loop3A_479 = tpu.bitcast %parallel_loop3A_471 : vector<16xf32> -> vector<16xi32>
        %parallel_loop3A_480 = tpu.bitcast %parallel_loop3A_478 : vector<16xf32> -> vector<16xi32>
        %parallel_loop3A_481 = arith.constant 32767 : i32
        %parallel_loop3A_482 = vector.broadcast %parallel_loop3A_481 : i32 to vector<16xi32>
        %parallel_loop3A_483 = arith.addi %parallel_loop3A_479, %parallel_loop3A_482 : vector<16xi32>
        %parallel_loop3A_484 = arith.constant 16 : i32
        %parallel_loop3A_485 = vector.broadcast %parallel_loop3A_484 : i32 to vector<16xi32>
        %parallel_loop3A_486 = arith.shrsi %parallel_loop3A_479, %parallel_loop3A_485 : vector<16xi32>
        %parallel_loop3A_487 = arith.constant 1 : i32
        %parallel_loop3A_488 = vector.broadcast %parallel_loop3A_487 : i32 to vector<16xi32>
        %parallel_loop3A_489 = arith.andi %parallel_loop3A_486, %parallel_loop3A_488 : vector<16xi32>
        %parallel_loop3A_490 = arith.addi %parallel_loop3A_483, %parallel_loop3A_489 : vector<16xi32>
        %parallel_loop3A_491 = arith.constant 32767 : i32
        %parallel_loop3A_492 = vector.broadcast %parallel_loop3A_491 : i32 to vector<16xi32>
        %parallel_loop3A_493 = arith.addi %parallel_loop3A_480, %parallel_loop3A_492 : vector<16xi32>
        %parallel_loop3A_494 = arith.constant 16 : i32
        %parallel_loop3A_495 = vector.broadcast %parallel_loop3A_494 : i32 to vector<16xi32>
        %parallel_loop3A_496 = arith.shrsi %parallel_loop3A_480, %parallel_loop3A_495 : vector<16xi32>
        %parallel_loop3A_497 = arith.constant 1 : i32
        %parallel_loop3A_498 = vector.broadcast %parallel_loop3A_497 : i32 to vector<16xi32>
        %parallel_loop3A_499 = arith.andi %parallel_loop3A_496, %parallel_loop3A_498 : vector<16xi32>
        %parallel_loop3A_500 = arith.addi %parallel_loop3A_493, %parallel_loop3A_499 : vector<16xi32>
        %parallel_loop3A_501 = arith.constant -65536 : i32
        %parallel_loop3A_502 = vector.broadcast %parallel_loop3A_501 : i32 to vector<16xi32>
        %parallel_loop3A_503 = arith.andi %parallel_loop3A_500, %parallel_loop3A_502 : vector<16xi32>
        %parallel_loop3A_504 = arith.constant 16 : i32
        %parallel_loop3A_505 = vector.broadcast %parallel_loop3A_504 : i32 to vector<16xi32>
        %parallel_loop3A_506 = arith.shrsi %parallel_loop3A_490, %parallel_loop3A_505 : vector<16xi32>
        %parallel_loop3A_507 = arith.constant 65535 : i32
        %parallel_loop3A_508 = vector.broadcast %parallel_loop3A_507 : i32 to vector<16xi32>
        %parallel_loop3A_509 = arith.andi %parallel_loop3A_506, %parallel_loop3A_508 : vector<16xi32>
        %parallel_loop3A_510 = arith.ori %parallel_loop3A_503, %parallel_loop3A_509 : vector<16xi32>
        %parallel_loop3A_511 = tpu.bitcast %parallel_loop3A_510 : vector<16xi32> -> vector<16xf32>
        %parallel_loop3A_512 = arith.index_cast %select_n3A_120 : i32 to index
        %parallel_loop3A_513 = arith.index_cast %parallel_loop3A_160 : i32 to index
        %parallel_loop3A_514 = arith.constant 96 : index
        %parallel_loop3A_515 = tpu.vector_load %arg7[%parallel_loop3A_512, %parallel_loop3A_513, %parallel_loop3A_514] {strides = array<i32>} : memref<4x64x128xf32, #tpu.memory_space<vmem>>, vector<1x1x16xf32>,
        %parallel_loop3A_516 = vector.shape_cast %parallel_loop3A_515 : vector<1x1x16xf32> to vector<16xf32>
        %parallel_loop3A_517 = vector.shape_cast %parallel_loop3A_511 : vector<16xf32> to vector<1x1x16xf32>
        tpu.vector_store %arg7[%parallel_loop3A_512, %parallel_loop3A_513, %parallel_loop3A_514], %parallel_loop3A_517 {strides = array<i32>} : memref<4x64x128xf32, #tpu.memory_space<vmem>>, vector<1x1x16xf32>,
        %parallel_loop3A_518 = arith.index_cast %select_n3A_104 : i32 to index
        %parallel_loop3A_519 = arith.index_cast %parallel_loop3A_160 : i32 to index
        %parallel_loop3A_520 = arith.constant 112 : index
        %parallel_loop3A_521 = tpu.vector_load %arg6[%parallel_loop3A_518, %parallel_loop3A_519, %parallel_loop3A_520] {strides = array<i32>} : memref<5x128x128xf32, #tpu.memory_space<vmem>>, vector<1x1x16xf32>,
        %parallel_loop3A_522 = vector.shape_cast %parallel_loop3A_521 : vector<1x1x16xf32> to vector<16xf32>
        %parallel_loop3A_523 = arith.constant 64 : i32
        %parallel_loop3A_524 = arith.addi %parallel_loop3A_523, %parallel_loop3A_160 : i32
        %parallel_loop3A_525 = arith.index_cast %select_n3A_104 : i32 to index
        %parallel_loop3A_526 = arith.index_cast %parallel_loop3A_524 : i32 to index
        %parallel_loop3A_527 = arith.constant 112 : index
        %parallel_loop3A_528 = tpu.vector_load %arg6[%parallel_loop3A_525, %parallel_loop3A_526, %parallel_loop3A_527] {strides = array<i32>} : memref<5x128x128xf32, #tpu.memory_space<vmem>>, vector<1x1x16xf32>,
        %parallel_loop3A_529 = vector.shape_cast %parallel_loop3A_528 : vector<1x1x16xf32> to vector<16xf32>
        %parallel_loop3A_530 = tpu.bitcast %parallel_loop3A_522 : vector<16xf32> -> vector<16xi32>
        %parallel_loop3A_531 = tpu.bitcast %parallel_loop3A_529 : vector<16xf32> -> vector<16xi32>
        %parallel_loop3A_532 = arith.constant 32767 : i32
        %parallel_loop3A_533 = vector.broadcast %parallel_loop3A_532 : i32 to vector<16xi32>
        %parallel_loop3A_534 = arith.addi %parallel_loop3A_530, %parallel_loop3A_533 : vector<16xi32>
        %parallel_loop3A_535 = arith.constant 16 : i32
        %parallel_loop3A_536 = vector.broadcast %parallel_loop3A_535 : i32 to vector<16xi32>
        %parallel_loop3A_537 = arith.shrsi %parallel_loop3A_530, %parallel_loop3A_536 : vector<16xi32>
        %parallel_loop3A_538 = arith.constant 1 : i32
        %parallel_loop3A_539 = vector.broadcast %parallel_loop3A_538 : i32 to vector<16xi32>
        %parallel_loop3A_540 = arith.andi %parallel_loop3A_537, %parallel_loop3A_539 : vector<16xi32>
        %parallel_loop3A_541 = arith.addi %parallel_loop3A_534, %parallel_loop3A_540 : vector<16xi32>
        %parallel_loop3A_542 = arith.constant 32767 : i32
        %parallel_loop3A_543 = vector.broadcast %parallel_loop3A_542 : i32 to vector<16xi32>
        %parallel_loop3A_544 = arith.addi %parallel_loop3A_531, %parallel_loop3A_543 : vector<16xi32>
        %parallel_loop3A_545 = arith.constant 16 : i32
        %parallel_loop3A_546 = vector.broadcast %parallel_loop3A_545 : i32 to vector<16xi32>
        %parallel_loop3A_547 = arith.shrsi %parallel_loop3A_531, %parallel_loop3A_546 : vector<16xi32>
        %parallel_loop3A_548 = arith.constant 1 : i32
        %parallel_loop3A_549 = vector.broadcast %parallel_loop3A_548 : i32 to vector<16xi32>
        %parallel_loop3A_550 = arith.andi %parallel_loop3A_547, %parallel_loop3A_549 : vector<16xi32>
        %parallel_loop3A_551 = arith.addi %parallel_loop3A_544, %parallel_loop3A_550 : vector<16xi32>
        %parallel_loop3A_552 = arith.constant -65536 : i32
        %parallel_loop3A_553 = vector.broadcast %parallel_loop3A_552 : i32 to vector<16xi32>
        %parallel_loop3A_554 = arith.andi %parallel_loop3A_551, %parallel_loop3A_553 : vector<16xi32>
        %parallel_loop3A_555 = arith.constant 16 : i32
        %parallel_loop3A_556 = vector.broadcast %parallel_loop3A_555 : i32 to vector<16xi32>
        %parallel_loop3A_557 = arith.shrsi %parallel_loop3A_541, %parallel_loop3A_556 : vector<16xi32>
        %parallel_loop3A_558 = arith.constant 65535 : i32
        %parallel_loop3A_559 = vector.broadcast %parallel_loop3A_558 : i32 to vector<16xi32>
        %parallel_loop3A_560 = arith.andi %parallel_loop3A_557, %parallel_loop3A_559 : vector<16xi32>
        %parallel_loop3A_561 = arith.ori %parallel_loop3A_554, %parallel_loop3A_560 : vector<16xi32>
        %parallel_loop3A_562 = tpu.bitcast %parallel_loop3A_561 : vector<16xi32> -> vector<16xf32>
        %parallel_loop3A_563 = arith.index_cast %select_n3A_120 : i32 to index
        %parallel_loop3A_564 = arith.index_cast %parallel_loop3A_160 : i32 to index
        %parallel_loop3A_565 = arith.constant 112 : index
        %parallel_loop3A_566 = tpu.vector_load %arg7[%parallel_loop3A_563, %parallel_loop3A_564, %parallel_loop3A_565] {strides = array<i32>} : memref<4x64x128xf32, #tpu.memory_space<vmem>>, vector<1x1x16xf32>,
        %parallel_loop3A_567 = vector.shape_cast %parallel_loop3A_566 : vector<1x1x16xf32> to vector<16xf32>
        %parallel_loop3A_568 = vector.shape_cast %parallel_loop3A_562 : vector<16xf32> to vector<1x1x16xf32>
        tpu.vector_store %arg7[%parallel_loop3A_563, %parallel_loop3A_564, %parallel_loop3A_565], %parallel_loop3A_568 {strides = array<i32>} : memref<4x64x128xf32, #tpu.memory_space<vmem>>, vector<1x1x16xf32>,
      } {sc.loop_unroll_factor = 8 : i64, sc.parallel_access}
      %jit3A_123 = arith.constant 4 : i32
      %eq3A_124 = arith.constant 0 : i32
      %eq3A_125 = arith.cmpi eq, %jit3A_123, %eq3A_124 : i32
      %jit3A_126 = arith.constant 1 : i32
      %select_n3A_127 = arith.select %eq3A_125, %jit3A_126, %jit3A_123 : i32
      %rem3A_128 = arith.remsi %while3A_65, %select_n3A_127 : i32
      %ne3A_129 = arith.constant 0 : i32
      %ne3A_130 = arith.cmpi ne, %rem3A_128, %ne3A_129 : i32
      %lt3A_131 = arith.constant 0 : i32
      %lt3A_132 = arith.cmpi slt, %rem3A_128, %lt3A_131 : i32
      %lt3A_133 = arith.constant 0 : i32
      %lt3A_134 = arith.cmpi slt, %select_n3A_127, %lt3A_133 : i32
      %ne3A_135 = arith.xori %lt3A_132, %lt3A_134 : i1
      %and3A_136 = arith.andi %ne3A_135, %ne3A_130 : i1
      %add3A_137 = arith.addi %rem3A_128, %select_n3A_127 : i32
      %select_n3A_138 = arith.select %and3A_136, %add3A_137, %rem3A_128 : i32
      %mul3A_139 = arith.constant 64 : i32
      %mul3A_140 = arith.muli %while3A_65, %mul3A_139 : i32
      %add3A_141 = arith.addi %multiple_of3A_11, %mul3A_140 : i32
      %dma_start3A_142 = arith.constant 0 : i32
      %dma_start3A_143 = arith.constant 0 : i32
      %dma_start3A_144 = tpu.memref_slice %arg7[%select_n3A_138, %dma_start3A_142, %dma_start3A_143] : memref<4x64x128xf32, #tpu.memory_space<vmem>> -> memref<1x64x128xf32, #tpu.memory_space<vmem>>
      %dma_start3A_145 = tpu.memref_squeeze %dma_start3A_144 : memref<1x64x128xf32, #tpu.memory_space<vmem>> -> memref<64x128xf32, #tpu.memory_space<vmem>>
      %dma_start3A_146 = arith.constant 0 : i32
      %dma_start3A_147 = tpu.memref_slice %arg4[%add3A_141, %dma_start3A_146] : memref<112896x128xf32, #tpu.memory_space<hbm>> -> memref<64x128xf32, #tpu.memory_space<hbm>>
      %dma_start3A_148 = arith.constant 0 : i32
      %dma_start3A_149 = tpu.memref_slice %arg4[%add3A_141, %dma_start3A_148] : memref<112896x128xf32, #tpu.memory_space<hbm>> -> memref<64x128xf32, #tpu.memory_space<hbm>>
      %dma_start3A_150 = arith.constant 0 : i32
      %dma_start3A_151 = arith.constant 0 : i32
      %dma_start3A_152 = tpu.memref_slice %arg7[%select_n3A_138, %dma_start3A_150, %dma_start3A_151] : memref<4x64x128xf32, #tpu.memory_space<vmem>> -> memref<1x64x128xf32, #tpu.memory_space<vmem>>
      %dma_start3A_153 = tpu.memref_squeeze %dma_start3A_152 : memref<1x64x128xf32, #tpu.memory_space<vmem>> -> memref<64x128xf32, #tpu.memory_space<vmem>>
      tpu.enqueue_dma source(%dma_start3A_153 : memref<64x128xf32, #tpu.memory_space<vmem>>) target(%dma_start3A_149 : memref<64x128xf32, #tpu.memory_space<hbm>>) target_semaphore(%arg9 : memref<!tpu.dma_semaphore, #tpu.memory_space<semaphore_mem>>)
      %add3A_154 = arith.constant 4 : i32
      %add3A_155 = arith.addi %while3A_65, %add3A_154 : i32
      %lt3A_156 = arith.cmpi slt, %add3A_155, %select_n3A : i32
      %convert_element_type3A_157 = arith.extui %lt3A_156 : i1 to i32
      %cond3A_158 = arith.constant 0 : i32
      %cond3A_159 = arith.cmpi ne, %convert_element_type3A_157, %cond3A_158 : i32
      scf.if %cond3A_159 {
        %add3A_160 = arith.constant 4 : i32
        %add3A_161 = arith.addi %while3A_65, %add3A_160 : i32
        %mul3A_162 = arith.constant 128 : i32
        %mul3A_163 = arith.muli %add3A_161, %mul3A_162 : i32
        %jit3A_164 = arith.constant 5 : i32
        %eq3A_165 = arith.constant 0 : i32
        %eq3A_166 = arith.cmpi eq, %jit3A_164, %eq3A_165 : i32
        %jit3A_167 = arith.constant 1 : i32
        %select_n3A_168 = arith.select %eq3A_166, %jit3A_167, %jit3A_164 : i32
        %rem3A_169 = arith.remsi %add3A_161, %select_n3A_168 : i32
        %ne3A_170 = arith.constant 0 : i32
        %ne3A_171 = arith.cmpi ne, %rem3A_169, %ne3A_170 : i32
        %lt3A_172 = arith.constant 0 : i32
        %lt3A_173 = arith.cmpi slt, %rem3A_169, %lt3A_172 : i32
        %lt3A_174 = arith.constant 0 : i32
        %lt3A_175 = arith.cmpi slt, %select_n3A_168, %lt3A_174 : i32
        %ne3A_176 = arith.xori %lt3A_173, %lt3A_175 : i1
        %and3A_177 = arith.andi %ne3A_176, %ne3A_171 : i1
        %add3A_178 = arith.addi %rem3A_169, %select_n3A_168 : i32
        %select_n3A_179 = arith.select %and3A_177, %add3A_178, %rem3A_169 : i32
        %dma_start3A_180 = arith.constant 0 : i32
        %dma_start3A_181 = arith.constant 0 : i32
        %dma_start3A_182 = tpu.memref_slice %arg6[%select_n3A_179, %dma_start3A_180, %dma_start3A_181] : memref<5x128x128xf32, #tpu.memory_space<vmem>> -> memref<1x128x128xf32, #tpu.memory_space<vmem>>
        %dma_start3A_183 = tpu.memref_squeeze %dma_start3A_182 : memref<1x128x128xf32, #tpu.memory_space<vmem>> -> memref<128x128xf32, #tpu.memory_space<vmem>>
        %dma_start3A_184 = tpu.memref_slice %arg5[%mul3A_163] : memref<7168xi32, #tpu.memory_space<vmem>> -> memref<128xi32, #tpu.memory_space<vmem>>
        %dma_start3A_185 = arith.constant 0 : i32
        %dma_start3A_186 = arith.constant 0 : i32
        %dma_start3A_187 = tpu.memref_slice %arg3[%dma_start3A_185, %dma_start3A_186] : memref<100000x128xf32, #tpu.memory_space<hbm>> -> memref<100000x128xf32, #tpu.memory_space<hbm>>
        tpu.enqueue_indirect_dma source(%dma_start3A_187 : memref<100000x128xf32, #tpu.memory_space<hbm>>) target(%dma_start3A_183 : memref<128x128xf32, #tpu.memory_space<vmem>>) offsets(%dma_start3A_184 : memref<128xi32, #tpu.memory_space<vmem>>) semaphore(%arg8 : memref<!tpu.dma_semaphore, #tpu.memory_space<semaphore_mem>>)
      } else {
      }
    }
    %scan3A = arith.constant 0 : i32
    %scan3A_60 = arith.constant 0 : i32
    %scan3A_61 = arith.constant 3 : i32
    %scan3A_62 = arith.addi %scan3A_60, %scan3A_61 : i32
    %scan3A_63 = arith.constant 1 : i32
    scf.for %scan3A_65 = %scan3A_60 to %scan3A_62 step %scan3A_63  : i32 {
      %sub3A = arith.constant 3 : i32
      %sub3A_66 = arith.subi %select_n3A, %sub3A : i32
      %add3A_67 = arith.addi %sub3A_66, %scan3A_65 : i32
      %jit3A_68 = arith.constant 4 : i32
      %eq3A = arith.constant 0 : i32
      %eq3A_69 = arith.cmpi eq, %jit3A_68, %eq3A : i32
      %jit3A_70 = arith.constant 1 : i32
      %select_n3A_71 = arith.select %eq3A_69, %jit3A_70, %jit3A_68 : i32
      %rem3A = arith.remsi %add3A_67, %select_n3A_71 : i32
      %ne3A = arith.constant 0 : i32
      %ne3A_72 = arith.cmpi ne, %rem3A, %ne3A : i32
      %lt3A_73 = arith.constant 0 : i32
      %lt3A_74 = arith.cmpi slt, %rem3A, %lt3A_73 : i32
      %lt3A_75 = arith.constant 0 : i32
      %lt3A_76 = arith.cmpi slt, %select_n3A_71, %lt3A_75 : i32
      %ne3A_77 = arith.xori %lt3A_74, %lt3A_76 : i1
      %and3A = arith.andi %ne3A_77, %ne3A_72 : i1
      %add3A_78 = arith.addi %rem3A, %select_n3A_71 : i32
      %select_n3A_79 = arith.select %and3A, %add3A_78, %rem3A : i32
      %mul3A_80 = arith.constant 64 : i32
      %mul3A_81 = arith.muli %add3A_67, %mul3A_80 : i32
      %add3A_82 = arith.addi %multiple_of3A_11, %mul3A_81 : i32
      %dma_wait3A = arith.constant 0 : i32
      %dma_wait3A_83 = arith.constant 0 : i32
      %dma_wait3A_84 = tpu.memref_slice %arg7[%select_n3A_79, %dma_wait3A, %dma_wait3A_83] : memref<4x64x128xf32, #tpu.memory_space<vmem>> -> memref<1x64x128xf32, #tpu.memory_space<vmem>>
      %dma_wait3A_85 = tpu.memref_squeeze %dma_wait3A_84 : memref<1x64x128xf32, #tpu.memory_space<vmem>> -> memref<64x128xf32, #tpu.memory_space<vmem>>
      %dma_wait3A_86 = arith.constant 0 : i32
      %dma_wait3A_87 = tpu.memref_slice %arg4[%add3A_82, %dma_wait3A_86] : memref<112896x128xf32, #tpu.memory_space<hbm>> -> memref<64x128xf32, #tpu.memory_space<hbm>>
      %dma_wait3A_88 = arith.constant 0 : i32
      %dma_wait3A_89 = tpu.memref_slice %arg4[%add3A_82, %dma_wait3A_88] : memref<112896x128xf32, #tpu.memory_space<hbm>> -> memref<64x128xf32, #tpu.memory_space<hbm>>
      %dma_wait3A_90 = arith.constant 0 : i32
      %dma_wait3A_91 = arith.constant 0 : i32
      %dma_wait3A_92 = tpu.memref_slice %arg7[%select_n3A_79, %dma_wait3A_90, %dma_wait3A_91] : memref<4x64x128xf32, #tpu.memory_space<vmem>> -> memref<1x64x128xf32, #tpu.memory_space<vmem>>
      %dma_wait3A_93 = tpu.memref_squeeze %dma_wait3A_92 : memref<1x64x128xf32, #tpu.memory_space<vmem>> -> memref<64x128xf32, #tpu.memory_space<vmem>>
      tpu.wait_dma2 semaphore(%arg9 : memref<!tpu.dma_semaphore, #tpu.memory_space<semaphore_mem>>) src(%dma_wait3A_93 : memref<64x128xf32, #tpu.memory_space<vmem>>) dst(%dma_wait3A_89 : memref<64x128xf32, #tpu.memory_space<hbm>>)
    }
    %scan3A_64 = arith.constant 3 : i32
    return
  }
}

module attributes {stable_mosaic.version = 14 : i64} {
  func.func @_mm_body(%arg0: i32, %arg1: memref<9x1792x128xf32, #tpu.memory_space<vmem>>, %arg2: memref<9x128x128xbf16, #tpu.memory_space<vmem>>, %arg3: memref<3584x128xf32, #tpu.memory_space<vmem>>) attributes {dimension_semantics = [#tpu.dimension_semantics<arbitrary>], iteration_bounds = array<i64: 7>, scalar_prefetch = 0 : i64, scratch_operands = 0 : i64, tpu.core_type = #tpu.core_type<tc>, window_params = [{transform_indices = @transform_0, window_bounds = array<i64: 9, 1792, 128>}, {pipeline_mode = #tpu.pipeline_mode<synchronous>, transform_indices = @transform_1, window_bounds = array<i64: 9, 128, 128>}, {transform_indices = @transform_2, window_bounds = array<i64: 3584, 128>}]} {
    %get3A = arith.constant 0 : index
    %get3A_0 = arith.constant 0 : index
    %get3A_1 = arith.constant 0 : index
    %get3A_2 = vector.load %arg1[%get3A, %get3A_0, %get3A_1] : memref<9x1792x128xf32, #tpu.memory_space<vmem>>, vector<1x1792x128xf32>
    %get3A_3 = vector.shape_cast %get3A_2 : vector<1x1792x128xf32> to vector<1792x128xf32>
    %bitcast_convert_type3A = tpu.bitcast %get3A_3 : vector<1792x128xf32> -> vector<1792x128xi32>
    %shift_left3A = arith.constant 16 : i32
    %shift_left3A_4 = vector.broadcast %shift_left3A : i32 to vector<1792x128xi32>
    %shift_left3A_5 = arith.shli %bitcast_convert_type3A, %shift_left3A_4 : vector<1792x128xi32>
    %bitcast_convert_type3A_6 = tpu.bitcast %shift_left3A_5 : vector<1792x128xi32> -> vector<1792x128xf32>
    %and3A = arith.constant -65536 : i32
    %and3A_7 = vector.broadcast %and3A : i32 to vector<1792x128xi32>
    %and3A_8 = arith.andi %bitcast_convert_type3A, %and3A_7 : vector<1792x128xi32>
    %bitcast_convert_type3A_9 = tpu.bitcast %and3A_8 : vector<1792x128xi32> -> vector<1792x128xf32>
    %convert_element_type3A = arith.truncf %bitcast_convert_type3A_6 : vector<1792x128xf32> to vector<1792x128xbf16>
    %get3A_10 = arith.constant 0 : index
    %get3A_11 = arith.constant 0 : index
    %get3A_12 = arith.constant 0 : index
    %get3A_13 = vector.load %arg2[%get3A_10, %get3A_11, %get3A_12] : memref<9x128x128xbf16, #tpu.memory_space<vmem>>, vector<1x128x128xbf16>
    %get3A_14 = vector.shape_cast %get3A_13 : vector<1x128x128xbf16> to vector<128x128xbf16>
    %dot_general3A = arith.constant dense<0.000000e+00> : vector<1792x128xf32>
    %dot_general3A_15 = tpu.matmul %convert_element_type3A, %get3A_14, %dot_general3A {dimension_numbers = #tpu.dot_dimension_numbers<[1], [0], [0], [1], [0, 0, 1, 1], [], []>, transpose_lhs_hint = false} : vector<1792x128xbf16>, vector<128x128xbf16>, vector<1792x128xf32> -> vector<1792x128xf32>
    %convert_element_type3A_16 = arith.truncf %bitcast_convert_type3A_9 : vector<1792x128xf32> to vector<1792x128xbf16>
    %get3A_17 = arith.constant 0 : index
    %get3A_18 = arith.constant 0 : index
    %get3A_19 = arith.constant 0 : index
    %get3A_20 = vector.load %arg2[%get3A_17, %get3A_18, %get3A_19] : memref<9x128x128xbf16, #tpu.memory_space<vmem>>, vector<1x128x128xbf16>
    %get3A_21 = vector.shape_cast %get3A_20 : vector<1x128x128xbf16> to vector<128x128xbf16>
    %dot_general3A_22 = arith.constant dense<0.000000e+00> : vector<1792x128xf32>
    %dot_general3A_23 = tpu.matmul %convert_element_type3A_16, %get3A_21, %dot_general3A_22 {dimension_numbers = #tpu.dot_dimension_numbers<[1], [0], [0], [1], [0, 0, 1, 1], [], []>, transpose_lhs_hint = false} : vector<1792x128xbf16>, vector<128x128xbf16>, vector<1792x128xf32> -> vector<1792x128xf32>
    %get3A_24 = arith.constant 1 : index
    %get3A_25 = arith.constant 0 : index
    %get3A_26 = arith.constant 0 : index
    %get3A_27 = vector.load %arg1[%get3A_24, %get3A_25, %get3A_26] : memref<9x1792x128xf32, #tpu.memory_space<vmem>>, vector<1x1792x128xf32>
    %get3A_28 = vector.shape_cast %get3A_27 : vector<1x1792x128xf32> to vector<1792x128xf32>
    %bitcast_convert_type3A_29 = tpu.bitcast %get3A_28 : vector<1792x128xf32> -> vector<1792x128xi32>
    %shift_left3A_30 = arith.constant 16 : i32
    %shift_left3A_31 = vector.broadcast %shift_left3A_30 : i32 to vector<1792x128xi32>
    %shift_left3A_32 = arith.shli %bitcast_convert_type3A_29, %shift_left3A_31 : vector<1792x128xi32>
    %bitcast_convert_type3A_33 = tpu.bitcast %shift_left3A_32 : vector<1792x128xi32> -> vector<1792x128xf32>
    %and3A_34 = arith.constant -65536 : i32
    %and3A_35 = vector.broadcast %and3A_34 : i32 to vector<1792x128xi32>
    %and3A_36 = arith.andi %bitcast_convert_type3A_29, %and3A_35 : vector<1792x128xi32>
    %bitcast_convert_type3A_37 = tpu.bitcast %and3A_36 : vector<1792x128xi32> -> vector<1792x128xf32>
    %convert_element_type3A_38 = arith.truncf %bitcast_convert_type3A_33 : vector<1792x128xf32> to vector<1792x128xbf16>
    %get3A_39 = arith.constant 1 : index
    %get3A_40 = arith.constant 0 : index
    %get3A_41 = arith.constant 0 : index
    %get3A_42 = vector.load %arg2[%get3A_39, %get3A_40, %get3A_41] : memref<9x128x128xbf16, #tpu.memory_space<vmem>>, vector<1x128x128xbf16>
    %get3A_43 = vector.shape_cast %get3A_42 : vector<1x128x128xbf16> to vector<128x128xbf16>
    %dot_general3A_44 = arith.constant dense<0.000000e+00> : vector<1792x128xf32>
    %dot_general3A_45 = tpu.matmul %convert_element_type3A_38, %get3A_43, %dot_general3A_44 {dimension_numbers = #tpu.dot_dimension_numbers<[1], [0], [0], [1], [0, 0, 1, 1], [], []>, transpose_lhs_hint = false} : vector<1792x128xbf16>, vector<128x128xbf16>, vector<1792x128xf32> -> vector<1792x128xf32>
    %convert_element_type3A_46 = arith.truncf %bitcast_convert_type3A_37 : vector<1792x128xf32> to vector<1792x128xbf16>
    %get3A_47 = arith.constant 1 : index
    %get3A_48 = arith.constant 0 : index
    %get3A_49 = arith.constant 0 : index
    %get3A_50 = vector.load %arg2[%get3A_47, %get3A_48, %get3A_49] : memref<9x128x128xbf16, #tpu.memory_space<vmem>>, vector<1x128x128xbf16>
    %get3A_51 = vector.shape_cast %get3A_50 : vector<1x128x128xbf16> to vector<128x128xbf16>
    %dot_general3A_52 = arith.constant dense<0.000000e+00> : vector<1792x128xf32>
    %dot_general3A_53 = tpu.matmul %convert_element_type3A_46, %get3A_51, %dot_general3A_52 {dimension_numbers = #tpu.dot_dimension_numbers<[1], [0], [0], [1], [0, 0, 1, 1], [], []>, transpose_lhs_hint = false} : vector<1792x128xbf16>, vector<128x128xbf16>, vector<1792x128xf32> -> vector<1792x128xf32>
    %add3A = arith.addf %dot_general3A_15, %dot_general3A_45 : vector<1792x128xf32>
    %add3A_54 = arith.addf %dot_general3A_23, %dot_general3A_53 : vector<1792x128xf32>
    %get3A_55 = arith.constant 2 : index
    %get3A_56 = arith.constant 0 : index
    %get3A_57 = arith.constant 0 : index
    %get3A_58 = vector.load %arg1[%get3A_55, %get3A_56, %get3A_57] : memref<9x1792x128xf32, #tpu.memory_space<vmem>>, vector<1x1792x128xf32>
    %get3A_59 = vector.shape_cast %get3A_58 : vector<1x1792x128xf32> to vector<1792x128xf32>
    %bitcast_convert_type3A_60 = tpu.bitcast %get3A_59 : vector<1792x128xf32> -> vector<1792x128xi32>
    %shift_left3A_61 = arith.constant 16 : i32
    %shift_left3A_62 = vector.broadcast %shift_left3A_61 : i32 to vector<1792x128xi32>
    %shift_left3A_63 = arith.shli %bitcast_convert_type3A_60, %shift_left3A_62 : vector<1792x128xi32>
    %bitcast_convert_type3A_64 = tpu.bitcast %shift_left3A_63 : vector<1792x128xi32> -> vector<1792x128xf32>
    %and3A_65 = arith.constant -65536 : i32
    %and3A_66 = vector.broadcast %and3A_65 : i32 to vector<1792x128xi32>
    %and3A_67 = arith.andi %bitcast_convert_type3A_60, %and3A_66 : vector<1792x128xi32>
    %bitcast_convert_type3A_68 = tpu.bitcast %and3A_67 : vector<1792x128xi32> -> vector<1792x128xf32>
    %convert_element_type3A_69 = arith.truncf %bitcast_convert_type3A_64 : vector<1792x128xf32> to vector<1792x128xbf16>
    %get3A_70 = arith.constant 2 : index
    %get3A_71 = arith.constant 0 : index
    %get3A_72 = arith.constant 0 : index
    %get3A_73 = vector.load %arg2[%get3A_70, %get3A_71, %get3A_72] : memref<9x128x128xbf16, #tpu.memory_space<vmem>>, vector<1x128x128xbf16>
    %get3A_74 = vector.shape_cast %get3A_73 : vector<1x128x128xbf16> to vector<128x128xbf16>
    %dot_general3A_75 = arith.constant dense<0.000000e+00> : vector<1792x128xf32>
    %dot_general3A_76 = tpu.matmul %convert_element_type3A_69, %get3A_74, %dot_general3A_75 {dimension_numbers = #tpu.dot_dimension_numbers<[1], [0], [0], [1], [0, 0, 1, 1], [], []>, transpose_lhs_hint = false} : vector<1792x128xbf16>, vector<128x128xbf16>, vector<1792x128xf32> -> vector<1792x128xf32>
    %convert_element_type3A_77 = arith.truncf %bitcast_convert_type3A_68 : vector<1792x128xf32> to vector<1792x128xbf16>
    %get3A_78 = arith.constant 2 : index
    %get3A_79 = arith.constant 0 : index
    %get3A_80 = arith.constant 0 : index
    %get3A_81 = vector.load %arg2[%get3A_78, %get3A_79, %get3A_80] : memref<9x128x128xbf16, #tpu.memory_space<vmem>>, vector<1x128x128xbf16>
    %get3A_82 = vector.shape_cast %get3A_81 : vector<1x128x128xbf16> to vector<128x128xbf16>
    %dot_general3A_83 = arith.constant dense<0.000000e+00> : vector<1792x128xf32>
    %dot_general3A_84 = tpu.matmul %convert_element_type3A_77, %get3A_82, %dot_general3A_83 {dimension_numbers = #tpu.dot_dimension_numbers<[1], [0], [0], [1], [0, 0, 1, 1], [], []>, transpose_lhs_hint = false} : vector<1792x128xbf16>, vector<128x128xbf16>, vector<1792x128xf32> -> vector<1792x128xf32>
    %add3A_85 = arith.addf %add3A, %dot_general3A_76 : vector<1792x128xf32>
    %add3A_86 = arith.addf %add3A_54, %dot_general3A_84 : vector<1792x128xf32>
    %get3A_87 = arith.constant 3 : index
    %get3A_88 = arith.constant 0 : index
    %get3A_89 = arith.constant 0 : index
    %get3A_90 = vector.load %arg1[%get3A_87, %get3A_88, %get3A_89] : memref<9x1792x128xf32, #tpu.memory_space<vmem>>, vector<1x1792x128xf32>
    %get3A_91 = vector.shape_cast %get3A_90 : vector<1x1792x128xf32> to vector<1792x128xf32>
    %bitcast_convert_type3A_92 = tpu.bitcast %get3A_91 : vector<1792x128xf32> -> vector<1792x128xi32>
    %shift_left3A_93 = arith.constant 16 : i32
    %shift_left3A_94 = vector.broadcast %shift_left3A_93 : i32 to vector<1792x128xi32>
    %shift_left3A_95 = arith.shli %bitcast_convert_type3A_92, %shift_left3A_94 : vector<1792x128xi32>
    %bitcast_convert_type3A_96 = tpu.bitcast %shift_left3A_95 : vector<1792x128xi32> -> vector<1792x128xf32>
    %and3A_97 = arith.constant -65536 : i32
    %and3A_98 = vector.broadcast %and3A_97 : i32 to vector<1792x128xi32>
    %and3A_99 = arith.andi %bitcast_convert_type3A_92, %and3A_98 : vector<1792x128xi32>
    %bitcast_convert_type3A_100 = tpu.bitcast %and3A_99 : vector<1792x128xi32> -> vector<1792x128xf32>
    %convert_element_type3A_101 = arith.truncf %bitcast_convert_type3A_96 : vector<1792x128xf32> to vector<1792x128xbf16>
    %get3A_102 = arith.constant 3 : index
    %get3A_103 = arith.constant 0 : index
    %get3A_104 = arith.constant 0 : index
    %get3A_105 = vector.load %arg2[%get3A_102, %get3A_103, %get3A_104] : memref<9x128x128xbf16, #tpu.memory_space<vmem>>, vector<1x128x128xbf16>
    %get3A_106 = vector.shape_cast %get3A_105 : vector<1x128x128xbf16> to vector<128x128xbf16>
    %dot_general3A_107 = arith.constant dense<0.000000e+00> : vector<1792x128xf32>
    %dot_general3A_108 = tpu.matmul %convert_element_type3A_101, %get3A_106, %dot_general3A_107 {dimension_numbers = #tpu.dot_dimension_numbers<[1], [0], [0], [1], [0, 0, 1, 1], [], []>, transpose_lhs_hint = false} : vector<1792x128xbf16>, vector<128x128xbf16>, vector<1792x128xf32> -> vector<1792x128xf32>
    %convert_element_type3A_109 = arith.truncf %bitcast_convert_type3A_100 : vector<1792x128xf32> to vector<1792x128xbf16>
    %get3A_110 = arith.constant 3 : index
    %get3A_111 = arith.constant 0 : index
    %get3A_112 = arith.constant 0 : index
    %get3A_113 = vector.load %arg2[%get3A_110, %get3A_111, %get3A_112] : memref<9x128x128xbf16, #tpu.memory_space<vmem>>, vector<1x128x128xbf16>
    %get3A_114 = vector.shape_cast %get3A_113 : vector<1x128x128xbf16> to vector<128x128xbf16>
    %dot_general3A_115 = arith.constant dense<0.000000e+00> : vector<1792x128xf32>
    %dot_general3A_116 = tpu.matmul %convert_element_type3A_109, %get3A_114, %dot_general3A_115 {dimension_numbers = #tpu.dot_dimension_numbers<[1], [0], [0], [1], [0, 0, 1, 1], [], []>, transpose_lhs_hint = false} : vector<1792x128xbf16>, vector<128x128xbf16>, vector<1792x128xf32> -> vector<1792x128xf32>
    %add3A_117 = arith.addf %add3A_85, %dot_general3A_108 : vector<1792x128xf32>
    %add3A_118 = arith.addf %add3A_86, %dot_general3A_116 : vector<1792x128xf32>
    %get3A_119 = arith.constant 4 : index
    %get3A_120 = arith.constant 0 : index
    %get3A_121 = arith.constant 0 : index
    %get3A_122 = vector.load %arg1[%get3A_119, %get3A_120, %get3A_121] : memref<9x1792x128xf32, #tpu.memory_space<vmem>>, vector<1x1792x128xf32>
    %get3A_123 = vector.shape_cast %get3A_122 : vector<1x1792x128xf32> to vector<1792x128xf32>
    %bitcast_convert_type3A_124 = tpu.bitcast %get3A_123 : vector<1792x128xf32> -> vector<1792x128xi32>
    %shift_left3A_125 = arith.constant 16 : i32
    %shift_left3A_126 = vector.broadcast %shift_left3A_125 : i32 to vector<1792x128xi32>
    %shift_left3A_127 = arith.shli %bitcast_convert_type3A_124, %shift_left3A_126 : vector<1792x128xi32>
    %bitcast_convert_type3A_128 = tpu.bitcast %shift_left3A_127 : vector<1792x128xi32> -> vector<1792x128xf32>
    %and3A_129 = arith.constant -65536 : i32
    %and3A_130 = vector.broadcast %and3A_129 : i32 to vector<1792x128xi32>
    %and3A_131 = arith.andi %bitcast_convert_type3A_124, %and3A_130 : vector<1792x128xi32>
    %bitcast_convert_type3A_132 = tpu.bitcast %and3A_131 : vector<1792x128xi32> -> vector<1792x128xf32>
    %convert_element_type3A_133 = arith.truncf %bitcast_convert_type3A_128 : vector<1792x128xf32> to vector<1792x128xbf16>
    %get3A_134 = arith.constant 4 : index
    %get3A_135 = arith.constant 0 : index
    %get3A_136 = arith.constant 0 : index
    %get3A_137 = vector.load %arg2[%get3A_134, %get3A_135, %get3A_136] : memref<9x128x128xbf16, #tpu.memory_space<vmem>>, vector<1x128x128xbf16>
    %get3A_138 = vector.shape_cast %get3A_137 : vector<1x128x128xbf16> to vector<128x128xbf16>
    %dot_general3A_139 = arith.constant dense<0.000000e+00> : vector<1792x128xf32>
    %dot_general3A_140 = tpu.matmul %convert_element_type3A_133, %get3A_138, %dot_general3A_139 {dimension_numbers = #tpu.dot_dimension_numbers<[1], [0], [0], [1], [0, 0, 1, 1], [], []>, transpose_lhs_hint = false} : vector<1792x128xbf16>, vector<128x128xbf16>, vector<1792x128xf32> -> vector<1792x128xf32>
    %convert_element_type3A_141 = arith.truncf %bitcast_convert_type3A_132 : vector<1792x128xf32> to vector<1792x128xbf16>
    %get3A_142 = arith.constant 4 : index
    %get3A_143 = arith.constant 0 : index
    %get3A_144 = arith.constant 0 : index
    %get3A_145 = vector.load %arg2[%get3A_142, %get3A_143, %get3A_144] : memref<9x128x128xbf16, #tpu.memory_space<vmem>>, vector<1x128x128xbf16>
    %get3A_146 = vector.shape_cast %get3A_145 : vector<1x128x128xbf16> to vector<128x128xbf16>
    %dot_general3A_147 = arith.constant dense<0.000000e+00> : vector<1792x128xf32>
    %dot_general3A_148 = tpu.matmul %convert_element_type3A_141, %get3A_146, %dot_general3A_147 {dimension_numbers = #tpu.dot_dimension_numbers<[1], [0], [0], [1], [0, 0, 1, 1], [], []>, transpose_lhs_hint = false} : vector<1792x128xbf16>, vector<128x128xbf16>, vector<1792x128xf32> -> vector<1792x128xf32>
    %add3A_149 = arith.addf %add3A_117, %dot_general3A_140 : vector<1792x128xf32>
    %add3A_150 = arith.addf %add3A_118, %dot_general3A_148 : vector<1792x128xf32>
    %get3A_151 = arith.constant 5 : index
    %get3A_152 = arith.constant 0 : index
    %get3A_153 = arith.constant 0 : index
    %get3A_154 = vector.load %arg1[%get3A_151, %get3A_152, %get3A_153] : memref<9x1792x128xf32, #tpu.memory_space<vmem>>, vector<1x1792x128xf32>
    %get3A_155 = vector.shape_cast %get3A_154 : vector<1x1792x128xf32> to vector<1792x128xf32>
    %bitcast_convert_type3A_156 = tpu.bitcast %get3A_155 : vector<1792x128xf32> -> vector<1792x128xi32>
    %shift_left3A_157 = arith.constant 16 : i32
    %shift_left3A_158 = vector.broadcast %shift_left3A_157 : i32 to vector<1792x128xi32>
    %shift_left3A_159 = arith.shli %bitcast_convert_type3A_156, %shift_left3A_158 : vector<1792x128xi32>
    %bitcast_convert_type3A_160 = tpu.bitcast %shift_left3A_159 : vector<1792x128xi32> -> vector<1792x128xf32>
    %and3A_161 = arith.constant -65536 : i32
    %and3A_162 = vector.broadcast %and3A_161 : i32 to vector<1792x128xi32>
    %and3A_163 = arith.andi %bitcast_convert_type3A_156, %and3A_162 : vector<1792x128xi32>
    %bitcast_convert_type3A_164 = tpu.bitcast %and3A_163 : vector<1792x128xi32> -> vector<1792x128xf32>
    %convert_element_type3A_165 = arith.truncf %bitcast_convert_type3A_160 : vector<1792x128xf32> to vector<1792x128xbf16>
    %get3A_166 = arith.constant 5 : index
    %get3A_167 = arith.constant 0 : index
    %get3A_168 = arith.constant 0 : index
    %get3A_169 = vector.load %arg2[%get3A_166, %get3A_167, %get3A_168] : memref<9x128x128xbf16, #tpu.memory_space<vmem>>, vector<1x128x128xbf16>
    %get3A_170 = vector.shape_cast %get3A_169 : vector<1x128x128xbf16> to vector<128x128xbf16>
    %dot_general3A_171 = arith.constant dense<0.000000e+00> : vector<1792x128xf32>
    %dot_general3A_172 = tpu.matmul %convert_element_type3A_165, %get3A_170, %dot_general3A_171 {dimension_numbers = #tpu.dot_dimension_numbers<[1], [0], [0], [1], [0, 0, 1, 1], [], []>, transpose_lhs_hint = false} : vector<1792x128xbf16>, vector<128x128xbf16>, vector<1792x128xf32> -> vector<1792x128xf32>
    %convert_element_type3A_173 = arith.truncf %bitcast_convert_type3A_164 : vector<1792x128xf32> to vector<1792x128xbf16>
    %get3A_174 = arith.constant 5 : index
    %get3A_175 = arith.constant 0 : index
    %get3A_176 = arith.constant 0 : index
    %get3A_177 = vector.load %arg2[%get3A_174, %get3A_175, %get3A_176] : memref<9x128x128xbf16, #tpu.memory_space<vmem>>, vector<1x128x128xbf16>
    %get3A_178 = vector.shape_cast %get3A_177 : vector<1x128x128xbf16> to vector<128x128xbf16>
    %dot_general3A_179 = arith.constant dense<0.000000e+00> : vector<1792x128xf32>
    %dot_general3A_180 = tpu.matmul %convert_element_type3A_173, %get3A_178, %dot_general3A_179 {dimension_numbers = #tpu.dot_dimension_numbers<[1], [0], [0], [1], [0, 0, 1, 1], [], []>, transpose_lhs_hint = false} : vector<1792x128xbf16>, vector<128x128xbf16>, vector<1792x128xf32> -> vector<1792x128xf32>
    %add3A_181 = arith.addf %add3A_149, %dot_general3A_172 : vector<1792x128xf32>
    %add3A_182 = arith.addf %add3A_150, %dot_general3A_180 : vector<1792x128xf32>
    %get3A_183 = arith.constant 6 : index
    %get3A_184 = arith.constant 0 : index
    %get3A_185 = arith.constant 0 : index
    %get3A_186 = vector.load %arg1[%get3A_183, %get3A_184, %get3A_185] : memref<9x1792x128xf32, #tpu.memory_space<vmem>>, vector<1x1792x128xf32>
    %get3A_187 = vector.shape_cast %get3A_186 : vector<1x1792x128xf32> to vector<1792x128xf32>
    %bitcast_convert_type3A_188 = tpu.bitcast %get3A_187 : vector<1792x128xf32> -> vector<1792x128xi32>
    %shift_left3A_189 = arith.constant 16 : i32
    %shift_left3A_190 = vector.broadcast %shift_left3A_189 : i32 to vector<1792x128xi32>
    %shift_left3A_191 = arith.shli %bitcast_convert_type3A_188, %shift_left3A_190 : vector<1792x128xi32>
    %bitcast_convert_type3A_192 = tpu.bitcast %shift_left3A_191 : vector<1792x128xi32> -> vector<1792x128xf32>
    %and3A_193 = arith.constant -65536 : i32
    %and3A_194 = vector.broadcast %and3A_193 : i32 to vector<1792x128xi32>
    %and3A_195 = arith.andi %bitcast_convert_type3A_188, %and3A_194 : vector<1792x128xi32>
    %bitcast_convert_type3A_196 = tpu.bitcast %and3A_195 : vector<1792x128xi32> -> vector<1792x128xf32>
    %convert_element_type3A_197 = arith.truncf %bitcast_convert_type3A_192 : vector<1792x128xf32> to vector<1792x128xbf16>
    %get3A_198 = arith.constant 6 : index
    %get3A_199 = arith.constant 0 : index
    %get3A_200 = arith.constant 0 : index
    %get3A_201 = vector.load %arg2[%get3A_198, %get3A_199, %get3A_200] : memref<9x128x128xbf16, #tpu.memory_space<vmem>>, vector<1x128x128xbf16>
    %get3A_202 = vector.shape_cast %get3A_201 : vector<1x128x128xbf16> to vector<128x128xbf16>
    %dot_general3A_203 = arith.constant dense<0.000000e+00> : vector<1792x128xf32>
    %dot_general3A_204 = tpu.matmul %convert_element_type3A_197, %get3A_202, %dot_general3A_203 {dimension_numbers = #tpu.dot_dimension_numbers<[1], [0], [0], [1], [0, 0, 1, 1], [], []>, transpose_lhs_hint = false} : vector<1792x128xbf16>, vector<128x128xbf16>, vector<1792x128xf32> -> vector<1792x128xf32>
    %convert_element_type3A_205 = arith.truncf %bitcast_convert_type3A_196 : vector<1792x128xf32> to vector<1792x128xbf16>
    %get3A_206 = arith.constant 6 : index
    %get3A_207 = arith.constant 0 : index
    %get3A_208 = arith.constant 0 : index
    %get3A_209 = vector.load %arg2[%get3A_206, %get3A_207, %get3A_208] : memref<9x128x128xbf16, #tpu.memory_space<vmem>>, vector<1x128x128xbf16>
    %get3A_210 = vector.shape_cast %get3A_209 : vector<1x128x128xbf16> to vector<128x128xbf16>
    %dot_general3A_211 = arith.constant dense<0.000000e+00> : vector<1792x128xf32>
    %dot_general3A_212 = tpu.matmul %convert_element_type3A_205, %get3A_210, %dot_general3A_211 {dimension_numbers = #tpu.dot_dimension_numbers<[1], [0], [0], [1], [0, 0, 1, 1], [], []>, transpose_lhs_hint = false} : vector<1792x128xbf16>, vector<128x128xbf16>, vector<1792x128xf32> -> vector<1792x128xf32>
    %add3A_213 = arith.addf %add3A_181, %dot_general3A_204 : vector<1792x128xf32>
    %add3A_214 = arith.addf %add3A_182, %dot_general3A_212 : vector<1792x128xf32>
    %get3A_215 = arith.constant 7 : index
    %get3A_216 = arith.constant 0 : index
    %get3A_217 = arith.constant 0 : index
    %get3A_218 = vector.load %arg1[%get3A_215, %get3A_216, %get3A_217] : memref<9x1792x128xf32, #tpu.memory_space<vmem>>, vector<1x1792x128xf32>
    %get3A_219 = vector.shape_cast %get3A_218 : vector<1x1792x128xf32> to vector<1792x128xf32>
    %bitcast_convert_type3A_220 = tpu.bitcast %get3A_219 : vector<1792x128xf32> -> vector<1792x128xi32>
    %shift_left3A_221 = arith.constant 16 : i32
    %shift_left3A_222 = vector.broadcast %shift_left3A_221 : i32 to vector<1792x128xi32>
    %shift_left3A_223 = arith.shli %bitcast_convert_type3A_220, %shift_left3A_222 : vector<1792x128xi32>
    %bitcast_convert_type3A_224 = tpu.bitcast %shift_left3A_223 : vector<1792x128xi32> -> vector<1792x128xf32>
    %and3A_225 = arith.constant -65536 : i32
    %and3A_226 = vector.broadcast %and3A_225 : i32 to vector<1792x128xi32>
    %and3A_227 = arith.andi %bitcast_convert_type3A_220, %and3A_226 : vector<1792x128xi32>
    %bitcast_convert_type3A_228 = tpu.bitcast %and3A_227 : vector<1792x128xi32> -> vector<1792x128xf32>
    %convert_element_type3A_229 = arith.truncf %bitcast_convert_type3A_224 : vector<1792x128xf32> to vector<1792x128xbf16>
    %get3A_230 = arith.constant 7 : index
    %get3A_231 = arith.constant 0 : index
    %get3A_232 = arith.constant 0 : index
    %get3A_233 = vector.load %arg2[%get3A_230, %get3A_231, %get3A_232] : memref<9x128x128xbf16, #tpu.memory_space<vmem>>, vector<1x128x128xbf16>
    %get3A_234 = vector.shape_cast %get3A_233 : vector<1x128x128xbf16> to vector<128x128xbf16>
    %dot_general3A_235 = arith.constant dense<0.000000e+00> : vector<1792x128xf32>
    %dot_general3A_236 = tpu.matmul %convert_element_type3A_229, %get3A_234, %dot_general3A_235 {dimension_numbers = #tpu.dot_dimension_numbers<[1], [0], [0], [1], [0, 0, 1, 1], [], []>, transpose_lhs_hint = false} : vector<1792x128xbf16>, vector<128x128xbf16>, vector<1792x128xf32> -> vector<1792x128xf32>
    %convert_element_type3A_237 = arith.truncf %bitcast_convert_type3A_228 : vector<1792x128xf32> to vector<1792x128xbf16>
    %get3A_238 = arith.constant 7 : index
    %get3A_239 = arith.constant 0 : index
    %get3A_240 = arith.constant 0 : index
    %get3A_241 = vector.load %arg2[%get3A_238, %get3A_239, %get3A_240] : memref<9x128x128xbf16, #tpu.memory_space<vmem>>, vector<1x128x128xbf16>
    %get3A_242 = vector.shape_cast %get3A_241 : vector<1x128x128xbf16> to vector<128x128xbf16>
    %dot_general3A_243 = arith.constant dense<0.000000e+00> : vector<1792x128xf32>
    %dot_general3A_244 = tpu.matmul %convert_element_type3A_237, %get3A_242, %dot_general3A_243 {dimension_numbers = #tpu.dot_dimension_numbers<[1], [0], [0], [1], [0, 0, 1, 1], [], []>, transpose_lhs_hint = false} : vector<1792x128xbf16>, vector<128x128xbf16>, vector<1792x128xf32> -> vector<1792x128xf32>
    %add3A_245 = arith.addf %add3A_213, %dot_general3A_236 : vector<1792x128xf32>
    %add3A_246 = arith.addf %add3A_214, %dot_general3A_244 : vector<1792x128xf32>
    %get3A_247 = arith.constant 8 : index
    %get3A_248 = arith.constant 0 : index
    %get3A_249 = arith.constant 0 : index
    %get3A_250 = vector.load %arg1[%get3A_247, %get3A_248, %get3A_249] : memref<9x1792x128xf32, #tpu.memory_space<vmem>>, vector<1x1792x128xf32>
    %get3A_251 = vector.shape_cast %get3A_250 : vector<1x1792x128xf32> to vector<1792x128xf32>
    %bitcast_convert_type3A_252 = tpu.bitcast %get3A_251 : vector<1792x128xf32> -> vector<1792x128xi32>
    %shift_left3A_253 = arith.constant 16 : i32
    %shift_left3A_254 = vector.broadcast %shift_left3A_253 : i32 to vector<1792x128xi32>
    %shift_left3A_255 = arith.shli %bitcast_convert_type3A_252, %shift_left3A_254 : vector<1792x128xi32>
    %bitcast_convert_type3A_256 = tpu.bitcast %shift_left3A_255 : vector<1792x128xi32> -> vector<1792x128xf32>
    %and3A_257 = arith.constant -65536 : i32
    %and3A_258 = vector.broadcast %and3A_257 : i32 to vector<1792x128xi32>
    %and3A_259 = arith.andi %bitcast_convert_type3A_252, %and3A_258 : vector<1792x128xi32>
    %bitcast_convert_type3A_260 = tpu.bitcast %and3A_259 : vector<1792x128xi32> -> vector<1792x128xf32>
    %convert_element_type3A_261 = arith.truncf %bitcast_convert_type3A_256 : vector<1792x128xf32> to vector<1792x128xbf16>
    %get3A_262 = arith.constant 8 : index
    %get3A_263 = arith.constant 0 : index
    %get3A_264 = arith.constant 0 : index
    %get3A_265 = vector.load %arg2[%get3A_262, %get3A_263, %get3A_264] : memref<9x128x128xbf16, #tpu.memory_space<vmem>>, vector<1x128x128xbf16>
    %get3A_266 = vector.shape_cast %get3A_265 : vector<1x128x128xbf16> to vector<128x128xbf16>
    %dot_general3A_267 = arith.constant dense<0.000000e+00> : vector<1792x128xf32>
    %dot_general3A_268 = tpu.matmul %convert_element_type3A_261, %get3A_266, %dot_general3A_267 {dimension_numbers = #tpu.dot_dimension_numbers<[1], [0], [0], [1], [0, 0, 1, 1], [], []>, transpose_lhs_hint = false} : vector<1792x128xbf16>, vector<128x128xbf16>, vector<1792x128xf32> -> vector<1792x128xf32>
    %convert_element_type3A_269 = arith.truncf %bitcast_convert_type3A_260 : vector<1792x128xf32> to vector<1792x128xbf16>
    %get3A_270 = arith.constant 8 : index
    %get3A_271 = arith.constant 0 : index
    %get3A_272 = arith.constant 0 : index
    %get3A_273 = vector.load %arg2[%get3A_270, %get3A_271, %get3A_272] : memref<9x128x128xbf16, #tpu.memory_space<vmem>>, vector<1x128x128xbf16>
    %get3A_274 = vector.shape_cast %get3A_273 : vector<1x128x128xbf16> to vector<128x128xbf16>
    %dot_general3A_275 = arith.constant dense<0.000000e+00> : vector<1792x128xf32>
    %dot_general3A_276 = tpu.matmul %convert_element_type3A_269, %get3A_274, %dot_general3A_275 {dimension_numbers = #tpu.dot_dimension_numbers<[1], [0], [0], [1], [0, 0, 1, 1], [], []>, transpose_lhs_hint = false} : vector<1792x128xbf16>, vector<128x128xbf16>, vector<1792x128xf32> -> vector<1792x128xf32>
    %add3A_277 = arith.addf %add3A_245, %dot_general3A_268 : vector<1792x128xf32>
    %add3A_278 = arith.addf %add3A_246, %dot_general3A_276 : vector<1792x128xf32>
    %slice3A = vector.extract_strided_slice %add3A_277 {offsets = [0, 0], sizes = [64, 128], strides = [1, 1]} : vector<1792x128xf32> to vector<64x128xf32>
    %swap3A = arith.constant 0 : index
    %swap3A_279 = arith.constant 0 : index
    %swap3A_280 = vector.load %arg3[%swap3A, %swap3A_279] : memref<3584x128xf32, #tpu.memory_space<vmem>>, vector<64x128xf32>
    tpu.vector_store %arg3[%swap3A, %swap3A_279], %slice3A {strides = array<i32>} : memref<3584x128xf32, #tpu.memory_space<vmem>>, vector<64x128xf32>,
    %slice3A_281 = vector.extract_strided_slice %add3A_278 {offsets = [0, 0], sizes = [64, 128], strides = [1, 1]} : vector<1792x128xf32> to vector<64x128xf32>
    %swap3A_282 = arith.constant 64 : index
    %swap3A_283 = arith.constant 0 : index
    %swap3A_284 = vector.load %arg3[%swap3A_282, %swap3A_283] : memref<3584x128xf32, #tpu.memory_space<vmem>>, vector<64x128xf32>
    tpu.vector_store %arg3[%swap3A_282, %swap3A_283], %slice3A_281 {strides = array<i32>} : memref<3584x128xf32, #tpu.memory_space<vmem>>, vector<64x128xf32>,
    %slice3A_285 = vector.extract_strided_slice %add3A_277 {offsets = [64, 0], sizes = [64, 128], strides = [1, 1]} : vector<1792x128xf32> to vector<64x128xf32>
    %swap3A_286 = arith.constant 128 : index
    %swap3A_287 = arith.constant 0 : index
    %swap3A_288 = vector.load %arg3[%swap3A_286, %swap3A_287] : memref<3584x128xf32, #tpu.memory_space<vmem>>, vector<64x128xf32>
    tpu.vector_store %arg3[%swap3A_286, %swap3A_287], %slice3A_285 {strides = array<i32>} : memref<3584x128xf32, #tpu.memory_space<vmem>>, vector<64x128xf32>,
    %slice3A_289 = vector.extract_strided_slice %add3A_278 {offsets = [64, 0], sizes = [64, 128], strides = [1, 1]} : vector<1792x128xf32> to vector<64x128xf32>
    %swap3A_290 = arith.constant 192 : index
    %swap3A_291 = arith.constant 0 : index
    %swap3A_292 = vector.load %arg3[%swap3A_290, %swap3A_291] : memref<3584x128xf32, #tpu.memory_space<vmem>>, vector<64x128xf32>
    tpu.vector_store %arg3[%swap3A_290, %swap3A_291], %slice3A_289 {strides = array<i32>} : memref<3584x128xf32, #tpu.memory_space<vmem>>, vector<64x128xf32>,
    %slice3A_293 = vector.extract_strided_slice %add3A_277 {offsets = [128, 0], sizes = [64, 128], strides = [1, 1]} : vector<1792x128xf32> to vector<64x128xf32>
    %swap3A_294 = arith.constant 256 : index
    %swap3A_295 = arith.constant 0 : index
    %swap3A_296 = vector.load %arg3[%swap3A_294, %swap3A_295] : memref<3584x128xf32, #tpu.memory_space<vmem>>, vector<64x128xf32>
    tpu.vector_store %arg3[%swap3A_294, %swap3A_295], %slice3A_293 {strides = array<i32>} : memref<3584x128xf32, #tpu.memory_space<vmem>>, vector<64x128xf32>,
    %slice3A_297 = vector.extract_strided_slice %add3A_278 {offsets = [128, 0], sizes = [64, 128], strides = [1, 1]} : vector<1792x128xf32> to vector<64x128xf32>
    %swap3A_298 = arith.constant 320 : index
    %swap3A_299 = arith.constant 0 : index
    %swap3A_300 = vector.load %arg3[%swap3A_298, %swap3A_299] : memref<3584x128xf32, #tpu.memory_space<vmem>>, vector<64x128xf32>
    tpu.vector_store %arg3[%swap3A_298, %swap3A_299], %slice3A_297 {strides = array<i32>} : memref<3584x128xf32, #tpu.memory_space<vmem>>, vector<64x128xf32>,
    %slice3A_301 = vector.extract_strided_slice %add3A_277 {offsets = [192, 0], sizes = [64, 128], strides = [1, 1]} : vector<1792x128xf32> to vector<64x128xf32>
    %swap3A_302 = arith.constant 384 : index
    %swap3A_303 = arith.constant 0 : index
    %swap3A_304 = vector.load %arg3[%swap3A_302, %swap3A_303] : memref<3584x128xf32, #tpu.memory_space<vmem>>, vector<64x128xf32>
    tpu.vector_store %arg3[%swap3A_302, %swap3A_303], %slice3A_301 {strides = array<i32>} : memref<3584x128xf32, #tpu.memory_space<vmem>>, vector<64x128xf32>,
    %slice3A_305 = vector.extract_strided_slice %add3A_278 {offsets = [192, 0], sizes = [64, 128], strides = [1, 1]} : vector<1792x128xf32> to vector<64x128xf32>
    %swap3A_306 = arith.constant 448 : index
    %swap3A_307 = arith.constant 0 : index
    %swap3A_308 = vector.load %arg3[%swap3A_306, %swap3A_307] : memref<3584x128xf32, #tpu.memory_space<vmem>>, vector<64x128xf32>
    tpu.vector_store %arg3[%swap3A_306, %swap3A_307], %slice3A_305 {strides = array<i32>} : memref<3584x128xf32, #tpu.memory_space<vmem>>, vector<64x128xf32>,
    %slice3A_309 = vector.extract_strided_slice %add3A_277 {offsets = [256, 0], sizes = [64, 128], strides = [1, 1]} : vector<1792x128xf32> to vector<64x128xf32>
    %swap3A_310 = arith.constant 512 : index
    %swap3A_311 = arith.constant 0 : index
    %swap3A_312 = vector.load %arg3[%swap3A_310, %swap3A_311] : memref<3584x128xf32, #tpu.memory_space<vmem>>, vector<64x128xf32>
    tpu.vector_store %arg3[%swap3A_310, %swap3A_311], %slice3A_309 {strides = array<i32>} : memref<3584x128xf32, #tpu.memory_space<vmem>>, vector<64x128xf32>,
    %slice3A_313 = vector.extract_strided_slice %add3A_278 {offsets = [256, 0], sizes = [64, 128], strides = [1, 1]} : vector<1792x128xf32> to vector<64x128xf32>
    %swap3A_314 = arith.constant 576 : index
    %swap3A_315 = arith.constant 0 : index
    %swap3A_316 = vector.load %arg3[%swap3A_314, %swap3A_315] : memref<3584x128xf32, #tpu.memory_space<vmem>>, vector<64x128xf32>
    tpu.vector_store %arg3[%swap3A_314, %swap3A_315], %slice3A_313 {strides = array<i32>} : memref<3584x128xf32, #tpu.memory_space<vmem>>, vector<64x128xf32>,
    %slice3A_317 = vector.extract_strided_slice %add3A_277 {offsets = [320, 0], sizes = [64, 128], strides = [1, 1]} : vector<1792x128xf32> to vector<64x128xf32>
    %swap3A_318 = arith.constant 640 : index
    %swap3A_319 = arith.constant 0 : index
    %swap3A_320 = vector.load %arg3[%swap3A_318, %swap3A_319] : memref<3584x128xf32, #tpu.memory_space<vmem>>, vector<64x128xf32>
    tpu.vector_store %arg3[%swap3A_318, %swap3A_319], %slice3A_317 {strides = array<i32>} : memref<3584x128xf32, #tpu.memory_space<vmem>>, vector<64x128xf32>,
    %slice3A_321 = vector.extract_strided_slice %add3A_278 {offsets = [320, 0], sizes = [64, 128], strides = [1, 1]} : vector<1792x128xf32> to vector<64x128xf32>
    %swap3A_322 = arith.constant 704 : index
    %swap3A_323 = arith.constant 0 : index
    %swap3A_324 = vector.load %arg3[%swap3A_322, %swap3A_323] : memref<3584x128xf32, #tpu.memory_space<vmem>>, vector<64x128xf32>
    tpu.vector_store %arg3[%swap3A_322, %swap3A_323], %slice3A_321 {strides = array<i32>} : memref<3584x128xf32, #tpu.memory_space<vmem>>, vector<64x128xf32>,
    %slice3A_325 = vector.extract_strided_slice %add3A_277 {offsets = [384, 0], sizes = [64, 128], strides = [1, 1]} : vector<1792x128xf32> to vector<64x128xf32>
    %swap3A_326 = arith.constant 768 : index
    %swap3A_327 = arith.constant 0 : index
    %swap3A_328 = vector.load %arg3[%swap3A_326, %swap3A_327] : memref<3584x128xf32, #tpu.memory_space<vmem>>, vector<64x128xf32>
    tpu.vector_store %arg3[%swap3A_326, %swap3A_327], %slice3A_325 {strides = array<i32>} : memref<3584x128xf32, #tpu.memory_space<vmem>>, vector<64x128xf32>,
    %slice3A_329 = vector.extract_strided_slice %add3A_278 {offsets = [384, 0], sizes = [64, 128], strides = [1, 1]} : vector<1792x128xf32> to vector<64x128xf32>
    %swap3A_330 = arith.constant 832 : index
    %swap3A_331 = arith.constant 0 : index
    %swap3A_332 = vector.load %arg3[%swap3A_330, %swap3A_331] : memref<3584x128xf32, #tpu.memory_space<vmem>>, vector<64x128xf32>
    tpu.vector_store %arg3[%swap3A_330, %swap3A_331], %slice3A_329 {strides = array<i32>} : memref<3584x128xf32, #tpu.memory_space<vmem>>, vector<64x128xf32>,
    %slice3A_333 = vector.extract_strided_slice %add3A_277 {offsets = [448, 0], sizes = [64, 128], strides = [1, 1]} : vector<1792x128xf32> to vector<64x128xf32>
    %swap3A_334 = arith.constant 896 : index
    %swap3A_335 = arith.constant 0 : index
    %swap3A_336 = vector.load %arg3[%swap3A_334, %swap3A_335] : memref<3584x128xf32, #tpu.memory_space<vmem>>, vector<64x128xf32>
    tpu.vector_store %arg3[%swap3A_334, %swap3A_335], %slice3A_333 {strides = array<i32>} : memref<3584x128xf32, #tpu.memory_space<vmem>>, vector<64x128xf32>,
    %slice3A_337 = vector.extract_strided_slice %add3A_278 {offsets = [448, 0], sizes = [64, 128], strides = [1, 1]} : vector<1792x128xf32> to vector<64x128xf32>
    %swap3A_338 = arith.constant 960 : index
    %swap3A_339 = arith.constant 0 : index
    %swap3A_340 = vector.load %arg3[%swap3A_338, %swap3A_339] : memref<3584x128xf32, #tpu.memory_space<vmem>>, vector<64x128xf32>
    tpu.vector_store %arg3[%swap3A_338, %swap3A_339], %slice3A_337 {strides = array<i32>} : memref<3584x128xf32, #tpu.memory_space<vmem>>, vector<64x128xf32>,
    %slice3A_341 = vector.extract_strided_slice %add3A_277 {offsets = [512, 0], sizes = [64, 128], strides = [1, 1]} : vector<1792x128xf32> to vector<64x128xf32>
    %swap3A_342 = arith.constant 1024 : index
    %swap3A_343 = arith.constant 0 : index
    %swap3A_344 = vector.load %arg3[%swap3A_342, %swap3A_343] : memref<3584x128xf32, #tpu.memory_space<vmem>>, vector<64x128xf32>
    tpu.vector_store %arg3[%swap3A_342, %swap3A_343], %slice3A_341 {strides = array<i32>} : memref<3584x128xf32, #tpu.memory_space<vmem>>, vector<64x128xf32>,
    %slice3A_345 = vector.extract_strided_slice %add3A_278 {offsets = [512, 0], sizes = [64, 128], strides = [1, 1]} : vector<1792x128xf32> to vector<64x128xf32>
    %swap3A_346 = arith.constant 1088 : index
    %swap3A_347 = arith.constant 0 : index
    %swap3A_348 = vector.load %arg3[%swap3A_346, %swap3A_347] : memref<3584x128xf32, #tpu.memory_space<vmem>>, vector<64x128xf32>
    tpu.vector_store %arg3[%swap3A_346, %swap3A_347], %slice3A_345 {strides = array<i32>} : memref<3584x128xf32, #tpu.memory_space<vmem>>, vector<64x128xf32>,
    %slice3A_349 = vector.extract_strided_slice %add3A_277 {offsets = [576, 0], sizes = [64, 128], strides = [1, 1]} : vector<1792x128xf32> to vector<64x128xf32>
    %swap3A_350 = arith.constant 1152 : index
    %swap3A_351 = arith.constant 0 : index
    %swap3A_352 = vector.load %arg3[%swap3A_350, %swap3A_351] : memref<3584x128xf32, #tpu.memory_space<vmem>>, vector<64x128xf32>
    tpu.vector_store %arg3[%swap3A_350, %swap3A_351], %slice3A_349 {strides = array<i32>} : memref<3584x128xf32, #tpu.memory_space<vmem>>, vector<64x128xf32>,
    %slice3A_353 = vector.extract_strided_slice %add3A_278 {offsets = [576, 0], sizes = [64, 128], strides = [1, 1]} : vector<1792x128xf32> to vector<64x128xf32>
    %swap3A_354 = arith.constant 1216 : index
    %swap3A_355 = arith.constant 0 : index
    %swap3A_356 = vector.load %arg3[%swap3A_354, %swap3A_355] : memref<3584x128xf32, #tpu.memory_space<vmem>>, vector<64x128xf32>
    tpu.vector_store %arg3[%swap3A_354, %swap3A_355], %slice3A_353 {strides = array<i32>} : memref<3584x128xf32, #tpu.memory_space<vmem>>, vector<64x128xf32>,
    %slice3A_357 = vector.extract_strided_slice %add3A_277 {offsets = [640, 0], sizes = [64, 128], strides = [1, 1]} : vector<1792x128xf32> to vector<64x128xf32>
    %swap3A_358 = arith.constant 1280 : index
    %swap3A_359 = arith.constant 0 : index
    %swap3A_360 = vector.load %arg3[%swap3A_358, %swap3A_359] : memref<3584x128xf32, #tpu.memory_space<vmem>>, vector<64x128xf32>
    tpu.vector_store %arg3[%swap3A_358, %swap3A_359], %slice3A_357 {strides = array<i32>} : memref<3584x128xf32, #tpu.memory_space<vmem>>, vector<64x128xf32>,
    %slice3A_361 = vector.extract_strided_slice %add3A_278 {offsets = [640, 0], sizes = [64, 128], strides = [1, 1]} : vector<1792x128xf32> to vector<64x128xf32>
    %swap3A_362 = arith.constant 1344 : index
    %swap3A_363 = arith.constant 0 : index
    %swap3A_364 = vector.load %arg3[%swap3A_362, %swap3A_363] : memref<3584x128xf32, #tpu.memory_space<vmem>>, vector<64x128xf32>
    tpu.vector_store %arg3[%swap3A_362, %swap3A_363], %slice3A_361 {strides = array<i32>} : memref<3584x128xf32, #tpu.memory_space<vmem>>, vector<64x128xf32>,
    %slice3A_365 = vector.extract_strided_slice %add3A_277 {offsets = [704, 0], sizes = [64, 128], strides = [1, 1]} : vector<1792x128xf32> to vector<64x128xf32>
    %swap3A_366 = arith.constant 1408 : index
    %swap3A_367 = arith.constant 0 : index
    %swap3A_368 = vector.load %arg3[%swap3A_366, %swap3A_367] : memref<3584x128xf32, #tpu.memory_space<vmem>>, vector<64x128xf32>
    tpu.vector_store %arg3[%swap3A_366, %swap3A_367], %slice3A_365 {strides = array<i32>} : memref<3584x128xf32, #tpu.memory_space<vmem>>, vector<64x128xf32>,
    %slice3A_369 = vector.extract_strided_slice %add3A_278 {offsets = [704, 0], sizes = [64, 128], strides = [1, 1]} : vector<1792x128xf32> to vector<64x128xf32>
    %swap3A_370 = arith.constant 1472 : index
    %swap3A_371 = arith.constant 0 : index
    %swap3A_372 = vector.load %arg3[%swap3A_370, %swap3A_371] : memref<3584x128xf32, #tpu.memory_space<vmem>>, vector<64x128xf32>
    tpu.vector_store %arg3[%swap3A_370, %swap3A_371], %slice3A_369 {strides = array<i32>} : memref<3584x128xf32, #tpu.memory_space<vmem>>, vector<64x128xf32>,
    %slice3A_373 = vector.extract_strided_slice %add3A_277 {offsets = [768, 0], sizes = [64, 128], strides = [1, 1]} : vector<1792x128xf32> to vector<64x128xf32>
    %swap3A_374 = arith.constant 1536 : index
    %swap3A_375 = arith.constant 0 : index
    %swap3A_376 = vector.load %arg3[%swap3A_374, %swap3A_375] : memref<3584x128xf32, #tpu.memory_space<vmem>>, vector<64x128xf32>
    tpu.vector_store %arg3[%swap3A_374, %swap3A_375], %slice3A_373 {strides = array<i32>} : memref<3584x128xf32, #tpu.memory_space<vmem>>, vector<64x128xf32>,
    %slice3A_377 = vector.extract_strided_slice %add3A_278 {offsets = [768, 0], sizes = [64, 128], strides = [1, 1]} : vector<1792x128xf32> to vector<64x128xf32>
    %swap3A_378 = arith.constant 1600 : index
    %swap3A_379 = arith.constant 0 : index
    %swap3A_380 = vector.load %arg3[%swap3A_378, %swap3A_379] : memref<3584x128xf32, #tpu.memory_space<vmem>>, vector<64x128xf32>
    tpu.vector_store %arg3[%swap3A_378, %swap3A_379], %slice3A_377 {strides = array<i32>} : memref<3584x128xf32, #tpu.memory_space<vmem>>, vector<64x128xf32>,
    %slice3A_381 = vector.extract_strided_slice %add3A_277 {offsets = [832, 0], sizes = [64, 128], strides = [1, 1]} : vector<1792x128xf32> to vector<64x128xf32>
    %swap3A_382 = arith.constant 1664 : index
    %swap3A_383 = arith.constant 0 : index
    %swap3A_384 = vector.load %arg3[%swap3A_382, %swap3A_383] : memref<3584x128xf32, #tpu.memory_space<vmem>>, vector<64x128xf32>
    tpu.vector_store %arg3[%swap3A_382, %swap3A_383], %slice3A_381 {strides = array<i32>} : memref<3584x128xf32, #tpu.memory_space<vmem>>, vector<64x128xf32>,
    %slice3A_385 = vector.extract_strided_slice %add3A_278 {offsets = [832, 0], sizes = [64, 128], strides = [1, 1]} : vector<1792x128xf32> to vector<64x128xf32>
    %swap3A_386 = arith.constant 1728 : index
    %swap3A_387 = arith.constant 0 : index
    %swap3A_388 = vector.load %arg3[%swap3A_386, %swap3A_387] : memref<3584x128xf32, #tpu.memory_space<vmem>>, vector<64x128xf32>
    tpu.vector_store %arg3[%swap3A_386, %swap3A_387], %slice3A_385 {strides = array<i32>} : memref<3584x128xf32, #tpu.memory_space<vmem>>, vector<64x128xf32>,
    %slice3A_389 = vector.extract_strided_slice %add3A_277 {offsets = [896, 0], sizes = [64, 128], strides = [1, 1]} : vector<1792x128xf32> to vector<64x128xf32>
    %swap3A_390 = arith.constant 1792 : index
    %swap3A_391 = arith.constant 0 : index
    %swap3A_392 = vector.load %arg3[%swap3A_390, %swap3A_391] : memref<3584x128xf32, #tpu.memory_space<vmem>>, vector<64x128xf32>
    tpu.vector_store %arg3[%swap3A_390, %swap3A_391], %slice3A_389 {strides = array<i32>} : memref<3584x128xf32, #tpu.memory_space<vmem>>, vector<64x128xf32>,
    %slice3A_393 = vector.extract_strided_slice %add3A_278 {offsets = [896, 0], sizes = [64, 128], strides = [1, 1]} : vector<1792x128xf32> to vector<64x128xf32>
    %swap3A_394 = arith.constant 1856 : index
    %swap3A_395 = arith.constant 0 : index
    %swap3A_396 = vector.load %arg3[%swap3A_394, %swap3A_395] : memref<3584x128xf32, #tpu.memory_space<vmem>>, vector<64x128xf32>
    tpu.vector_store %arg3[%swap3A_394, %swap3A_395], %slice3A_393 {strides = array<i32>} : memref<3584x128xf32, #tpu.memory_space<vmem>>, vector<64x128xf32>,
    %slice3A_397 = vector.extract_strided_slice %add3A_277 {offsets = [960, 0], sizes = [64, 128], strides = [1, 1]} : vector<1792x128xf32> to vector<64x128xf32>
    %swap3A_398 = arith.constant 1920 : index
    %swap3A_399 = arith.constant 0 : index
    %swap3A_400 = vector.load %arg3[%swap3A_398, %swap3A_399] : memref<3584x128xf32, #tpu.memory_space<vmem>>, vector<64x128xf32>
    tpu.vector_store %arg3[%swap3A_398, %swap3A_399], %slice3A_397 {strides = array<i32>} : memref<3584x128xf32, #tpu.memory_space<vmem>>, vector<64x128xf32>,
    %slice3A_401 = vector.extract_strided_slice %add3A_278 {offsets = [960, 0], sizes = [64, 128], strides = [1, 1]} : vector<1792x128xf32> to vector<64x128xf32>
    %swap3A_402 = arith.constant 1984 : index
    %swap3A_403 = arith.constant 0 : index
    %swap3A_404 = vector.load %arg3[%swap3A_402, %swap3A_403] : memref<3584x128xf32, #tpu.memory_space<vmem>>, vector<64x128xf32>
    tpu.vector_store %arg3[%swap3A_402, %swap3A_403], %slice3A_401 {strides = array<i32>} : memref<3584x128xf32, #tpu.memory_space<vmem>>, vector<64x128xf32>,
    %slice3A_405 = vector.extract_strided_slice %add3A_277 {offsets = [1024, 0], sizes = [64, 128], strides = [1, 1]} : vector<1792x128xf32> to vector<64x128xf32>
    %swap3A_406 = arith.constant 2048 : index
    %swap3A_407 = arith.constant 0 : index
    %swap3A_408 = vector.load %arg3[%swap3A_406, %swap3A_407] : memref<3584x128xf32, #tpu.memory_space<vmem>>, vector<64x128xf32>
    tpu.vector_store %arg3[%swap3A_406, %swap3A_407], %slice3A_405 {strides = array<i32>} : memref<3584x128xf32, #tpu.memory_space<vmem>>, vector<64x128xf32>,
    %slice3A_409 = vector.extract_strided_slice %add3A_278 {offsets = [1024, 0], sizes = [64, 128], strides = [1, 1]} : vector<1792x128xf32> to vector<64x128xf32>
    %swap3A_410 = arith.constant 2112 : index
    %swap3A_411 = arith.constant 0 : index
    %swap3A_412 = vector.load %arg3[%swap3A_410, %swap3A_411] : memref<3584x128xf32, #tpu.memory_space<vmem>>, vector<64x128xf32>
    tpu.vector_store %arg3[%swap3A_410, %swap3A_411], %slice3A_409 {strides = array<i32>} : memref<3584x128xf32, #tpu.memory_space<vmem>>, vector<64x128xf32>,
    %slice3A_413 = vector.extract_strided_slice %add3A_277 {offsets = [1088, 0], sizes = [64, 128], strides = [1, 1]} : vector<1792x128xf32> to vector<64x128xf32>
    %swap3A_414 = arith.constant 2176 : index
    %swap3A_415 = arith.constant 0 : index
    %swap3A_416 = vector.load %arg3[%swap3A_414, %swap3A_415] : memref<3584x128xf32, #tpu.memory_space<vmem>>, vector<64x128xf32>
    tpu.vector_store %arg3[%swap3A_414, %swap3A_415], %slice3A_413 {strides = array<i32>} : memref<3584x128xf32, #tpu.memory_space<vmem>>, vector<64x128xf32>,
    %slice3A_417 = vector.extract_strided_slice %add3A_278 {offsets = [1088, 0], sizes = [64, 128], strides = [1, 1]} : vector<1792x128xf32> to vector<64x128xf32>
    %swap3A_418 = arith.constant 2240 : index
    %swap3A_419 = arith.constant 0 : index
    %swap3A_420 = vector.load %arg3[%swap3A_418, %swap3A_419] : memref<3584x128xf32, #tpu.memory_space<vmem>>, vector<64x128xf32>
    tpu.vector_store %arg3[%swap3A_418, %swap3A_419], %slice3A_417 {strides = array<i32>} : memref<3584x128xf32, #tpu.memory_space<vmem>>, vector<64x128xf32>,
    %slice3A_421 = vector.extract_strided_slice %add3A_277 {offsets = [1152, 0], sizes = [64, 128], strides = [1, 1]} : vector<1792x128xf32> to vector<64x128xf32>
    %swap3A_422 = arith.constant 2304 : index
    %swap3A_423 = arith.constant 0 : index
    %swap3A_424 = vector.load %arg3[%swap3A_422, %swap3A_423] : memref<3584x128xf32, #tpu.memory_space<vmem>>, vector<64x128xf32>
    tpu.vector_store %arg3[%swap3A_422, %swap3A_423], %slice3A_421 {strides = array<i32>} : memref<3584x128xf32, #tpu.memory_space<vmem>>, vector<64x128xf32>,
    %slice3A_425 = vector.extract_strided_slice %add3A_278 {offsets = [1152, 0], sizes = [64, 128], strides = [1, 1]} : vector<1792x128xf32> to vector<64x128xf32>
    %swap3A_426 = arith.constant 2368 : index
    %swap3A_427 = arith.constant 0 : index
    %swap3A_428 = vector.load %arg3[%swap3A_426, %swap3A_427] : memref<3584x128xf32, #tpu.memory_space<vmem>>, vector<64x128xf32>
    tpu.vector_store %arg3[%swap3A_426, %swap3A_427], %slice3A_425 {strides = array<i32>} : memref<3584x128xf32, #tpu.memory_space<vmem>>, vector<64x128xf32>,
    %slice3A_429 = vector.extract_strided_slice %add3A_277 {offsets = [1216, 0], sizes = [64, 128], strides = [1, 1]} : vector<1792x128xf32> to vector<64x128xf32>
    %swap3A_430 = arith.constant 2432 : index
    %swap3A_431 = arith.constant 0 : index
    %swap3A_432 = vector.load %arg3[%swap3A_430, %swap3A_431] : memref<3584x128xf32, #tpu.memory_space<vmem>>, vector<64x128xf32>
    tpu.vector_store %arg3[%swap3A_430, %swap3A_431], %slice3A_429 {strides = array<i32>} : memref<3584x128xf32, #tpu.memory_space<vmem>>, vector<64x128xf32>,
    %slice3A_433 = vector.extract_strided_slice %add3A_278 {offsets = [1216, 0], sizes = [64, 128], strides = [1, 1]} : vector<1792x128xf32> to vector<64x128xf32>
    %swap3A_434 = arith.constant 2496 : index
    %swap3A_435 = arith.constant 0 : index
    %swap3A_436 = vector.load %arg3[%swap3A_434, %swap3A_435] : memref<3584x128xf32, #tpu.memory_space<vmem>>, vector<64x128xf32>
    tpu.vector_store %arg3[%swap3A_434, %swap3A_435], %slice3A_433 {strides = array<i32>} : memref<3584x128xf32, #tpu.memory_space<vmem>>, vector<64x128xf32>,
    %slice3A_437 = vector.extract_strided_slice %add3A_277 {offsets = [1280, 0], sizes = [64, 128], strides = [1, 1]} : vector<1792x128xf32> to vector<64x128xf32>
    %swap3A_438 = arith.constant 2560 : index
    %swap3A_439 = arith.constant 0 : index
    %swap3A_440 = vector.load %arg3[%swap3A_438, %swap3A_439] : memref<3584x128xf32, #tpu.memory_space<vmem>>, vector<64x128xf32>
    tpu.vector_store %arg3[%swap3A_438, %swap3A_439], %slice3A_437 {strides = array<i32>} : memref<3584x128xf32, #tpu.memory_space<vmem>>, vector<64x128xf32>,
    %slice3A_441 = vector.extract_strided_slice %add3A_278 {offsets = [1280, 0], sizes = [64, 128], strides = [1, 1]} : vector<1792x128xf32> to vector<64x128xf32>
    %swap3A_442 = arith.constant 2624 : index
    %swap3A_443 = arith.constant 0 : index
    %swap3A_444 = vector.load %arg3[%swap3A_442, %swap3A_443] : memref<3584x128xf32, #tpu.memory_space<vmem>>, vector<64x128xf32>
    tpu.vector_store %arg3[%swap3A_442, %swap3A_443], %slice3A_441 {strides = array<i32>} : memref<3584x128xf32, #tpu.memory_space<vmem>>, vector<64x128xf32>,
    %slice3A_445 = vector.extract_strided_slice %add3A_277 {offsets = [1344, 0], sizes = [64, 128], strides = [1, 1]} : vector<1792x128xf32> to vector<64x128xf32>
    %swap3A_446 = arith.constant 2688 : index
    %swap3A_447 = arith.constant 0 : index
    %swap3A_448 = vector.load %arg3[%swap3A_446, %swap3A_447] : memref<3584x128xf32, #tpu.memory_space<vmem>>, vector<64x128xf32>
    tpu.vector_store %arg3[%swap3A_446, %swap3A_447], %slice3A_445 {strides = array<i32>} : memref<3584x128xf32, #tpu.memory_space<vmem>>, vector<64x128xf32>,
    %slice3A_449 = vector.extract_strided_slice %add3A_278 {offsets = [1344, 0], sizes = [64, 128], strides = [1, 1]} : vector<1792x128xf32> to vector<64x128xf32>
    %swap3A_450 = arith.constant 2752 : index
    %swap3A_451 = arith.constant 0 : index
    %swap3A_452 = vector.load %arg3[%swap3A_450, %swap3A_451] : memref<3584x128xf32, #tpu.memory_space<vmem>>, vector<64x128xf32>
    tpu.vector_store %arg3[%swap3A_450, %swap3A_451], %slice3A_449 {strides = array<i32>} : memref<3584x128xf32, #tpu.memory_space<vmem>>, vector<64x128xf32>,
    %slice3A_453 = vector.extract_strided_slice %add3A_277 {offsets = [1408, 0], sizes = [64, 128], strides = [1, 1]} : vector<1792x128xf32> to vector<64x128xf32>
    %swap3A_454 = arith.constant 2816 : index
    %swap3A_455 = arith.constant 0 : index
    %swap3A_456 = vector.load %arg3[%swap3A_454, %swap3A_455] : memref<3584x128xf32, #tpu.memory_space<vmem>>, vector<64x128xf32>
    tpu.vector_store %arg3[%swap3A_454, %swap3A_455], %slice3A_453 {strides = array<i32>} : memref<3584x128xf32, #tpu.memory_space<vmem>>, vector<64x128xf32>,
    %slice3A_457 = vector.extract_strided_slice %add3A_278 {offsets = [1408, 0], sizes = [64, 128], strides = [1, 1]} : vector<1792x128xf32> to vector<64x128xf32>
    %swap3A_458 = arith.constant 2880 : index
    %swap3A_459 = arith.constant 0 : index
    %swap3A_460 = vector.load %arg3[%swap3A_458, %swap3A_459] : memref<3584x128xf32, #tpu.memory_space<vmem>>, vector<64x128xf32>
    tpu.vector_store %arg3[%swap3A_458, %swap3A_459], %slice3A_457 {strides = array<i32>} : memref<3584x128xf32, #tpu.memory_space<vmem>>, vector<64x128xf32>,
    %slice3A_461 = vector.extract_strided_slice %add3A_277 {offsets = [1472, 0], sizes = [64, 128], strides = [1, 1]} : vector<1792x128xf32> to vector<64x128xf32>
    %swap3A_462 = arith.constant 2944 : index
    %swap3A_463 = arith.constant 0 : index
    %swap3A_464 = vector.load %arg3[%swap3A_462, %swap3A_463] : memref<3584x128xf32, #tpu.memory_space<vmem>>, vector<64x128xf32>
    tpu.vector_store %arg3[%swap3A_462, %swap3A_463], %slice3A_461 {strides = array<i32>} : memref<3584x128xf32, #tpu.memory_space<vmem>>, vector<64x128xf32>,
    %slice3A_465 = vector.extract_strided_slice %add3A_278 {offsets = [1472, 0], sizes = [64, 128], strides = [1, 1]} : vector<1792x128xf32> to vector<64x128xf32>
    %swap3A_466 = arith.constant 3008 : index
    %swap3A_467 = arith.constant 0 : index
    %swap3A_468 = vector.load %arg3[%swap3A_466, %swap3A_467] : memref<3584x128xf32, #tpu.memory_space<vmem>>, vector<64x128xf32>
    tpu.vector_store %arg3[%swap3A_466, %swap3A_467], %slice3A_465 {strides = array<i32>} : memref<3584x128xf32, #tpu.memory_space<vmem>>, vector<64x128xf32>,
    %slice3A_469 = vector.extract_strided_slice %add3A_277 {offsets = [1536, 0], sizes = [64, 128], strides = [1, 1]} : vector<1792x128xf32> to vector<64x128xf32>
    %swap3A_470 = arith.constant 3072 : index
    %swap3A_471 = arith.constant 0 : index
    %swap3A_472 = vector.load %arg3[%swap3A_470, %swap3A_471] : memref<3584x128xf32, #tpu.memory_space<vmem>>, vector<64x128xf32>
    tpu.vector_store %arg3[%swap3A_470, %swap3A_471], %slice3A_469 {strides = array<i32>} : memref<3584x128xf32, #tpu.memory_space<vmem>>, vector<64x128xf32>,
    %slice3A_473 = vector.extract_strided_slice %add3A_278 {offsets = [1536, 0], sizes = [64, 128], strides = [1, 1]} : vector<1792x128xf32> to vector<64x128xf32>
    %swap3A_474 = arith.constant 3136 : index
    %swap3A_475 = arith.constant 0 : index
    %swap3A_476 = vector.load %arg3[%swap3A_474, %swap3A_475] : memref<3584x128xf32, #tpu.memory_space<vmem>>, vector<64x128xf32>
    tpu.vector_store %arg3[%swap3A_474, %swap3A_475], %slice3A_473 {strides = array<i32>} : memref<3584x128xf32, #tpu.memory_space<vmem>>, vector<64x128xf32>,
    %slice3A_477 = vector.extract_strided_slice %add3A_277 {offsets = [1600, 0], sizes = [64, 128], strides = [1, 1]} : vector<1792x128xf32> to vector<64x128xf32>
    %swap3A_478 = arith.constant 3200 : index
    %swap3A_479 = arith.constant 0 : index
    %swap3A_480 = vector.load %arg3[%swap3A_478, %swap3A_479] : memref<3584x128xf32, #tpu.memory_space<vmem>>, vector<64x128xf32>
    tpu.vector_store %arg3[%swap3A_478, %swap3A_479], %slice3A_477 {strides = array<i32>} : memref<3584x128xf32, #tpu.memory_space<vmem>>, vector<64x128xf32>,
    %slice3A_481 = vector.extract_strided_slice %add3A_278 {offsets = [1600, 0], sizes = [64, 128], strides = [1, 1]} : vector<1792x128xf32> to vector<64x128xf32>
    %swap3A_482 = arith.constant 3264 : index
    %swap3A_483 = arith.constant 0 : index
    %swap3A_484 = vector.load %arg3[%swap3A_482, %swap3A_483] : memref<3584x128xf32, #tpu.memory_space<vmem>>, vector<64x128xf32>
    tpu.vector_store %arg3[%swap3A_482, %swap3A_483], %slice3A_481 {strides = array<i32>} : memref<3584x128xf32, #tpu.memory_space<vmem>>, vector<64x128xf32>,
    %slice3A_485 = vector.extract_strided_slice %add3A_277 {offsets = [1664, 0], sizes = [64, 128], strides = [1, 1]} : vector<1792x128xf32> to vector<64x128xf32>
    %swap3A_486 = arith.constant 3328 : index
    %swap3A_487 = arith.constant 0 : index
    %swap3A_488 = vector.load %arg3[%swap3A_486, %swap3A_487] : memref<3584x128xf32, #tpu.memory_space<vmem>>, vector<64x128xf32>
    tpu.vector_store %arg3[%swap3A_486, %swap3A_487], %slice3A_485 {strides = array<i32>} : memref<3584x128xf32, #tpu.memory_space<vmem>>, vector<64x128xf32>,
    %slice3A_489 = vector.extract_strided_slice %add3A_278 {offsets = [1664, 0], sizes = [64, 128], strides = [1, 1]} : vector<1792x128xf32> to vector<64x128xf32>
    %swap3A_490 = arith.constant 3392 : index
    %swap3A_491 = arith.constant 0 : index
    %swap3A_492 = vector.load %arg3[%swap3A_490, %swap3A_491] : memref<3584x128xf32, #tpu.memory_space<vmem>>, vector<64x128xf32>
    tpu.vector_store %arg3[%swap3A_490, %swap3A_491], %slice3A_489 {strides = array<i32>} : memref<3584x128xf32, #tpu.memory_space<vmem>>, vector<64x128xf32>,
    %slice3A_493 = vector.extract_strided_slice %add3A_277 {offsets = [1728, 0], sizes = [64, 128], strides = [1, 1]} : vector<1792x128xf32> to vector<64x128xf32>
    %swap3A_494 = arith.constant 3456 : index
    %swap3A_495 = arith.constant 0 : index
    %swap3A_496 = vector.load %arg3[%swap3A_494, %swap3A_495] : memref<3584x128xf32, #tpu.memory_space<vmem>>, vector<64x128xf32>
    tpu.vector_store %arg3[%swap3A_494, %swap3A_495], %slice3A_493 {strides = array<i32>} : memref<3584x128xf32, #tpu.memory_space<vmem>>, vector<64x128xf32>,
    %slice3A_497 = vector.extract_strided_slice %add3A_278 {offsets = [1728, 0], sizes = [64, 128], strides = [1, 1]} : vector<1792x128xf32> to vector<64x128xf32>
    %swap3A_498 = arith.constant 3520 : index
    %swap3A_499 = arith.constant 0 : index
    %swap3A_500 = vector.load %arg3[%swap3A_498, %swap3A_499] : memref<3584x128xf32, #tpu.memory_space<vmem>>, vector<64x128xf32>
    tpu.vector_store %arg3[%swap3A_498, %swap3A_499], %slice3A_497 {strides = array<i32>} : memref<3584x128xf32, #tpu.memory_space<vmem>>, vector<64x128xf32>,
    return
  }
  func.func @transform_0(%arg0: i32) -> (i32, i32, i32) {
    %c0_i32 = arith.constant 0 : i32
    %c0_i32_0 = arith.constant 0 : i32
    %c0_i32_1 = arith.constant 0 : i32
    return %c0_i32, %arg0, %c0_i32_0 : i32, i32, i32
  }
  func.func @transform_1(%arg0: i32) -> (i32, i32, i32) {
    %c0_i32 = arith.constant 0 : i32
    %c0_i32_0 = arith.constant 0 : i32
    %c0_i32_1 = arith.constant 0 : i32
    %c0_i32_2 = arith.constant 0 : i32
    return %c0_i32, %c0_i32_0, %c0_i32_1 : i32, i32, i32
  }
  func.func @transform_2(%arg0: i32) -> (i32, i32) {
    %c0_i32 = arith.constant 0 : i32
    %c0_i32_0 = arith.constant 0 : i32
    return %arg0, %c0_i32 : i32, i32
  }
}

</mosaic_0001>

<sc_bundles>
// kernel: kernel.4.cloned.1.call-start
scs
__scs_entry_jumppad:
0x0: {  	(pc) =	sbr.rel $0x88, $3  }
0x1: {  	(tag) =	ssettag $0x0;
	lr =	simm.s32 $0x1  }
0x2: {  	[smem:$0x3F9E] =	sst lr;
	_ =	strace $0xD0000000  }
0x3: {  	_ = 	snop  }
0x4: {  	_ = 	snop  }
0x5: {  	_ = 	snop  }
0x6: {  	_ = 	snop  }
0x7: {  	_ = 	snop  }
__scs_overlays_trampoline_lowered:
0x8: {  	[smem:$0x3FAD] =	sst s0  }
0x9: {  	[smem:$0x3FAE] =	sst s1  }
0xa: {  	[smem:$0x3FAF] =	sst s2  }
0xb: {  	[smem:$0x3FB0] =	sst s3  }
0xc: {  	[smem:$0x3FB1] =	sst s4  }
0xd: {  	[smem:$0x3FB2] =	sst s5  }
0xe: {  	[smem:$0x3FB3] =	sst s6  }
0xf: {  	[smem:$0x3FB4] =	sst s7  }
0x10: {  	[smem:$0x3FB5] =	sst s8  }
0x11: {  	[smem:$0x3FB6] =	sst s9;
	s0 =	simm.s32 @!p0 $0x0  }
0x12: {  	s1 =	sld [smem:$0x3F9C];
	s0 =	simm.s32 @p0 $0x1  }
0x13: {  	[smem:$0x3FB7] =	sst s0;
	s0 =	simm.s32 @!p1 $0x0  }
0x14: {  	s2 =	sld [smem:$0x3F9B];
	s0 =	simm.s32 @p1 $0x1  }
0x15: {  	[smem:$0x3FB8] =	sst s0;
	s0 =	simm.s32 @!p2 $0x0  }
0x16: {  	s3 =	sld [smem:$0x3FDB];
	s0 =	simm.s32 @p2 $0x1  }
0x17: {  	s4 =	simm.s32 $0x1BF5;
	[smem:$0x3FBA] =	sst s0  }
0x18: {  	s0 =	sld [smem:$0x3F9D];
	_ =	swait.ge [sflag:s4], $0x0  }
0x19: {  	s7 =	sld [smem:$0x3F9E]  }
0x1a: {  	s8 =	sadd.s32 $0xFFFFE003, lr  }
0x1b: {  	s9 =	sadd.s32 $0xFFFFFEF7, lr;
	s5 =	simm.s32 $0xFFFFFFFF;
	p2 =	slt.u32 s8, $0xFFFFF086  }
0x1c: {  	p1 =	slt.u32 s9, $0xF7A;
	s5 =	simm.s32 @!p2 $0x0  }
0x1d: {  	s5 =	simm.s32 @p1 $0x1;
	p0 =	seq.s32 s7, s2  }
0x1e: {  	s7 =	smul.u32 @!p0 $0xF7A, s2;
	p2 =	seq.s32 @!p0 s5, $0x0  }
0x1f: {  	s9 =	smul.u32 $0xF7A, s1;
	s8 =	simm.s32 @!p0 $0x1BF5;
	p2 =	por !p2, p0  }
0x20: {  	[sflag:s8] =	ssyncset.s32 @!p0 $0xFFFFF086;
	s6 =	sadd.s32 @!p0 s3, s7;
	s7 =	simm.s32 @!p0 $0x108  }
0x21: {  	s3 =	sadd.s32 s3, s9;
	s6 =	sadd.s32 @!p0 $0x88, s6;
	s7 =	simm.s32 @p2 $0x1082  }
0x22: {  	[simem:s7], [sflag:s8] =	dma.local @!p0 [hbm:s6], $0xF7A  }
0x23: {  	s9 =	sor.u32 $0xD0000000, s2;
	s6 =	simm.s32 $0x108;
	_ =	swait.ge @!p0 [sflag:s8], $0x0  }
0x24: {  	s3 =	sadd.s32 $0x88, s3;
	s6 =	simm.s32 @!p1 $0x1082;
	[sflag:s4] =	ssyncset.s32 $0xFFFFF086  }
0x25: {  	[simem:s6], [sflag:s4] =	dma.local [hbm:s3], $0xF7A  }
0x26: {  	[smem:$0x3F9E] =	sst s1;
	(tag) =	ssettag s2;
	_ =	strace s9  }
0x27: {  	s1 =	sld [smem:$0x3FAE]  }
0x28: {  	s2 =	sld [smem:$0x3FAF]  }
0x29: {  	s4 =	sld [smem:$0x3FB1]  }
0x2a: {  	p0 =	seq.s32 s5, $0x0;
	s5 =	sld [smem:$0x3FB2]  }
0x2b: {  	s6 =	sld [smem:$0x3FB3]  }
0x2c: {  	s7 =	sld [smem:$0x3FB4]  }
0x2d: {  	s3 =	simm.s32 $0x108;
	s8 =	sld [smem:$0x3FB5]  }
0x2e: {  	s3 =	simm.s32 @!p0 $0x1082;
	s9 =	sld [smem:$0x3FB6]  }
0x2f: {  	lr =	sadd.s32 s0, s3;
	s0 =	sld [smem:$0x3FAD]  }
0x30: {  	s3 =	sld [smem:$0x3FB0]  }
0x31: {  	[smem:$0x3FB9] =	sst s10  }
0x32: {  	s10 =	sld [smem:$0x3FB7];
	_ =	sdelay $0x3  }
0x33: {  	p0 =	seq.s32 s10, $0x1;
	s10 =	sld [smem:$0x3FB9];
	_ =	sdelay $0x3  }
0x34: {  	[smem:$0x3FB9] =	sst s10  }
0x35: {  	s10 =	sld [smem:$0x3FB8];
	_ =	sdelay $0x3  }
0x36: {  	p1 =	seq.s32 s10, $0x1;
	s10 =	sld [smem:$0x3FB9];
	_ =	sdelay $0x3  }
0x37: {  	[smem:$0x3FB9] =	sst s10  }
0x38: {  	s10 =	sld [smem:$0x3FBA]  }
0x39: {  	_ = 	snop;
	(pc) =	sbr.ind lr, $3  }
0x3a: {  	_ = 	snop  }
0x3b: {  	_ = 	snop  }
0x3c: {  	p2 =	seq.s32 s10, $0x1;
	s10 =	sld [smem:$0x3FB9]  }
0x3d: {  	_ =	shalt  }
0x3e: {  	_ =	shalt  }
0x3f: {  	_ =	shalt  }
0x40: {  	_ =	shalt  }
0x41: {  	_ =	shalt  }
0x42: {  	_ =	shalt  }
0x43: {  	_ =	shalt  }
0x44: {  	_ =	shalt  }
0x45: {  	_ =	shalt  }
0x46: {  	_ =	shalt  }
0x47: {  	_ =	shalt  }
0x48: {  	_ =	shalt  }
0x49: {  	_ =	shalt  }
0x4a: {  	_ =	shalt  }
0x4b: {  	_ =	shalt  }
0x4c: {  	_ =	shalt  }
0x4d: {  	_ =	shalt  }
0x4e: {  	_ =	shalt  }
0x4f: {  	_ =	shalt  }
0x50: {  	_ =	shalt  }
0x51: {  	_ =	shalt  }
0x52: {  	_ =	shalt  }
0x53: {  	_ =	shalt  }
0x54: {  	_ =	shalt  }
0x55: {  	_ =	shalt  }
0x56: {  	_ =	shalt  }
0x57: {  	_ =	shalt  }
0x58: {  	_ =	shalt  }
0x59: {  	_ =	shalt  }
0x5a: {  	_ =	shalt  }
0x5b: {  	_ =	shalt  }
0x5c: {  	_ =	shalt  }
0x5d: {  	_ =	shalt  }
0x5e: {  	_ =	shalt  }
0x5f: {  	_ =	shalt  }
0x60: {  	_ =	shalt  }
0x61: {  	_ =	shalt  }
0x62: {  	_ =	shalt  }
0x63: {  	_ =	shalt  }
0x64: {  	_ =	shalt  }
0x65: {  	_ =	shalt  }
0x66: {  	_ =	shalt  }
0x67: {  	_ =	shalt  }
0x68: {  	_ =	shalt  }
0x69: {  	_ =	shalt  }
0x6a: {  	_ =	shalt  }
0x6b: {  	_ =	shalt  }
0x6c: {  	_ =	shalt  }
0x6d: {  	_ =	shalt  }
0x6e: {  	_ =	shalt  }
0x6f: {  	_ =	shalt  }
0x70: {  	_ =	shalt  }
0x71: {  	_ =	shalt  }
0x72: {  	_ =	shalt  }
0x73: {  	_ =	shalt  }
0x74: {  	_ =	shalt  }
0x75: {  	_ =	shalt  }
0x76: {  	_ =	shalt  }
0x77: {  	_ =	shalt  }
0x78: {  	_ =	shalt  }
0x79: {  	_ =	shalt  }
0x7a: {  	_ =	shalt  }
0x7b: {  	_ =	shalt  }
0x7c: {  	_ =	shalt  }
0x7d: {  	_ =	shalt  }
0x7e: {  	_ =	shalt  }
0x7f: {  	_ =	shalt  }
0x80: {  	_ =	shalt  }
0x81: {  	_ =	shalt  }
0x82: {  	_ =	shalt  }
0x83: {  	_ =	shalt  }
0x84: {  	_ =	shalt  }
0x85: {  	_ =	shalt  }
0x86: {  	_ =	shalt  }
0x87: {  	_ =	shalt  }
.Lfunc_end0:
.L_simem_size_0:
called_computation_lowered:
.L_overlay_start_0:
0x88: {  	s2 =	sld [smem:$0x3FD9]  }
0x89: {  	s3 =	sld [smem:$0x3FFE];
	_ =	sdelay $0x1  }
0x8a: {  	s1 =	srdreg.scid  }
0x8b: {  	s0 =	sand.u32 $0x1, s1  }
0x8c: {  	s17 =	sshll.u32 s0, $0xA;
	s2 =	sadd.s32 s3, s2  }
0x8d: {  	s2 =	sadd.s32 s2, s17  }
0x8e: {  	[smem:$0x3FC5] =	sst s2  }
0x8f: {  	_ = 	snop  }
0x90: {  	s2 =	sld [smem:$0x3FC9]  }
0x91: {  	s18 =	sld [smem:$0x3FD0];
	(tm) =	ssettm $0x1  }
0x92: {  	s4 =	sld [smem:$0x3FFB];
	_ =	sdelay $0x3  }
0x93: {  	_ =	strace s4  }
0x94: {  	s4 =	sld [smem:$0x3FFC];
	_ =	sdelay $0x3  }
0x95: {  	_ =	strace s4  }
0x96: {  	s4 =	sld [smem:$0x3FFD];
	_ =	sdelay $0x3  }
0x97: {  	_ =	strace s4  }
0x98: {  	_ =	strace $0x8FFFFFFF  }
0x99: {  	s19 =	sld [smem:$0x3FDB];
	_ =	sdelay $0x1  }
0x9a: {  	s5 =	simm.s32 $_scs_section_size  }
0x9b: {  	s6 =	simm.s32 $_size__tile_overlayer_lowered;
	s7 =	simm.s32 $_tile_overlayer_lowered  }
0x9c: {  	s22 =	simm.s32 $0x1BFF;
	s21 =	sshll.u32 s7, $0x1;
	s4 =	sadd.s32 s5, s19  }
0x9d: {  	s8 =	simm.s32 $0x0;
	s20 =	sshll.u32 s6, $0x1;
	s6 =	sadd.s32 s21, s4  }
0x9e: {  	[timem:s8], [sflag:s22] =	dma.local [hbm:s6], s20  }
0x9f: {  	_ =	swait.ge [sflag:s22], s20  }
0xa0: {  	s5 =	ssub.s32 $0x0, s20;
	[sflag:s22] =	ssyncset.done $0x0  }
0xa1: {  	[sflag:s22] =	ssyncadd.s32 s5;
	_ =	sdelay $0x1  }
0xa2: {  	s23 =	simm.s32 $0x1B8B  }
0xa3: {  	_ =	swait.ge [sflag:s23], $0x1  }
0xa4: {  	[sflag:s23] =	ssyncset.done $0x0  }
0xa5: {  	s25 =	simm.s32 $0x1B8E;
	s24 =	sld [smem:$0x3FFE];
	[sflag:s23] =	ssyncadd.s32 $0xFFFFFFFF  }
0xa6: {  	s26 =	simm.s32 $execute0_lowered;
	[smem:$0x3FD2] =	sst s25  }
0xa7: {  	s6 =	sshll.u32 s26, $0x1;
	_ =	strace $0x80000046;
	[dreg:$0x1] =	wrdreg $0xFFFFFFFF  }
0xa8: {  	s28 =	simm.s32 $_size_execute0_lowered;
	s4 =	sadd.s32 s4, s6;
	[dreg:$0x0] =	wrdreg $0x0  }
0xa9: {  	s6 =	sshll.u32 s28, $0x1;
	[dreg:$0x2] =	wrdreg s4  }
0xaa: {  	[dreg:$0x3] =	wrdreg s6  }
0xab: {  	[dreg:$0x4] =	wrdreg $0xC0  }
0xac: {  	_ =	task [dreg:s8], $0x5FFFF  }
0xad: {  	[dreg:$0x1] =	wrdreg $0xFFFFFFFF  }
0xae: {  	[dreg:$0x0] =	wrdreg $0x60  }
0xaf: {  	[dreg:$0x2] =	wrdreg s18  }
0xb0: {  	[dreg:$0x3] =	wrdreg s2  }
0xb1: {  	[dreg:$0x4] =	wrdreg s24  }
0xb2: {  	[dreg:$0x5] =	wrdreg $0x9  }
0xb3: {  	_ =	task.clear_ibuf [dreg:s8], $0x6FFFF;
	_ =	strace $0x90000046  }
0xb4: {  	s29 =	simm.s32 $0x9;
	_ =	strace $0x80000048  }
0xb5: {  	_ =	swait.ge [sflag:s29], $0x1  }
0xb6: {  	[sflag:s29] =	ssyncadd.s32 $0xFFFFFFFF  }
0xb7: {  	_ =	strace $0x90000048  }
0xb8: {  	_ =	sfence  }
0xb9: {  	s30 =	sld [smem:$0x0];
	_ =	sdelay $0x2  }
0xba: {  	s31 =	sshll.u32 s1, $0xD;
	s1 =	sshrl.u32 s1, $0x2  }
0xbb: {  	s3 =	sand.u32 $0x4000, s31;
	s1 =	sadd.s32 s1, s30  }
0xbc: {  	s0 =	sor.u32 s3, s0;
	s1 =	sshll.u32 s1, $0x11  }
0xbd: {  	s0 =	sor.u32 s1, s0  }
0xbe: {  	s0 =	sadd.s32 $0x8F2B, s0  }
0xbf: {  	[sflag:s0] =	ssyncadd.remote.s32 $0x1  }
0xc0: {  	_ =	sfence.sel $0xFFFF  }
0xc1: {  	[dreg:$0x0] =	wrdreg $0xFFFFFFFF;
	(pc) =	sbr.abs _section_cstart, $3  }
0xc2: {  	[dreg:$0x1] =	wrdreg $0xFFFFFFFF  }
0xc3: {  	_ =	task.clear_ibuf [dreg:s8], $0x2FFFF;
	_ =	strace $0x9FFFFFFF  }
0xc4: {  	(tm) =	ssettm $0x7FFFFFFF  }
0xc5: {  	_ =	shalt  }
tec
execute0_lowered:
.L_overlay_start_1:
0x0: {  	(tag) =	ssettag $0x1  }
0x1: {  	s7 =	rddreg [dreg:$0x0]  }
0x2: {  	s2 =	rddreg [dreg:$0x1];
	s1 =	srdreg.scid  }
0x3: {  	s0 =	stileid.u32;
	s4 =	rddreg [dreg:$0x2];
	s3 =	simm.s32 $0x0  }
0x4: {  	s11 =	simm.s32 $0x1C00;
	s12 =	simm.s32 $0x5C00;
	s13 =	simm.s32 $0x100  }
0x5: {  	s14 =	simm.s32 $0x9C00;
	s15 =	simm.s32 $0x180;
	s16 =	simm.s32 $0xDC00  }
0x6: {  	s17 =	simm.s32 $0x1;
	s18 =	simm.s32 $0x2;
	s19 =	simm.s32 $0x0  }
0x7: {  	s5 =	sand.u32 $0x1, s1;
	s6 =	sshll.u32 s0, $0x1;
	s1 =	rddreg [dreg:$0x3]  }
0x8: {  	[smem:$0x7FF] =	sst s3;
	s4 =	sadd.s32 $0x200, s4;
	s6 =	sor.u32 s5, s6  }
0x9: {  	p0 =	slt.u32 s0, $0x2;
	s9 =	ssub.s32 $0x2, s5;
	s8 =	smul.u32 $0x37, s6  }
0xa: {  	_ =	strace $0x80000047;
	s31 =	smin.u32 s6, $0x4;
	s10 =	sshrl.u32 s9, $0x1  }
0xb: {  	s6 =	simm.s32 $0x38;
	s9 =	ssub.s32 s9, s10;
	s5 =	sadd.s32 s31, s8  }
0xc: {  	s6 =	simm.s32 @!p0 $0x37;
	s10 =	simm.s32 $0x80;
	s8 =	sshll.u32 s5, $0x4  }
0xd: {  	s7 =	sadd.s32 s7, s8;
	s8 =	smax.u32 s9, $0x1;
	s9 =	simm.s32 $0x3  }
.LBB2_1:
0xe: {  	[tilespmem:s3], [sflag:$0x3] =	stream.linear.gather [hbm4b:s7+s3], $0x1C00, $0x38;
	[tilespmem:$0x1DC00] =	vst v63  }
0xf: {  	_ =	swait.ge [sflag:s9], $0x1C00  }
0x10: {  	[sflag:s9] =	ssyncset.done $0x0  }
0x11: {  	[sflag:s9] =	ssyncadd.s32 $0xFFFFE400  }
0x12: {  	[tilespmem:s11], [sflag:$0x1] =	stream.indirect.gather [hbm4b:s2+s10], $0x80, s3, s10, $0xb8;
	[tilespmem:$0x1DC00] =	vst v63  }
0x13: {  	_ = 	snop  }
0x14: {  	[tilespmem:s12], [sflag:$0x1] =	stream.indirect.gather [hbm4b:s2+s10], $0x80, s10, s10, $0xb8;
	[tilespmem:$0x1DC00] =	vst v63  }
0x15: {  	_ = 	snop  }
0x16: {  	[tilespmem:s14], [sflag:$0x1] =	stream.indirect.gather [hbm4b:s2+s10], $0x80, s13, s10, $0xb8;
	[tilespmem:$0x1DC00] =	vst v63  }
0x17: {  	s20 =	simm.s32 $0x3FF0;
	s21 =	simm.s32 $0x0;
	s22 =	simm.s32 $0x0  }
0x18: {  	[tilespmem:s16], [sflag:$0x1] =	stream.indirect.gather [hbm4b:s2+s10], $0x80, s15, s10, $0xb8;
	[tilespmem:$0x1DC00] =	vst v63  }
.LBB2_2:
0x19: {  	s23 =	smulhi.u32 $0xCCCCCCCD, s22  }
0x1a: {  	_ =	swait.ge [sflag:s17], $0x4000  }
0x1b: {  	p0 =	slt.u32 s22, $0x3;
	[sflag:s17] =	ssyncset.done $0x0;
	s23 =	sshrl.u32 s23, $0x2  }
0x1c: {  	s24 =	simm.s32 @!p0 $0x2;
	[sflag:s17] =	ssyncadd.s32 $0xFFFFC000;
	s23 =	smul.u32 $0xFFFB0000, s23  }
0x1d: {  	_ =	swait.ge @!p0 [sflag:s24], $0x2000  }
0x1e: {  	[sflag:s24] =	ssyncset.done @!p0 $0x0;
	s23 =	sshra.s32 s23, $0x2  }
0x1f: {  	[sflag:s24] =	ssyncadd.s32 @!p0 $0xFFFFE000;
	s23 =	sadd.s32 s23, s20  }
0x20: {  	v0 =	vld [tilespmem:s23+$0xFFFFDF90]  }
0x21: {  	v1 =	vld [tilespmem:s23+$0xFFFFFF90];
	_ =	sdelay $0x1  }
0x22: {  	v2 =	vld [tilespmem:s23+$0xFFFFFC10]  }
0x23: {  	v5 =	vld [tilespmem:s23+$0xFFFFDC90]  }
0x24: {  	v6 =	vld [tilespmem:s23+$0xFFFFFC90]  }
0x25: {  	v7 =	vld [tilespmem:s23+$0xFFFFDD90];
	v3 =	vshrl.u32 v0, $0x10;
	v4 =	vshrl.u32 v1, $0x10  }
0x26: {  	v13 =	vld [tilespmem:s23+$0xFFFFDE10];
	v3 =	vand.u32 $0x1, v3;
	v4 =	vand.u32 $0x1, v4  }
0x27: {  	v16 =	vld [tilespmem:s23+$0xFFFFFE10];
	v0 =	vadd.s32 v3, v0;
	v1 =	vadd.s32 v4, v1  }
0x28: {  	s31 =	sand.u32 $0x3, s21;
	v20 =	vld [tilespmem:s23+$0xFFFFDE90];
	v0 =	vadd.s32 $0x7FFF, v0;
	v1 =	vadd.s32 $0x7FFF, v1  }
0x29: {  	s24 =	sshll.u32 s31, $0xD;
	v9 =	vshrl.u32 v2, $0x10;
	v3 =	vld [tilespmem:s23+$0xFFFFDD10];
	v1 =	vand.u32 $0xFFFF0000, v1;
	v0 =	vshrl.u32 v0, $0x10  }
0x2a: {  	s24 =	sadd.s32 $0x15E00, s24;
	v10 =	vshrl.u32 v5, $0x10;
	v9 =	vand.u32 $0x1, v9;
	v4 =	vld [tilespmem:s23+$0xFFFFFD10];
	v0 =	vor.u32 v0, v1  }
0x2b: {  	v11 =	vshrl.u32 v6, $0x10;
	v15 =	vshrl.u32 v7, $0x10;
	v2 =	vadd.s32 v9, v2;
	v9 =	vld [tilespmem:s23+$0xFFFFDC10];
	[tilespmem:s24+$0x180] =	vst v0  }
0x2c: {  	v23 =	vshrl.u32 v13, $0x10;
	v22 =	vshrl.u32 v16, $0x10;
	v10 =	vand.u32 $0x1, v10;
	v0 =	vld [tilespmem:s23+$0xFFFFDFA0]  }
0x2d: {  	v11 =	vand.u32 $0x1, v11;
	v15 =	vand.u32 $0x1, v15;
	v5 =	vadd.s32 v10, v5;
	v8 =	vld [tilespmem:s23+$0xFFFFFFA0]  }
0x2e: {  	v10 =	vshrl.u32 v20, $0x10;
	v7 =	vadd.s32 v15, v7;
	v2 =	vadd.s32 $0x7FFF, v2  }
0x2f: {  	v5 =	vadd.s32 $0x7FFF, v5;
	v7 =	vadd.s32 $0x7FFF, v7;
	v2 =	vand.u32 $0xFFFF0000, v2  }
0x30: {  	v24 =	vld [tilespmem:s23+$0xFFFFDF10];
	v5 =	vshrl.u32 v5, $0x10;
	v12 =	vshrl.u32 v3, $0x10;
	v14 =	vshrl.u32 v4, $0x10  }
0x31: {  	v15 =	vshrl.u32 v9, $0x10;
	v12 =	vand.u32 $0x1, v12;
	v14 =	vand.u32 $0x1, v14  }
0x32: {  	v1 =	vld [tilespmem:s23+$0xFFFFFD90];
	v15 =	vand.u32 $0x1, v15;
	v18 =	vshrl.u32 v0, $0x10;
	v19 =	vshrl.u32 v8, $0x10  }
0x33: {  	v3 =	vadd.s32 v12, v3;
	v18 =	vand.u32 $0x1, v18;
	v19 =	vand.u32 $0x1, v19  }
0x34: {  	v4 =	vadd.s32 v14, v4;
	v0 =	vadd.s32 v18, v0;
	v8 =	vadd.s32 v19, v8  }
0x35: {  	v14 =	vshrl.u32 v24, $0x10;
	v0 =	vadd.s32 $0x7FFF, v0;
	v8 =	vadd.s32 $0x7FFF, v8  }
0x36: {  	v9 =	vadd.s32 v15, v9;
	v8 =	vand.u32 $0xFFFF0000, v8;
	v0 =	vshrl.u32 v0, $0x10  }
0x37: {  	v17 =	vshrl.u32 v1, $0x10;
	v14 =	vand.u32 $0x1, v14;
	v0 =	vor.u32 v0, v8  }
0x38: {  	v21 =	vld [tilespmem:s23+$0xFFFFFE90];
	v9 =	vadd.s32 $0x7FFF, v9;
	v3 =	vadd.s32 $0x7FFF, v3;
	v4 =	vadd.s32 $0x7FFF, v4;
	[tilespmem:s24+$0x190] =	vst v0  }
0x39: {  	v17 =	vand.u32 $0x1, v17;
	v14 =	vadd.s32 v14, v24;
	v0 =	vadd.s32 v11, v6;
	v11 =	vld [tilespmem:s23+$0xFFFFDFB0]  }
0x3a: {  	v9 =	vshrl.u32 v9, $0x10;
	v4 =	vand.u32 $0xFFFF0000, v4;
	v1 =	vadd.s32 v17, v1;
	v12 =	vld [tilespmem:s23+$0xFFFFFFB0]  }
0x3b: {  	v3 =	vshrl.u32 v3, $0x10;
	v2 =	vor.u32 v9, v2;
	v1 =	vadd.s32 $0x7FFF, v1  }
0x3c: {  	[tilespmem:s24+$0xFFFFFE00] =	vst v2;
	v2 =	vshrl.u32 v7, $0x10;
	v18 =	vand.u32 $0x1, v23;
	v1 =	vand.u32 $0xFFFF0000, v1  }
0x3d: {  	v3 =	vor.u32 v3, v4;
	v13 =	vadd.s32 v18, v13;
	v1 =	vor.u32 v2, v1  }
0x3e: {  	v8 =	vand.u32 $0x1, v22;
	v6 =	vand.u32 $0x1, v10;
	v10 =	vshrl.u32 v21, $0x10  }
0x3f: {  	[tilespmem:s24+$0xFFFFFF00] =	vst v3;
	v8 =	vadd.s32 v8, v16;
	v15 =	vshrl.u32 v11, $0x10;
	v26 =	vshrl.u32 v12, $0x10  }
0x40: {  	v2 =	vld [tilespmem:s23+$0xFFFFDD20];
	v10 =	vand.u32 $0x1, v10;
	v15 =	vand.u32 $0x1, v15;
	v16 =	vand.u32 $0x1, v26  }
0x41: {  	v6 =	vadd.s32 v6, v20;
	v11 =	vadd.s32 v15, v11;
	v12 =	vadd.s32 v16, v12  }
0x42: {  	v0 =	vadd.s32 $0x7FFF, v0;
	v11 =	vadd.s32 $0x7FFF, v11;
	v12 =	vadd.s32 $0x7FFF, v12  }
0x43: {  	v8 =	vadd.s32 $0x7FFF, v8;
	v12 =	vand.u32 $0xFFFF0000, v12;
	v11 =	vshrl.u32 v11, $0x10  }
0x44: {  	v23 =	vld [tilespmem:s23+$0xFFFFFF10];
	[tilespmem:s24+$0xFFFFFF80] =	vst v1;
	v10 =	vadd.s32 v10, v21;
	v6 =	vadd.s32 $0x7FFF, v6;
	v11 =	vor.u32 v11, v12  }
0x45: {  	v1 =	vld [tilespmem:s23+$0xFFFFFD20];
	v0 =	vand.u32 $0xFFFF0000, v0;
	v7 =	vand.u32 $0xFFFF0000, v8;
	v28 =	vshrl.u32 v2, $0x10;
	[tilespmem:s24+$0x1A0] =	vst v11  }
0x46: {  	v10 =	vadd.s32 $0x7FFF, v10;
	v0 =	vor.u32 v5, v0;
	v6 =	vshrl.u32 v6, $0x10;
	v12 =	vld [tilespmem:s23+$0xFFFFDFC0]  }
0x47: {  	v10 =	vand.u32 $0xFFFF0000, v10;
	v11 =	vadd.s32 $0x7FFF, v13;
	v13 =	vadd.s32 $0x7FFF, v14;
	v14 =	vld [tilespmem:s23+$0xFFFFFFC0]  }
0x48: {  	v17 =	vand.u32 $0x1, v28;
	v6 =	vor.u32 v6, v10;
	v10 =	vld [tilespmem:s23+$0xFFFFFDA0];
	v8 =	vshrl.u32 v11, $0x10  }
0x49: {  	v25 =	vshrl.u32 v23, $0x10;
	[tilespmem:s24+$0xFFFFFE80] =	vst v0;
	v2 =	vadd.s32 v17, v2;
	v7 =	vor.u32 v8, v7  }
0x4a: {  	v22 =	vand.u32 $0x1, v25;
	v4 =	vld [tilespmem:s23+$0xFFFFDCA0];
	v2 =	vadd.s32 $0x7FFF, v2;
	[tilespmem:s24+$0x0] =	vst v7  }
0x4b: {  	v29 =	vshrl.u32 v1, $0x10;
	v2 =	vshrl.u32 v2, $0x10;
	v15 =	vadd.s32 v22, v23;
	v27 =	vld [tilespmem:s23+$0xFFFFDE20]  }
0x4c: {  	[tilespmem:s24+$0x80] =	vst v6;
	v15 =	vadd.s32 $0x7FFF, v15;
	v6 =	vld [tilespmem:s23+$0xFFFFFE20];
	v9 =	vshrl.u32 v12, $0x10;
	v11 =	vshrl.u32 v14, $0x10  }
0x4d: {  	v31 =	vshrl.u32 v10, $0x10;
	v9 =	vand.u32 $0x1, v9;
	v11 =	vand.u32 $0x1, v11  }
0x4e: {  	v0 =	vld [tilespmem:s23+$0xFFFFFC20];
	v13 =	vshrl.u32 v13, $0x10;
	v9 =	vadd.s32 v9, v12;
	v11 =	vadd.s32 v11, v14  }
0x4f: {  	v5 =	vld [tilespmem:s23+$0xFFFFDC20];
	v12 =	vand.u32 $0xFFFF0000, v15;
	v9 =	vadd.s32 $0x7FFF, v9;
	v11 =	vadd.s32 $0x7FFF, v11  }
0x50: {  	v3 =	vld [tilespmem:s23+$0xFFFFFCA0];
	v8 =	vor.u32 v13, v12;
	v12 =	vshrl.u32 v4, $0x10;
	v35 =	vshrl.u32 v27, $0x10  }
0x51: {  	v14 =	vld [tilespmem:s23+$0xFFFFDDA0];
	v38 =	vshrl.u32 v6, $0x10;
	v11 =	vand.u32 $0xFFFF0000, v11;
	v9 =	vshrl.u32 v9, $0x10  }
0x52: {  	v12 =	vand.u32 $0x1, v12;
	[tilespmem:s24+$0x100] =	vst v8;
	v8 =	vand.u32 $0x1, v31;
	v37 =	vand.u32 $0x1, v35  }
0x53: {  	v9 =	vor.u32 v9, v11;
	v11 =	vshrl.u32 v0, $0x10;
	v4 =	vadd.s32 v12, v4  }
0x54: {  	v32 =	vld [tilespmem:s23+$0xFFFFDEA0];
	v8 =	vadd.s32 v8, v10;
	v16 =	vadd.s32 v37, v27;
	[tilespmem:s24+$0x1B0] =	vst v9;
	v9 =	vshrl.u32 v5, $0x10  }
0x55: {  	v11 =	vand.u32 $0x1, v11;
	v4 =	vadd.s32 $0x7FFF, v4;
	v8 =	vadd.s32 $0x7FFF, v8;
	v13 =	vld [tilespmem:s23+$0xFFFFDFD0]  }
0x56: {  	v7 =	vand.u32 $0x1, v9;
	v9 =	vshrl.u32 v3, $0x10;
	v15 =	vld [tilespmem:s23+$0xFFFFFFD0];
	v30 =	vshrl.u32 v14, $0x10  }
0x57: {  	v0 =	vadd.s32 v11, v0;
	v4 =	vshrl.u32 v4, $0x10;
	v8 =	vand.u32 $0xFFFF0000, v8  }
0x58: {  	v9 =	vand.u32 $0x1, v9;
	v5 =	vadd.s32 v7, v5;
	v7 =	vand.u32 $0x1, v29  }
0x59: {  	v11 =	vand.u32 $0x1, v30;
	v0 =	vadd.s32 $0x7FFF, v0;
	v3 =	vadd.s32 v9, v3  }
0x5a: {  	v1 =	vadd.s32 v7, v1;
	v11 =	vadd.s32 v11, v14;
	v14 =	vshrl.u32 v32, $0x10  }
0x5b: {  	v5 =	vadd.s32 $0x7FFF, v5;
	v33 =	vshrl.u32 v13, $0x10;
	v34 =	vshrl.u32 v15, $0x10  }
0x5c: {  	v0 =	vand.u32 $0xFFFF0000, v0;
	v18 =	vand.u32 $0x1, v33;
	v20 =	vand.u32 $0x1, v34  }
0x5d: {  	v14 =	vand.u32 $0x1, v14;
	v13 =	vadd.s32 v18, v13;
	v15 =	vadd.s32 v20, v15  }
0x5e: {  	v36 =	vld [tilespmem:s23+$0xFFFFDF20];
	v3 =	vadd.s32 $0x7FFF, v3;
	v13 =	vadd.s32 $0x7FFF, v13;
	v15 =	vadd.s32 $0x7FFF, v15  }
0x5f: {  	v12 =	vld [tilespmem:s23+$0xFFFFFEA0];
	v1 =	vadd.s32 $0x7FFF, v1;
	v15 =	vand.u32 $0xFFFF0000, v15;
	v13 =	vshrl.u32 v13, $0x10  }
0x60: {  	v11 =	vadd.s32 $0x7FFF, v11;
	v5 =	vshrl.u32 v5, $0x10;
	v7 =	vor.u32 v13, v15  }
0x61: {  	v3 =	vand.u32 $0xFFFF0000, v3;
	v1 =	vand.u32 $0xFFFF0000, v1;
	v11 =	vshrl.u32 v11, $0x10;
	[tilespmem:s24+$0x1C0] =	vst v7  }
0x62: {  	v0 =	vor.u32 v5, v0;
	v3 =	vor.u32 v4, v3;
	v1 =	vor.u32 v2, v1;
	v40 =	vld [tilespmem:s23+$0xFFFFDFE0]  }
0x63: {  	v2 =	vor.u32 v11, v8;
	v13 =	vand.u32 $0x1, v38;
	v15 =	vshrl.u32 v36, $0x10;
	v10 =	vld [tilespmem:s23+$0xFFFFFFE0]  }
0x64: {  	v7 =	vshrl.u32 v12, $0x10;
	v15 =	vand.u32 $0x1, v15;
	v6 =	vadd.s32 v13, v6  }
0x65: {  	v13 =	vadd.s32 v14, v32;
	v7 =	vand.u32 $0x1, v7;
	v6 =	vadd.s32 $0x7FFF, v6  }
0x66: {  	v13 =	vadd.s32 $0x7FFF, v13;
	v7 =	vadd.s32 v7, v12;
	v12 =	vadd.s32 v15, v36  }
0x67: {  	[tilespmem:s24+$0xFFFFFE10] =	vst v0;
	v5 =	vand.u32 $0xFFFF0000, v6;
	v0 =	vshrl.u32 v13, $0x10;
	v7 =	vadd.s32 $0x7FFF, v7  }
0x68: {  	v9 =	vld [tilespmem:s23+$0xFFFFFF20];
	v7 =	vand.u32 $0xFFFF0000, v7;
	v14 =	vshrl.u32 v40, $0x10;
	v15 =	vshrl.u32 v10, $0x10  }
0x69: {  	v4 =	vld [tilespmem:s23+$0xFFFFDC30];
	[tilespmem:s24+$0xFFFFFE90] =	vst v3;
	v0 =	vor.u32 v0, v7;
	v14 =	vand.u32 $0x1, v14;
	v15 =	vand.u32 $0x1, v15  }
0x6a: {  	v3 =	vld [tilespmem:s23+$0xFFFFFC30];
	[tilespmem:s24+$0xFFFFFF90] =	vst v2;
	v14 =	vadd.s32 v14, v40;
	v10 =	vadd.s32 v15, v10;
	v15 =	vadd.s32 $0x7FFF, v16  }
0x6b: {  	v13 =	vld [tilespmem:s23+$0xFFFFDDB0];
	[tilespmem:s24+$0x90] =	vst v0;
	v14 =	vadd.s32 $0x7FFF, v14;
	v10 =	vadd.s32 $0x7FFF, v10;
	v6 =	vshrl.u32 v15, $0x10  }
0x6c: {  	v42 =	vld [tilespmem:s23+$0xFFFFDEB0];
	v10 =	vand.u32 $0xFFFF0000, v10;
	v14 =	vshrl.u32 v14, $0x10;
	v5 =	vor.u32 v6, v5  }
0x6d: {  	v39 =	vshrl.u32 v9, $0x10;
	v6 =	vld [tilespmem:s23+$0xFFFFDCB0];
	v10 =	vor.u32 v14, v10;
	[tilespmem:s24+$0x10] =	vst v5  }
0x6e: {  	v17 =	vand.u32 $0x1, v39;
	v2 =	vshrl.u32 v4, $0x10;
	[tilespmem:s24+$0x1D0] =	vst v10;
	v15 =	vld [tilespmem:s23+$0xFFFFDE30]  }
0x6f: {  	v9 =	vadd.s32 v17, v9;
	v2 =	vand.u32 $0x1, v2;
	v10 =	vld [tilespmem:s23+$0xFFFFDFF0]  }
0x70: {  	v9 =	vadd.s32 $0x7FFF, v9;
	v2 =	vadd.s32 v2, v4;
	v12 =	vadd.s32 $0x7FFF, v12;
	v14 =	vld [tilespmem:s23+$0xFFFFFFF0]  }
0x71: {  	v9 =	vand.u32 $0xFFFF0000, v9;
	v2 =	vadd.s32 $0x7FFF, v2;
	v12 =	vshrl.u32 v12, $0x10  }
0x72: {  	v2 =	vshrl.u32 v2, $0x10;
	v9 =	vor.u32 v12, v9;
	v5 =	vshrl.u32 v6, $0x10  }
0x73: {  	v12 =	vshrl.u32 v3, $0x10;
	v45 =	vshrl.u32 v42, $0x10;
	v5 =	vand.u32 $0x1, v5  }
0x74: {  	[tilespmem:s24+$0x110] =	vst v9;
	v5 =	vadd.s32 v5, v6;
	v6 =	vshrl.u32 v13, $0x10;
	v9 =	vshrl.u32 v15, $0x10  }
0x75: {  	[tilespmem:s24+$0xFFFFFF10] =	vst v1;
	v1 =	vld [tilespmem:s23+$0xFFFFFCB0];
	v8 =	vshrl.u32 v10, $0x10;
	v11 =	vshrl.u32 v14, $0x10;
	v9 =	vand.u32 $0x1, v9  }
0x76: {  	v5 =	vadd.s32 $0x7FFF, v5;
	v7 =	vand.u32 $0x1, v8;
	v8 =	vand.u32 $0x1, v11;
	v11 =	vld [tilespmem:s23+$0xFFFFDD30]  }
0x77: {  	v9 =	vadd.s32 v9, v15;
	v7 =	vadd.s32 v7, v10;
	v8 =	vadd.s32 v8, v14;
	v10 =	vld [tilespmem:s23+$0xFFFFFD30]  }
0x78: {  	v5 =	vshrl.u32 v5, $0x10;
	v14 =	vld [tilespmem:s23+$0xFFFFFDB0];
	v7 =	vadd.s32 $0x7FFF, v7;
	v8 =	vadd.s32 $0x7FFF, v8  }
0x79: {  	v9 =	vadd.s32 $0x7FFF, v9;
	v8 =	vand.u32 $0xFFFF0000, v8;
	v7 =	vshrl.u32 v7, $0x10  }
0x7a: {  	v7 =	vor.u32 v7, v8;
	v8 =	vand.u32 $0x1, v12;
	v12 =	vshrl.u32 v1, $0x10  }
0x7b: {  	v9 =	vshrl.u32 v9, $0x10;
	[tilespmem:s24+$0x1E0] =	vst v7;
	v4 =	vand.u32 $0x1, v12;
	v7 =	vshrl.u32 v11, $0x10  }
0x7c: {  	v3 =	vadd.s32 v8, v3;
	v7 =	vand.u32 $0x1, v7;
	v8 =	vshrl.u32 v10, $0x10  }
0x7d: {  	v1 =	vadd.s32 v4, v1;
	v4 =	vand.u32 $0x1, v6;
	v6 =	vshrl.u32 v14, $0x10  }
0x7e: {  	v12 =	vld [tilespmem:s23+$0xFFFFE000];
	v3 =	vadd.s32 $0x7FFF, v3;
	v0 =	vand.u32 $0x1, v8;
	v7 =	vadd.s32 v7, v11  }
0x7f: {  	v41 =	vld [tilespmem:s23+$0x0];
	v6 =	vand.u32 $0x1, v6;
	v4 =	vadd.s32 v4, v13;
	v1 =	vadd.s32 $0x7FFF, v1  }
0x80: {  	v8 =	vld [tilespmem:s23+$0xFFFFFE30];
	v3 =	vand.u32 $0xFFFF0000, v3;
	v10 =	vadd.s32 v0, v10;
	v6 =	vadd.s32 v6, v14  }
0x81: {  	v11 =	vld [tilespmem:s23+$0xFFFFFEB0];
	v7 =	vadd.s32 $0x7FFF, v7;
	v4 =	vadd.s32 $0x7FFF, v4;
	v2 =	vor.u32 v2, v3  }
0x82: {  	v13 =	vld [tilespmem:s23+$0xFFFFDF30];
	v1 =	vand.u32 $0xFFFF0000, v1;
	v10 =	vadd.s32 $0x7FFF, v10;
	v6 =	vadd.s32 $0x7FFF, v6  }
0x83: {  	v14 =	vld [tilespmem:s23+$0xFFFFFF30];
	v1 =	vor.u32 v5, v1;
	v7 =	vshrl.u32 v7, $0x10;
	v4 =	vshrl.u32 v4, $0x10  }
0x84: {  	v10 =	vand.u32 $0xFFFF0000, v10;
	v6 =	vand.u32 $0xFFFF0000, v6;
	v0 =	vshrl.u32 v12, $0x10  }
0x85: {  	v43 =	vshrl.u32 v41, $0x10;
	v7 =	vor.u32 v7, v10;
	v4 =	vor.u32 v4, v6  }
0x86: {  	v44 =	vshrl.u32 v8, $0x10;
	v0 =	vand.u32 $0x1, v0;
	v18 =	vand.u32 $0x1, v43  }
0x87: {  	[tilespmem:s24+$0xFFFFFE20] =	vst v2;
	v46 =	vshrl.u32 v11, $0x10;
	v47 =	vshrl.u32 v13, $0x10;
	v0 =	vadd.s32 v0, v12  }
0x88: {  	v5 =	vld [tilespmem:s23+$0xFFFFDC40];
	v12 =	vadd.s32 v18, v41;
	v19 =	vand.u32 $0x1, v44;
	v48 =	vshrl.u32 v14, $0x10  }
0x89: {  	v16 =	vand.u32 $0x1, v46;
	v18 =	vand.u32 $0x1, v47;
	v0 =	vadd.s32 $0x7FFF, v0  }
0x8a: {  	v12 =	vadd.s32 $0x7FFF, v12;
	v8 =	vadd.s32 v19, v8;
	v15 =	vand.u32 $0x1, v48  }
0x8b: {  	v11 =	vadd.s32 v16, v11;
	v13 =	vadd.s32 v18, v13;
	v12 =	vand.u32 $0xFFFF0000, v12  }
0x8c: {  	[tilespmem:s24+$0xFFFFFEA0] =	vst v1;
	v1 =	vld [tilespmem:s23+$0xFFFFFC40];
	v0 =	vshrl.u32 v0, $0x10;
	v14 =	vadd.s32 v15, v14;
	v8 =	vadd.s32 $0x7FFF, v8  }
0x8d: {  	v10 =	vld [tilespmem:s23+$0xFFFFDCC0];
	[tilespmem:s24+$0xFFFFFFA0] =	vst v4;
	v3 =	vadd.s32 $0x7FFF, v11;
	v2 =	vadd.s32 $0x7FFF, v13;
	v4 =	vshrl.u32 v5, $0x10  }
0x8e: {  	v0 =	vor.u32 v0, v12;
	v12 =	vand.u32 $0x1, v45;
	v11 =	vadd.s32 $0x7FFF, v14  }
0x8f: {  	v8 =	vand.u32 $0xFFFF0000, v8;
	v3 =	vand.u32 $0xFFFF0000, v3;
	v2 =	vshrl.u32 v2, $0x10  }
0x90: {  	[tilespmem:s24+$0xFFFFFF20] =	vst v7;
	v7 =	vld [tilespmem:s23+$0xFFFFFCC0];
	v4 =	vand.u32 $0x1, v4;
	v12 =	vadd.s32 v12, v42;
	v11 =	vand.u32 $0xFFFF0000, v11  }
0x91: {  	v6 =	vld [tilespmem:s23+$0xFFFFDD40];
	v8 =	vor.u32 v9, v8;
	v4 =	vadd.s32 v4, v5;
	v12 =	vadd.s32 $0x7FFF, v12  }
0x92: {  	v9 =	vld [tilespmem:s23+$0xFFFFFD40];
	v2 =	vor.u32 v2, v11;
	v11 =	vshrl.u32 v1, $0x10;
	[tilespmem:s24+$0x20] =	vst v8;
	v8 =	vshrl.u32 v10, $0x10  }
0x93: {  	v4 =	vadd.s32 $0x7FFF, v4;
	v12 =	vshrl.u32 v12, $0x10;
	v5 =	vand.u32 $0x1, v11  }
0x94: {  	v3 =	vor.u32 v12, v3;
	v1 =	vadd.s32 v5, v1;
	v5 =	vand.u32 $0x1, v8  }
0x95: {  	v11 =	vld [tilespmem:s23+$0xFFFFFDC0];
	v4 =	vshrl.u32 v4, $0x10;
	v8 =	vshrl.u32 v7, $0x10;
	[tilespmem:s24+$0xA0] =	vst v3;
	v3 =	vadd.s32 v5, v10  }
0x96: {  	v12 =	vld [tilespmem:s23+$0xFFFFDDC0];
	v5 =	vand.u32 $0x1, v8;
	v8 =	vshrl.u32 v6, $0x10;
	v1 =	vadd.s32 $0x7FFF, v1  }
0x97: {  	v5 =	vadd.s32 v5, v7;
	v7 =	vand.u32 $0x1, v8;
	v8 =	vshrl.u32 v9, $0x10  }
0x98: {  	[tilespmem:s24+$0x120] =	vst v2;
	v3 =	vadd.s32 $0x7FFF, v3;
	v1 =	vand.u32 $0xFFFF0000, v1;
	v2 =	vadd.s32 v7, v6  }
0x99: {  	v13 =	vld [tilespmem:s23+$0xFFFFDE40];
	v6 =	vand.u32 $0x1, v8;
	v5 =	vadd.s32 $0x7FFF, v5;
	v1 =	vor.u32 v4, v1  }
0x9a: {  	v3 =	vshrl.u32 v3, $0x10;
	v6 =	vadd.s32 v6, v9;
	v9 =	vshrl.u32 v11, $0x10  }
0x9b: {  	v10 =	vld [tilespmem:s23+$0xFFFFFE40];
	v2 =	vadd.s32 $0x7FFF, v2;
	v5 =	vand.u32 $0xFFFF0000, v5;
	v7 =	vshrl.u32 v12, $0x10  }
0x9c: {  	v14 =	vld [tilespmem:s23+$0xFFFFDEC0];
	v9 =	vand.u32 $0x1, v9;
	v6 =	vadd.s32 $0x7FFF, v6;
	v3 =	vor.u32 v3, v5  }
0x9d: {  	v2 =	vshrl.u32 v2, $0x10;
	v7 =	vand.u32 $0x1, v7;
	v9 =	vadd.s32 v9, v11  }
0x9e: {  	v8 =	vld [tilespmem:s23+$0xFFFFFEC0];
	v6 =	vand.u32 $0xFFFF0000, v6;
	v7 =	vadd.s32 v7, v12;
	v12 =	vshrl.u32 v13, $0x10  }
0x9f: {  	v15 =	vld [tilespmem:s23+$0xFFFFDF40];
	v9 =	vadd.s32 $0x7FFF, v9;
	v2 =	vor.u32 v2, v6;
	v11 =	vand.u32 $0x1, v12  }
0xa0: {  	v12 =	vshrl.u32 v10, $0x10;
	v7 =	vadd.s32 $0x7FFF, v7;
	v9 =	vand.u32 $0xFFFF0000, v9  }
0xa1: {  	v49 =	vld [tilespmem:s23+$0xFFFFFF40];
	v11 =	vadd.s32 v11, v13;
	v12 =	vand.u32 $0x1, v12;
	v13 =	vshrl.u32 v14, $0x10  }
0xa2: {  	v7 =	vshrl.u32 v7, $0x10;
	v10 =	vadd.s32 v12, v10;
	v12 =	vand.u32 $0x1, v13  }
0xa3: {  	[tilespmem:s24+$0xFFFFFE30] =	vst v1;
	v13 =	vshrl.u32 v8, $0x10;
	v11 =	vadd.s32 $0x7FFF, v11;
	v7 =	vor.u32 v7, v9  }
0xa4: {  	v5 =	vld [tilespmem:s23+$0xFFFFDC50];
	v12 =	vadd.s32 v12, v14;
	v13 =	vand.u32 $0x1, v13;
	v14 =	vshrl.u32 v15, $0x10  }
0xa5: {  	[tilespmem:s24+$0xFFFFFEB0] =	vst v3;
	v3 =	vld [tilespmem:s23+$0xFFFFFC50];
	v4 =	vadd.s32 $0x7FFF, v10;
	v11 =	vshrl.u32 v11, $0x10;
	v8 =	vadd.s32 v13, v8  }
0xa6: {  	v6 =	vld [tilespmem:s23+$0xFFFFDCD0];
	[tilespmem:s24+$0xFFFFFF30] =	vst v2;
	v13 =	vand.u32 $0x1, v14;
	v14 =	vshrl.u32 v49, $0x10;
	v1 =	vadd.s32 $0x7FFF, v12  }
0xa7: {  	[tilespmem:s24+$0xFFFFFFB0] =	vst v7;
	v7 =	vld [tilespmem:s23+$0xFFFFFD50];
	v4 =	vand.u32 $0xFFFF0000, v4;
	v13 =	vadd.s32 v13, v15;
	v14 =	vand.u32 $0x1, v14  }
0xa8: {  	v8 =	vadd.s32 $0x7FFF, v8;
	v4 =	vor.u32 v11, v4;
	v11 =	vld [tilespmem:s23+$0xFFFFDDD0];
	v14 =	vadd.s32 v14, v49  }
0xa9: {  	v1 =	vshrl.u32 v1, $0x10;
	v10 =	vadd.s32 $0x7FFF, v13;
	v12 =	vadd.s32 $0x7FFF, v14  }
0xaa: {  	v2 =	vld [tilespmem:s23+$0xFFFFFCD0];
	v8 =	vand.u32 $0xFFFF0000, v8;
	v10 =	vshrl.u32 v10, $0x10;
	v12 =	vand.u32 $0xFFFF0000, v12  }
0xab: {  	v9 =	vld [tilespmem:s23+$0xFFFFDD50];
	[tilespmem:s24+$0x30] =	vst v4;
	v1 =	vor.u32 v1, v8;
	v8 =	vor.u32 v10, v12;
	v10 =	vshrl.u32 v5, $0x10  }
0xac: {  	[tilespmem:s24+$0xB0] =	vst v1;
	v14 =	vshrl.u32 v7, $0x10;
	v12 =	vshrl.u32 v6, $0x10;
	v4 =	vand.u32 $0x1, v10  }
0xad: {  	v10 =	vshrl.u32 v3, $0x10;
	[tilespmem:s24+$0x130] =	vst v8;
	v8 =	vshrl.u32 v11, $0x10;
	v4 =	vadd.s32 v4, v5  }
0xae: {  	v15 =	vld [tilespmem:s23+$0xFFFFDED0];
	v5 =	vand.u32 $0x1, v10;
	v10 =	vand.u32 $0x1, v12;
	v8 =	vand.u32 $0x1, v8  }
0xaf: {  	v1 =	vadd.s32 v5, v3;
	v3 =	vshrl.u32 v2, $0x10;
	v5 =	vadd.s32 v10, v6  }
0xb0: {  	v13 =	vld [tilespmem:s23+$0xFFFFFDD0];
	v10 =	vshrl.u32 v9, $0x10;
	v8 =	vadd.s32 v8, v11;
	v4 =	vadd.s32 $0x7FFF, v4  }
0xb1: {  	v12 =	vld [tilespmem:s23+$0xFFFFDE50];
	v3 =	vand.u32 $0x1, v3;
	v1 =	vadd.s32 $0x7FFF, v1;
	v5 =	vadd.s32 $0x7FFF, v5  }
0xb2: {  	v8 =	vadd.s32 $0x7FFF, v8;
	v4 =	vshrl.u32 v4, $0x10;
	v2 =	vadd.s32 v3, v2  }
0xb3: {  	v6 =	vld [tilespmem:s23+$0xFFFFFE50];
	v3 =	vand.u32 $0x1, v10;
	v10 =	vand.u32 $0x1, v14;
	v51 =	vshrl.u32 v15, $0x10  }
0xb4: {  	v11 =	vld [tilespmem:s23+$0xFFFFFF50];
	v1 =	vand.u32 $0xFFFF0000, v1;
	v5 =	vshrl.u32 v5, $0x10;
	v8 =	vshrl.u32 v8, $0x10  }
0xb5: {  	v3 =	vadd.s32 v3, v9;
	v7 =	vadd.s32 v10, v7;
	v9 =	vshrl.u32 v13, $0x10  }
0xb6: {  	v2 =	vadd.s32 $0x7FFF, v2;
	v1 =	vor.u32 v4, v1;
	v50 =	vshrl.u32 v12, $0x10  }
0xb7: {  	v14 =	vld [tilespmem:s23+$0xFFFFFED0];
	v9 =	vand.u32 $0x1, v9;
	v3 =	vadd.s32 $0x7FFF, v3;
	v7 =	vadd.s32 $0x7FFF, v7  }
0xb8: {  	v2 =	vand.u32 $0xFFFF0000, v2;
	v16 =	vand.u32 $0x1, v50;
	v9 =	vadd.s32 v9, v13  }
0xb9: {  	v10 =	vld [tilespmem:s23+$0xFFFFDF50];
	v13 =	vshrl.u32 v6, $0x10;
	v54 =	vshrl.u32 v11, $0x10;
	v2 =	vor.u32 v5, v2  }
0xba: {  	v7 =	vand.u32 $0xFFFF0000, v7;
	v3 =	vshrl.u32 v3, $0x10;
	v12 =	vadd.s32 v16, v12  }
0xbb: {  	v13 =	vand.u32 $0x1, v13;
	v9 =	vadd.s32 $0x7FFF, v9;
	v3 =	vor.u32 v3, v7  }
0xbc: {  	[tilespmem:s24+$0xFFFFFE40] =	vst v1;
	v52 =	vshrl.u32 v14, $0x10;
	v6 =	vadd.s32 v13, v6;
	v13 =	vand.u32 $0x1, v51  }
0xbd: {  	v5 =	vld [tilespmem:s23+$0xFFFFDC60];
	v12 =	vadd.s32 $0x7FFF, v12;
	v9 =	vand.u32 $0xFFFF0000, v9;
	v53 =	vand.u32 $0x1, v52  }
0xbe: {  	v13 =	vadd.s32 v13, v15;
	v15 =	vshrl.u32 v10, $0x10;
	v6 =	vadd.s32 $0x7FFF, v6  }
0xbf: {  	[tilespmem:s24+$0xFFFFFEC0] =	vst v2;
	v2 =	vld [tilespmem:s23+$0xFFFFFC60];
	v12 =	vshrl.u32 v12, $0x10;
	v8 =	vor.u32 v8, v9;
	v14 =	vadd.s32 v53, v14  }
0xc0: {  	v7 =	vld [tilespmem:s23+$0xFFFFDCE0];
	v15 =	vand.u32 $0x1, v15;
	v4 =	vadd.s32 $0x7FFF, v13;
	v6 =	vand.u32 $0xFFFF0000, v6  }
0xc1: {  	[tilespmem:s24+$0xFFFFFF40] =	vst v3;
	v3 =	vld [tilespmem:s23+$0xFFFFFCE0];
	v10 =	vadd.s32 v15, v10;
	v15 =	vand.u32 $0x1, v54;
	v1 =	vadd.s32 $0x7FFF, v14  }
0xc2: {  	[tilespmem:s24+$0xFFFFFFC0] =	vst v8;
	v4 =	vshrl.u32 v4, $0x10;
	v6 =	vor.u32 v12, v6;
	v8 =	vshrl.u32 v5, $0x10  }
0xc3: {  	v11 =	vadd.s32 v15, v11;
	v10 =	vadd.s32 $0x7FFF, v10;
	v1 =	vand.u32 $0xFFFF0000, v1  }
0xc4: {  	v9 =	vld [tilespmem:s23+$0xFFFFDD60];
	v8 =	vand.u32 $0x1, v8;
	[tilespmem:s24+$0x40] =	vst v6;
	v6 =	vshrl.u32 v2, $0x10;
	v11 =	vadd.s32 $0x7FFF, v11  }
0xc5: {  	v12 =	vld [tilespmem:s23+$0xFFFFFD60];
	v10 =	vshrl.u32 v10, $0x10;
	v1 =	vor.u32 v4, v1;
	v5 =	vadd.s32 v8, v5  }
0xc6: {  	v8 =	vshrl.u32 v7, $0x10;
	v6 =	vand.u32 $0x1, v6;
	v13 =	vshrl.u32 v3, $0x10  }
0xc7: {  	v11 =	vand.u32 $0xFFFF0000, v11;
	v8 =	vand.u32 $0x1, v8;
	[tilespmem:s24+$0xC0] =	vst v1;
	v1 =	vadd.s32 v6, v2  }
0xc8: {  	v6 =	vand.u32 $0x1, v13;
	v5 =	vadd.s32 $0x7FFF, v5;
	v4 =	vor.u32 v10, v11  }
0xc9: {  	v10 =	vld [tilespmem:s23+$0xFFFFDDE0];
	v2 =	vadd.s32 v8, v7;
	v8 =	vshrl.u32 v9, $0x10;
	v3 =	vadd.s32 v6, v3  }
0xca: {  	v11 =	vld [tilespmem:s23+$0xFFFFFDE0];
	v1 =	vadd.s32 $0x7FFF, v1;
	v5 =	vshrl.u32 v5, $0x10;
	v6 =	vshrl.u32 v12, $0x10  }
0xcb: {  	v7 =	vld [tilespmem:s23+$0xFFFFFE60];
	[tilespmem:s24+$0x140] =	vst v4;
	v4 =	vand.u32 $0x1, v8;
	v2 =	vadd.s32 $0x7FFF, v2;
	v3 =	vadd.s32 $0x7FFF, v3  }
0xcc: {  	v1 =	vand.u32 $0xFFFF0000, v1;
	v6 =	vand.u32 $0x1, v6;
	v4 =	vadd.s32 v4, v9  }
0xcd: {  	v14 =	vld [tilespmem:s23+$0xFFFFDE60];
	v1 =	vor.u32 v5, v1;
	v3 =	vand.u32 $0xFFFF0000, v3;
	v2 =	vshrl.u32 v2, $0x10  }
0xce: {  	v9 =	vld [tilespmem:s23+$0xFFFFDF60];
	v6 =	vadd.s32 v6, v12;
	v4 =	vadd.s32 $0x7FFF, v4;
	v2 =	vor.u32 v2, v3  }
0xcf: {  	v15 =	vld [tilespmem:s23+$0xFFFFFEE0];
	v6 =	vadd.s32 $0x7FFF, v6;
	v4 =	vshrl.u32 v4, $0x10;
	v8 =	vshrl.u32 v10, $0x10  }
0xd0: {  	v13 =	vld [tilespmem:s23+$0xFFFFDEE0];
	v12 =	vshrl.u32 v11, $0x10;
	v56 =	vshrl.u32 v7, $0x10;
	v6 =	vand.u32 $0xFFFF0000, v6  }
0xd1: {  	v8 =	vand.u32 $0x1, v8;
	v12 =	vand.u32 $0x1, v12;
	v4 =	vor.u32 v4, v6  }
0xd2: {  	v8 =	vadd.s32 v8, v10;
	v10 =	vshrl.u32 v14, $0x10;
	v11 =	vadd.s32 v12, v11  }
0xd3: {  	v55 =	vld [tilespmem:s23+$0xFFFFFF60];
	v12 =	vand.u32 $0x1, v56;
	v57 =	vshrl.u32 v9, $0x10;
	v10 =	vand.u32 $0x1, v10  }
0xd4: {  	[tilespmem:s24+$0xFFFFFE50] =	vst v1;
	v7 =	vadd.s32 v12, v7;
	v12 =	vshrl.u32 v15, $0x10;
	v8 =	vadd.s32 $0x7FFF, v8  }
0xd5: {  	v3 =	vld [tilespmem:s23+$0xFFFFDC70];
	v11 =	vadd.s32 $0x7FFF, v11;
	v10 =	vadd.s32 v10, v14;
	v14 =	vshrl.u32 v13, $0x10  }
0xd6: {  	v12 =	vand.u32 $0x1, v12;
	v7 =	vadd.s32 $0x7FFF, v7;
	v11 =	vand.u32 $0xFFFF0000, v11  }
0xd7: {  	v8 =	vshrl.u32 v8, $0x10;
	v14 =	vand.u32 $0x1, v14;
	v12 =	vadd.s32 v12, v15  }
0xd8: {  	v15 =	vshrl.u32 v55, $0x10;
	v10 =	vadd.s32 $0x7FFF, v10;
	v7 =	vand.u32 $0xFFFF0000, v7  }
0xd9: {  	[tilespmem:s24+$0xFFFFFED0] =	vst v2;
	v8 =	vor.u32 v8, v11;
	v13 =	vadd.s32 v14, v13;
	v14 =	vand.u32 $0x1, v57  }
0xda: {  	v2 =	vld [tilespmem:s23+$0xFFFFFC70];
	v5 =	vadd.s32 $0x7FFF, v12;
	v10 =	vshrl.u32 v10, $0x10;
	[tilespmem:s24+$0xFFFFFFD0] =	vst v8;
	v8 =	vshrl.u32 v3, $0x10  }
0xdb: {  	v6 =	vld [tilespmem:s23+$0xFFFFDCF0];
	v9 =	vadd.s32 v14, v9;
	v14 =	vand.u32 $0x1, v15;
	v13 =	vadd.s32 $0x7FFF, v13  }
0xdc: {  	[tilespmem:s24+$0xFFFFFF50] =	vst v4;
	v4 =	vld [tilespmem:s23+$0xFFFFFCF0];
	v5 =	vand.u32 $0xFFFF0000, v5;
	v7 =	vor.u32 v10, v7;
	v14 =	vadd.s32 v14, v55  }
0xdd: {  	v11 =	vld [tilespmem:s23+$0xFFFFDD70];
	v8 =	vand.u32 $0x1, v8;
	v1 =	vadd.s32 $0x7FFF, v9;
	v9 =	vadd.s32 $0x7FFF, v14  }
0xde: {  	v10 =	vld [tilespmem:s23+$0xFFFFFD70];
	v12 =	vshrl.u32 v13, $0x10;
	v1 =	vshrl.u32 v1, $0x10;
	v9 =	vand.u32 $0xFFFF0000, v9  }
0xdf: {  	v5 =	vor.u32 v12, v5;
	v12 =	vld [tilespmem:s23+$0xFFFFDDF0];
	v1 =	vor.u32 v1, v9;
	v9 =	vshrl.u32 v2, $0x10  }
0xe0: {  	[tilespmem:s24+$0x50] =	vst v7;
	v3 =	vadd.s32 v8, v3;
	v8 =	vshrl.u32 v6, $0x10;
	v7 =	vand.u32 $0x1, v9;
	v9 =	vld [tilespmem:s23+$0xFFFFFDF0]  }
0xe1: {  	v13 =	vld [tilespmem:s23+$0xFFFFDE70];
	v2 =	vadd.s32 v7, v2;
	v7 =	vand.u32 $0x1, v8;
	v8 =	vshrl.u32 v4, $0x10  }
0xe2: {  	[tilespmem:s24+$0xD0] =	vst v5;
	v5 =	vadd.s32 v7, v6;
	v6 =	vand.u32 $0x1, v8;
	v7 =	vshrl.u32 v11, $0x10  }
0xe3: {  	v8 =	vld [tilespmem:s23+$0xFFFFFE70];
	v4 =	vadd.s32 v6, v4;
	v6 =	vand.u32 $0x1, v7;
	v7 =	vshrl.u32 v10, $0x10  }
0xe4: {  	v14 =	vld [tilespmem:s23+$0xFFFFDEF0];
	[tilespmem:s24+$0x150] =	vst v1;
	v1 =	vadd.s32 v6, v11;
	v6 =	vand.u32 $0x1, v7;
	v7 =	vshrl.u32 v12, $0x10  }
0xe5: {  	v11 =	vld [tilespmem:s23+$0xFFFFFEF0];
	v10 =	vadd.s32 v6, v10;
	v6 =	vand.u32 $0x1, v7;
	v7 =	vshrl.u32 v9, $0x10  }
0xe6: {  	v58 =	vadd.s32 v6, v12;
	v6 =	vand.u32 $0x1, v7;
	v7 =	vshrl.u32 v13, $0x10  }
0xe7: {  	v15 =	vld [tilespmem:s23+$0xFFFFDF70];
	v62 =	vadd.s32 $0x7FFF, v2;
	v59 =	vadd.s32 v6, v9;
	v6 =	vand.u32 $0x1, v7  }
0xe8: {  	v12 =	vld [tilespmem:s23+$0xFFFFFF70];
	v7 =	vshrl.u32 v8, $0x10;
	v9 =	vadd.s32 $0x7FFF, v5;
	v5 =	vadd.s32 $0x7FFF, v58  }
0xe9: {  	v13 =	vadd.s32 v6, v13;
	v6 =	vand.u32 $0x1, v7;
	v7 =	vshrl.u32 v14, $0x10  }
0xea: {  	v60 =	vadd.s32 v6, v8;
	v6 =	vand.u32 $0x1, v7;
	v7 =	vshrl.u32 v11, $0x10  }
0xeb: {  	v2 =	vadd.s32 $0x7FFF, v13;
	v14 =	vadd.s32 v6, v14;
	v6 =	vand.u32 $0x1, v7  }
0xec: {  	v13 =	vand.u32 $0xFFFF0000, v62;
	v7 =	vshrl.u32 v15, $0x10;
	v61 =	vadd.s32 v6, v11  }
0xed: {  	v7 =	vand.u32 $0x1, v7;
	v8 =	vshrl.u32 v12, $0x10;
	v6 =	vadd.s32 $0x7FFF, v3  }
0xee: {  	v11 =	vadd.s32 $0x7FFF, v10;
	v10 =	vadd.s32 $0x7FFF, v59;
	v15 =	vadd.s32 v7, v15  }
0xef: {  	s25 =	sshll.u32 s22, $0xD;
	v3 =	vand.u32 $0x1, v8;
	v8 =	vadd.s32 $0x7FFF, v1;
	v7 =	vadd.s32 $0x7FFF, v60  }
0xf0: {  	s28 =	simm.s32 $0x0;
	s25 =	sand.u32 $0x6000, s25;
	v1 =	vadd.s32 $0x7FFF, v14;
	v63 =	vadd.s32 v3, v12;
	v12 =	vadd.s32 $0x7FFF, v4  }
0xf1: {  	s25 =	sadd.s32 $0x15C00, s25;
	s29 =	sadd.s32 $0x400, s23;
	s26 =	smov.u32 s24;
	[tilespmem:s24+$0x1F0] =	vst v0;
	v3 =	vadd.s32 $0x7FFF, v61;
	v0 =	vadd.s32 $0x7FFF, v15;
	v4 =	vadd.s32 $0x7FFF, v63  }
.LBB2_3:
0xf2: {  	v14 =	vld [tilespmem:s29+$0xFFFFDF90];
	v6 =	vshrl.u32 v6, $0x10;
	v15 =	vand.u32 $0xFFFF0000, v12;
	v9 =	vshrl.u32 v9, $0x10  }
0xf3: {  	v11 =	vand.u32 $0xFFFF0000, v11;
	v8 =	vshrl.u32 v8, $0x10;
	v10 =	vand.u32 $0xFFFF0000, v10;
	v16 =	vld [tilespmem:s29+$0xFFFFFF90]  }
0xf4: {  	v5 =	vshrl.u32 v5, $0x10;
	v7 =	vand.u32 $0xFFFF0000, v7;
	v2 =	vshrl.u32 v2, $0x10;
	v17 =	vld [tilespmem:s29+$0xFFFFFC10]  }
0xf5: {  	v3 =	vand.u32 $0xFFFF0000, v3;
	v1 =	vshrl.u32 v1, $0x10;
	v12 =	vand.u32 $0xFFFF0000, v4;
	v18 =	vld [tilespmem:s29+$0xFFFFDC90]  }
0xf6: {  	v6 =	vor.u32 v6, v13;
	v9 =	vor.u32 v9, v15;
	v13 =	vshrl.u32 v0, $0x10;
	v4 =	vld [tilespmem:s29+$0xFFFFFC90]  }
0xf7: {  	v5 =	vor.u32 v5, v10;
	v2 =	vor.u32 v2, v7;
	v0 =	vld [tilespmem:s29+$0xFFFFDD10];
	[tilespmem:s24+$0xFFFFFE60] =	vst v6;
	v6 =	vor.u32 v8, v11  }
0xf8: {  	v1 =	vor.u32 v1, v3;
	v8 =	vshrl.u32 v14, $0x10;
	v7 =	vld [tilespmem:s29+$0xFFFFFD10];
	v10 =	vshrl.u32 v16, $0x10;
	[tilespmem:s24+$0xFFFFFEE0] =	vst v9  }
0xf9: {  	v8 =	vand.u32 $0x1, v8;
	v3 =	vshrl.u32 v17, $0x10;
	v9 =	vld [tilespmem:s29+$0xFFFFDD90];
	v10 =	vand.u32 $0x1, v10;
	[tilespmem:s24+$0xFFFFFF60] =	vst v6  }
0xfa: {  	s28 =	sadd.s32 $0x8, s28;
	v8 =	vadd.s32 v8, v14;
	v6 =	vshrl.u32 v18, $0x10;
	v15 =	vld [tilespmem:s29+$0xFFFFFD90];
	v10 =	vadd.s32 v10, v16;
	[tilespmem:s24+$0xFFFFFFE0] =	vst v5  }
0xfb: {  	p0 =	slt.u32 s28, $0x38;
	v8 =	vadd.s32 $0x7FFF, v8;
	v5 =	vshrl.u32 v4, $0x10;
	v14 =	vld [tilespmem:s29+$0xFFFFDE10];
	v10 =	vadd.s32 $0x7FFF, v10;
	[tilespmem:s24+$0x60] =	vst v2  }
0xfc: {  	v8 =	vshrl.u32 v8, $0x10;
	v2 =	vshrl.u32 v0, $0x10;
	v16 =	vld [tilespmem:s29+$0xFFFFFE10];
	v10 =	vand.u32 $0xFFFF0000, v10;
	[tilespmem:s24+$0xE0] =	vst v1  }
0xfd: {  	v1 =	vand.u32 $0x1, v3;
	s24 =	sadd.s32 $0x400, s24;
	v3 =	vshrl.u32 v7, $0x10;
	v19 =	vld [tilespmem:s29+$0xFFFFDE90];
	v8 =	vor.u32 v8, v10  }
0xfe: {  	v6 =	vand.u32 $0x1, v6;
	v5 =	vand.u32 $0x1, v5;
	v10 =	vshrl.u32 v9, $0x10;
	v20 =	vld [tilespmem:s29+$0xFFFFFE90];
	[tilespmem:s24+$0x180] =	vst v8  }
0xff: {  	v2 =	vand.u32 $0x1, v2;
	v3 =	vand.u32 $0x1, v3;
	v8 =	vshrl.u32 v15, $0x10;
	v21 =	vld [tilespmem:s29+$0xFFFFDFA0]  }
0x100: {  	v10 =	vand.u32 $0x1, v10;
	v8 =	vand.u32 $0x1, v8;
	v11 =	vshrl.u32 v14, $0x10;
	v22 =	vld [tilespmem:s29+$0xFFFFFFA0]  }
0x101: {  	v17 =	vadd.s32 v1, v17;
	v23 =	vand.u32 $0x1, v11;
	v1 =	vshrl.u32 v16, $0x10;
	v24 =	vld [tilespmem:s29+$0xFFFFDF10]  }
0x102: {  	v6 =	vadd.s32 v6, v18;
	v18 =	vand.u32 $0x1, v1;
	v1 =	vshrl.u32 v19, $0x10;
	v25 =	vld [tilespmem:s29+$0xFFFFFF10]  }
0x103: {  	v27 =	vadd.s32 v5, v4;
	v26 =	vld [tilespmem:s29+$0xFFFFDC10];
	v28 =	vand.u32 $0x1, v1;
	v1 =	vshrl.u32 v20, $0x10  }
0x104: {  	v29 =	vadd.s32 v2, v0;
	v7 =	vadd.s32 v3, v7;
	v30 =	vand.u32 $0x1, v1;
	v11 =	vld [tilespmem:s23+$0xFFFFDC80]  }
0x105: {  	v9 =	vadd.s32 v10, v9;
	v0 =	vshrl.u32 v21, $0x10;
	v1 =	vshrl.u32 v22, $0x10;
	v10 =	vld [tilespmem:s23+$0xFFFFFC80]  }
0x106: {  	v2 =	vand.u32 $0x1, v0;
	v4 =	vshrl.u32 v24, $0x10;
	v1 =	vand.u32 $0x1, v1;
	v0 =	vld [tilespmem:s23+$0xFFFFDD00]  }
0x107: {  	v2 =	vadd.s32 v2, v21;
	v5 =	vshrl.u32 v25, $0x10;
	v3 =	vadd.s32 v1, v22;
	v1 =	vld [tilespmem:s23+$0xFFFFFD00]  }
0x108: {  	v22 =	vadd.s32 $0x7FFF, v2;
	v21 =	vshrl.u32 v26, $0x10;
	v3 =	vadd.s32 $0x7FFF, v3;
	v2 =	vld [tilespmem:s23+$0xFFFFDD80]  }
0x109: {  	v22 =	vshrl.u32 v22, $0x10;
	v21 =	vand.u32 $0x1, v21;
	v31 =	vand.u32 $0xFFFF0000, v3;
	v3 =	vld [tilespmem:s23+$0xFFFFFD80]  }
0x10a: {  	v32 =	vand.u32 $0x1, v4;
	v33 =	vand.u32 $0x1, v5;
	v5 =	vor.u32 v22, v31;
	v4 =	vld [tilespmem:s23+$0xFFFFDE00]  }
0x10b: {  	v8 =	vadd.s32 v8, v15;
	v14 =	vadd.s32 v23, v14;
	v21 =	vadd.s32 v21, v26;
	[tilespmem:s24+$0x190] =	vst v5;
	v5 =	vld [tilespmem:s23+$0xFFFFFE00]  }
0x10c: {  	v15 =	vadd.s32 v18, v16;
	v16 =	vadd.s32 v28, v19;
	v18 =	vadd.s32 v30, v20;
	v19 =	vld [tilespmem:s29+$0xFFFFDFB0]  }
0x10d: {  	v22 =	vadd.s32 v33, v25;
	v20 =	vadd.s32 $0x7FFF, v21;
	v21 =	vadd.s32 v32, v24;
	v23 =	vld [tilespmem:s29+$0xFFFFFFB0]  }
0x10e: {  	v17 =	vadd.s32 $0x7FFF, v17;
	v25 =	vadd.s32 $0x7FFF, v27;
	v24 =	vadd.s32 $0x7FFF, v6;
	v6 =	vld [tilespmem:s23+$0xFFFFDE80]  }
0x10f: {  	v28 =	vadd.s32 $0x7FFF, v9;
	v26 =	vadd.s32 $0x7FFF, v29;
	v27 =	vadd.s32 $0x7FFF, v7;
	v7 =	vld [tilespmem:s23+$0xFFFFFE80]  }
0x110: {  	v14 =	vadd.s32 $0x7FFF, v14;
	v15 =	vadd.s32 $0x7FFF, v15;
	v29 =	vadd.s32 $0x7FFF, v8;
	v8 =	vld [tilespmem:s23+$0xFFFFDF00]  }
0x111: {  	v16 =	vadd.s32 $0x7FFF, v16;
	v18 =	vadd.s32 $0x7FFF, v18;
	v21 =	vadd.s32 $0x7FFF, v21;
	v9 =	vld [tilespmem:s23+$0xFFFFFF00]  }
0x112: {  	v22 =	vadd.s32 $0x7FFF, v22;
	v30 =	vshrl.u32 v19, $0x10;
	v31 =	vshrl.u32 v23, $0x10  }
0x113: {  	v17 =	vand.u32 $0xFFFF0000, v17;
	v30 =	vand.u32 $0x1, v30;
	v31 =	vand.u32 $0x1, v31  }
0x114: {  	v20 =	vshrl.u32 v20, $0x10;
	v19 =	vadd.s32 v30, v19;
	v23 =	vadd.s32 v31, v23  }
0x115: {  	v25 =	vand.u32 $0xFFFF0000, v25;
	v19 =	vadd.s32 $0x7FFF, v19;
	v23 =	vadd.s32 $0x7FFF, v23  }
0x116: {  	v24 =	vshrl.u32 v24, $0x10;
	v19 =	vshrl.u32 v19, $0x10;
	v23 =	vand.u32 $0xFFFF0000, v23  }
0x117: {  	v27 =	vand.u32 $0xFFFF0000, v27;
	v26 =	vshrl.u32 v26, $0x10;
	v19 =	vor.u32 v19, v23  }
0x118: {  	v28 =	vshrl.u32 v28, $0x10;
	v15 =	vand.u32 $0xFFFF0000, v15;
	v23 =	vand.u32 $0xFFFF0000, v29;
	[tilespmem:s24+$0x1A0] =	vst v19  }
0x119: {  	v14 =	vshrl.u32 v14, $0x10;
	v16 =	vshrl.u32 v16, $0x10;
	v18 =	vand.u32 $0xFFFF0000, v18;
	v29 =	vld [tilespmem:s29+$0xFFFFDFC0]  }
0x11a: {  	v17 =	vor.u32 v20, v17;
	v20 =	vshrl.u32 v21, $0x10;
	v19 =	vand.u32 $0xFFFF0000, v22;
	v21 =	vld [tilespmem:s29+$0xFFFFFFC0]  }
0x11b: {  	v22 =	vor.u32 v26, v27;
	v23 =	vor.u32 v28, v23;
	[tilespmem:s24+$0xFFFFFE00] =	vst v17;
	v17 =	vor.u32 v24, v25  }
0x11c: {  	v26 =	vor.u32 v16, v18;
	v27 =	vor.u32 v20, v19;
	v25 =	vor.u32 v14, v15;
	v24 =	vld [tilespmem:s29+$0xFFFFDC20];
	[tilespmem:s24+$0xFFFFFE80] =	vst v17  }
0x11d: {  	v12 =	vor.u32 v13, v12;
	v20 =	vshrl.u32 v11, $0x10;
	v14 =	vshrl.u32 v10, $0x10;
	v28 =	vld [tilespmem:s29+$0xFFFFFC20];
	[tilespmem:s24+$0xFFFFFF00] =	vst v22  }
0x11e: {  	v16 =	vshrl.u32 v0, $0x10;
	v15 =	vshrl.u32 v2, $0x10;
	v17 =	vshrl.u32 v1, $0x10;
	v13 =	vld [tilespmem:s29+$0xFFFFDCA0];
	[tilespmem:s24+$0xFFFFFF80] =	vst v23  }
0x11f: {  	v18 =	vshrl.u32 v3, $0x10;
	v19 =	vshrl.u32 v29, $0x10;
	v22 =	vld [tilespmem:s29+$0xFFFFFCA0];
	[tilespmem:s24+$0x0] =	vst v25;
	v23 =	vshrl.u32 v21, $0x10  }
0x120: {  	v25 =	vld [tilespmem:s29+$0xFFFFDD20];
	[tilespmem:s24+$0x80] =	vst v26;
	v26 =	vand.u32 $0x1, v19;
	v23 =	vand.u32 $0x1, v23;
	v19 =	vshrl.u32 v4, $0x10  }
0x121: {  	v30 =	vshrl.u32 v24, $0x10;
	v31 =	vld [tilespmem:s29+$0xFFFFFD20];
	[tilespmem:s24+$0x100] =	vst v27;
	v26 =	vadd.s32 v26, v29;
	v21 =	vadd.s32 v23, v21  }
0x122: {  	v23 =	vshrl.u32 v28, $0x10;
	v27 =	vld [tilespmem:s29+$0xFFFFDDA0];
	v26 =	vadd.s32 $0x7FFF, v26;
	v21 =	vadd.s32 $0x7FFF, v21;
	[tilespmem:s26+$0x160] =	vst v12  }
0x123: {  	v12 =	vshrl.u32 v13, $0x10;
	v29 =	vld [tilespmem:s29+$0xFFFFFDA0];
	v21 =	vand.u32 $0xFFFF0000, v21;
	v26 =	vshrl.u32 v26, $0x10  }
0x124: {  	v30 =	vand.u32 $0x1, v30;
	v32 =	vshrl.u32 v22, $0x10;
	v33 =	vld [tilespmem:s29+$0xFFFFDE20];
	v21 =	vor.u32 v26, v21  }
0x125: {  	v23 =	vand.u32 $0x1, v23;
	v12 =	vand.u32 $0x1, v12;
	v26 =	vshrl.u32 v25, $0x10;
	v34 =	vld [tilespmem:s29+$0xFFFFFE20];
	[tilespmem:s24+$0x1B0] =	vst v21  }
0x126: {  	v21 =	vand.u32 $0x1, v32;
	v26 =	vand.u32 $0x1, v26;
	v32 =	vshrl.u32 v31, $0x10;
	v35 =	vld [tilespmem:s29+$0xFFFFDFD0]  }
0x127: {  	v24 =	vadd.s32 v30, v24;
	v30 =	vand.u32 $0x1, v32;
	v32 =	vshrl.u32 v27, $0x10;
	v36 =	vld [tilespmem:s29+$0xFFFFFFD0]  }
0x128: {  	v23 =	vadd.s32 v23, v28;
	v28 =	vand.u32 $0x1, v32;
	v32 =	vshrl.u32 v29, $0x10;
	v37 =	vld [tilespmem:s29+$0xFFFFDEA0]  }
0x129: {  	v38 =	vadd.s32 v12, v13;
	v32 =	vand.u32 $0x1, v32;
	v12 =	vshrl.u32 v33, $0x10;
	v39 =	vld [tilespmem:s29+$0xFFFFFEA0]  }
0x12a: {  	v21 =	vadd.s32 v21, v22;
	v22 =	vand.u32 $0x1, v12;
	v12 =	vshrl.u32 v34, $0x10;
	v40 =	vld [tilespmem:s29+$0xFFFFDF20]  }
0x12b: {  	v25 =	vadd.s32 v26, v25;
	v26 =	vadd.s32 v30, v31;
	v30 =	vand.u32 $0x1, v12;
	v31 =	vld [tilespmem:s29+$0xFFFFFF20]  }
0x12c: {  	v27 =	vadd.s32 v28, v27;
	v13 =	vshrl.u32 v35, $0x10;
	v28 =	vshrl.u32 v36, $0x10;
	v12 =	vld [tilespmem:s23+$0xFFFFDF80]  }
0x12d: {  	v42 =	vand.u32 $0x1, v13;
	v41 =	vshrl.u32 v37, $0x10;
	v28 =	vand.u32 $0x1, v28;
	v13 =	vld [tilespmem:s23+$0xFFFFFF80];
	s23 =	smov.u32 s29  }
0x12e: {  	v35 =	vadd.s32 v42, v35;
	v43 =	vshrl.u32 v39, $0x10;
	v28 =	vadd.s32 v28, v36  }
0x12f: {  	v35 =	vadd.s32 $0x7FFF, v35;
	v36 =	vshrl.u32 v40, $0x10;
	v28 =	vadd.s32 $0x7FFF, v28  }
0x130: {  	v35 =	vshrl.u32 v35, $0x10;
	v42 =	vshrl.u32 v31, $0x10;
	v28 =	vand.u32 $0xFFFF0000, v28  }
0x131: {  	v41 =	vand.u32 $0x1, v41;
	v43 =	vand.u32 $0x1, v43;
	v28 =	vor.u32 v35, v28  }
0x132: {  	v29 =	vadd.s32 v32, v29;
	v32 =	vand.u32 $0x1, v36;
	v35 =	vand.u32 $0x1, v42;
	[tilespmem:s24+$0x1C0] =	vst v28  }
0x133: {  	v22 =	vadd.s32 v22, v33;
	v28 =	vadd.s32 v30, v34;
	v30 =	vadd.s32 v41, v37;
	v33 =	vld [tilespmem:s29+$0xFFFFDFE0]  }
0x134: {  	v32 =	vadd.s32 v32, v40;
	v34 =	vadd.s32 v43, v39;
	v31 =	vadd.s32 v35, v31;
	v35 =	vld [tilespmem:s29+$0xFFFFFFE0]  }
0x135: {  	v24 =	vadd.s32 $0x7FFF, v24;
	v23 =	vadd.s32 $0x7FFF, v23;
	v36 =	vadd.s32 $0x7FFF, v38  }
0x136: {  	v21 =	vadd.s32 $0x7FFF, v21;
	v25 =	vadd.s32 $0x7FFF, v25;
	v26 =	vadd.s32 $0x7FFF, v26  }
0x137: {  	v27 =	vadd.s32 $0x7FFF, v27;
	v29 =	vadd.s32 $0x7FFF, v29;
	v22 =	vadd.s32 $0x7FFF, v22  }
0x138: {  	v28 =	vadd.s32 $0x7FFF, v28;
	v30 =	vadd.s32 $0x7FFF, v30;
	v34 =	vadd.s32 $0x7FFF, v34  }
0x139: {  	v32 =	vadd.s32 $0x7FFF, v32;
	v37 =	vshrl.u32 v33, $0x10;
	v38 =	vshrl.u32 v35, $0x10  }
0x13a: {  	v31 =	vadd.s32 $0x7FFF, v31;
	v37 =	vand.u32 $0x1, v37;
	v38 =	vand.u32 $0x1, v38  }
0x13b: {  	v23 =	vand.u32 $0xFFFF0000, v23;
	v33 =	vadd.s32 v37, v33;
	v35 =	vadd.s32 v38, v35  }
0x13c: {  	v24 =	vshrl.u32 v24, $0x10;
	v33 =	vadd.s32 $0x7FFF, v33;
	v35 =	vadd.s32 $0x7FFF, v35  }
0x13d: {  	v21 =	vand.u32 $0xFFFF0000, v21;
	v33 =	vshrl.u32 v33, $0x10;
	v35 =	vand.u32 $0xFFFF0000, v35  }
0x13e: {  	v26 =	vand.u32 $0xFFFF0000, v26;
	v36 =	vshrl.u32 v36, $0x10;
	v33 =	vor.u32 v33, v35  }
0x13f: {  	v25 =	vshrl.u32 v25, $0x10;
	v27 =	vshrl.u32 v27, $0x10;
	v29 =	vand.u32 $0xFFFF0000, v29;
	[tilespmem:s24+$0x1D0] =	vst v33  }
0x140: {  	v22 =	vshrl.u32 v22, $0x10;
	v28 =	vand.u32 $0xFFFF0000, v28;
	v33 =	vand.u32 $0xFFFF0000, v34;
	v34 =	vld [tilespmem:s29+$0xFFFFDFF0]  }
0x141: {  	v32 =	vshrl.u32 v32, $0x10;
	v30 =	vshrl.u32 v30, $0x10;
	v31 =	vand.u32 $0xFFFF0000, v31;
	v35 =	vld [tilespmem:s29+$0xFFFFFFF0]  }
0x142: {  	v23 =	vor.u32 v24, v23;
	v24 =	vor.u32 v25, v26;
	v21 =	vor.u32 v36, v21  }
0x143: {  	v26 =	vor.u32 v27, v29;
	v27 =	vor.u32 v22, v28;
	v28 =	vor.u32 v30, v33;
	[tilespmem:s24+$0xFFFFFE10] =	vst v23  }
0x144: {  	v22 =	vshrl.u32 v6, $0x10;
	v30 =	vor.u32 v32, v31;
	v29 =	vld [tilespmem:s29+$0xFFFFDC30];
	[tilespmem:s24+$0xFFFFFE90] =	vst v21;
	v21 =	vshrl.u32 v5, $0x10  }
0x145: {  	v25 =	vshrl.u32 v7, $0x10;
	v23 =	vshrl.u32 v8, $0x10;
	v31 =	vld [tilespmem:s29+$0xFFFFFC30];
	[tilespmem:s24+$0xFFFFFF10] =	vst v24;
	v24 =	vshrl.u32 v9, $0x10  }
0x146: {  	v33 =	vshrl.u32 v34, $0x10;
	v32 =	vld [tilespmem:s29+$0xFFFFDCB0];
	[tilespmem:s24+$0xFFFFFF90] =	vst v26;
	v36 =	vshrl.u32 v35, $0x10;
	v26 =	vshrl.u32 v12, $0x10  }
0x147: {  	v33 =	vand.u32 $0x1, v33;
	v37 =	vld [tilespmem:s29+$0xFFFFFCB0];
	[tilespmem:s24+$0x10] =	vst v27;
	v36 =	vand.u32 $0x1, v36;
	v27 =	vshrl.u32 v13, $0x10  }
0x148: {  	v20 =	vand.u32 $0x1, v20;
	v38 =	vld [tilespmem:s29+$0xFFFFDD30];
	[tilespmem:s24+$0x90] =	vst v28;
	v28 =	vadd.s32 v33, v34;
	v33 =	vadd.s32 v36, v35  }
0x149: {  	v34 =	vshrl.u32 v29, $0x10;
	v35 =	vld [tilespmem:s29+$0xFFFFFD30];
	[tilespmem:s24+$0x110] =	vst v30;
	v28 =	vadd.s32 $0x7FFF, v28;
	v30 =	vadd.s32 $0x7FFF, v33  }
0x14a: {  	v33 =	vshrl.u32 v31, $0x10;
	v36 =	vld [tilespmem:s29+$0xFFFFDDB0];
	v30 =	vand.u32 $0xFFFF0000, v30;
	v28 =	vshrl.u32 v28, $0x10  }
0x14b: {  	v34 =	vand.u32 $0x1, v34;
	v39 =	vshrl.u32 v32, $0x10;
	v40 =	vld [tilespmem:s29+$0xFFFFFDB0];
	v28 =	vor.u32 v28, v30  }
0x14c: {  	v30 =	vand.u32 $0x1, v33;
	v33 =	vand.u32 $0x1, v39;
	v39 =	vshrl.u32 v37, $0x10;
	v41 =	vld [tilespmem:s29+$0xFFFFDE30];
	[tilespmem:s24+$0x1E0] =	vst v28  }
0x14d: {  	v28 =	vadd.s32 v34, v29;
	v29 =	vand.u32 $0x1, v39;
	v34 =	vshrl.u32 v38, $0x10;
	v39 =	vld [tilespmem:s29+$0xFFFFE000]  }
0x14e: {  	v30 =	vadd.s32 v30, v31;
	v31 =	vand.u32 $0x1, v34;
	v34 =	vshrl.u32 v35, $0x10;
	v42 =	vld [tilespmem:s29+$0x0]  }
0x14f: {  	v32 =	vadd.s32 v33, v32;
	v33 =	vand.u32 $0x1, v34;
	v34 =	vshrl.u32 v36, $0x10;
	v43 =	vld [tilespmem:s29+$0xFFFFFE30]  }
0x150: {  	v29 =	vadd.s32 v29, v37;
	v34 =	vand.u32 $0x1, v34;
	v37 =	vshrl.u32 v40, $0x10;
	v44 =	vld [tilespmem:s29+$0xFFFFDEB0]  }
0x151: {  	v31 =	vadd.s32 v31, v38;
	v37 =	vand.u32 $0x1, v37;
	v38 =	vshrl.u32 v41, $0x10;
	v45 =	vld [tilespmem:s29+$0xFFFFFEB0]  }
0x152: {  	v33 =	vadd.s32 v33, v35;
	v34 =	vadd.s32 v34, v36;
	v35 =	vand.u32 $0x1, v38;
	v36 =	vld [tilespmem:s29+$0xFFFFDF30]  }
0x153: {  	v37 =	vadd.s32 v37, v40;
	v40 =	vshrl.u32 v39, $0x10;
	v38 =	vld [tilespmem:s29+$0xFFFFFF30];
	v46 =	vshrl.u32 v42, $0x10  }
0x154: {  	v40 =	vand.u32 $0x1, v40;
	v47 =	vshrl.u32 v43, $0x10;
	v46 =	vand.u32 $0x1, v46  }
0x155: {  	v39 =	vadd.s32 v40, v39;
	v48 =	vshrl.u32 v44, $0x10;
	v40 =	vadd.s32 v46, v42  }
0x156: {  	v39 =	vadd.s32 $0x7FFF, v39;
	v42 =	vshrl.u32 v45, $0x10;
	v40 =	vadd.s32 $0x7FFF, v40  }
0x157: {  	v39 =	vshrl.u32 v39, $0x10;
	v46 =	vshrl.u32 v36, $0x10;
	v40 =	vand.u32 $0xFFFF0000, v40  }
0x158: {  	v47 =	vand.u32 $0x1, v47;
	v49 =	vshrl.u32 v38, $0x10;
	v39 =	vor.u32 v39, v40  }
0x159: {  	v42 =	vand.u32 $0x1, v42;
	v40 =	vand.u32 $0x1, v48;
	v46 =	vand.u32 $0x1, v46;
	[tilespmem:s24+$0x1F0] =	vst v39  }
0x15a: {  	v35 =	vadd.s32 v35, v41;
	v39 =	vadd.s32 v47, v43;
	v41 =	vand.u32 $0x1, v49  }
0x15b: {  	v42 =	vadd.s32 v42, v45;
	v40 =	vadd.s32 v40, v44;
	v36 =	vadd.s32 v46, v36  }
0x15c: {  	v28 =	vadd.s32 $0x7FFF, v28;
	v30 =	vadd.s32 $0x7FFF, v30;
	v38 =	vadd.s32 v41, v38  }
0x15d: {  	v32 =	vadd.s32 $0x7FFF, v32;
	v29 =	vadd.s32 $0x7FFF, v29;
	v31 =	vadd.s32 $0x7FFF, v31  }
0x15e: {  	v33 =	vadd.s32 $0x7FFF, v33;
	v34 =	vadd.s32 $0x7FFF, v34;
	v37 =	vadd.s32 $0x7FFF, v37  }
0x15f: {  	v35 =	vadd.s32 $0x7FFF, v35;
	v39 =	vadd.s32 $0x7FFF, v39;
	v40 =	vadd.s32 $0x7FFF, v40  }
0x160: {  	v41 =	vadd.s32 $0x7FFF, v42;
	v36 =	vadd.s32 $0x7FFF, v36;
	v38 =	vadd.s32 $0x7FFF, v38  }
0x161: {  	v30 =	vand.u32 $0xFFFF0000, v30;
	v28 =	vshrl.u32 v28, $0x10;
	v29 =	vand.u32 $0xFFFF0000, v29  }
0x162: {  	v32 =	vshrl.u32 v32, $0x10;
	v31 =	vshrl.u32 v31, $0x10;
	v33 =	vand.u32 $0xFFFF0000, v33  }
0x163: {  	v34 =	vshrl.u32 v34, $0x10;
	v37 =	vand.u32 $0xFFFF0000, v37;
	v39 =	vand.u32 $0xFFFF0000, v39  }
0x164: {  	v35 =	vshrl.u32 v35, $0x10;
	v41 =	vand.u32 $0xFFFF0000, v41;
	v40 =	vshrl.u32 v40, $0x10  }
0x165: {  	v28 =	vor.u32 v28, v30;
	v36 =	vshrl.u32 v36, $0x10;
	v30 =	vand.u32 $0xFFFF0000, v38  }
0x166: {  	[tilespmem:s24+$0xFFFFFE20] =	vst v28;
	v28 =	vor.u32 v32, v29;
	v29 =	vor.u32 v31, v33;
	v31 =	vor.u32 v34, v37  }
0x167: {  	v30 =	vor.u32 v36, v30;
	v33 =	vor.u32 v35, v39;
	v34 =	vor.u32 v40, v41;
	v32 =	vld [tilespmem:s29+$0xFFFFDC40];
	[tilespmem:s24+$0xFFFFFEA0] =	vst v28  }
0x168: {  	v36 =	vand.u32 $0x1, v14;
	v28 =	vand.u32 $0x1, v16;
	v16 =	vand.u32 $0x1, v17;
	v35 =	vld [tilespmem:s29+$0xFFFFFC40];
	[tilespmem:s24+$0xFFFFFF20] =	vst v29  }
0x169: {  	v18 =	vand.u32 $0x1, v18;
	v29 =	vand.u32 $0x1, v15;
	v15 =	vand.u32 $0x1, v19;
	v37 =	vld [tilespmem:s29+$0xFFFFDCC0];
	[tilespmem:s24+$0xFFFFFFA0] =	vst v31  }
0x16a: {  	v17 =	vand.u32 $0x1, v25;
	v19 =	vand.u32 $0x1, v21;
	v21 =	vand.u32 $0x1, v22;
	v31 =	vld [tilespmem:s29+$0xFFFFFCC0];
	[tilespmem:s24+$0x20] =	vst v33  }
0x16b: {  	v14 =	vand.u32 $0x1, v26;
	v22 =	vand.u32 $0x1, v23;
	v23 =	vand.u32 $0x1, v24;
	v33 =	vld [tilespmem:s29+$0xFFFFDD40];
	[tilespmem:s24+$0xA0] =	vst v34  }
0x16c: {  	v25 =	vadd.s32 v20, v11;
	v24 =	vand.u32 $0x1, v27;
	v26 =	vshrl.u32 v32, $0x10;
	v34 =	vld [tilespmem:s29+$0xFFFFFD40];
	[tilespmem:s24+$0x120] =	vst v30  }
0x16d: {  	v20 =	vadd.s32 v36, v10;
	v11 =	vand.u32 $0x1, v26;
	v26 =	vshrl.u32 v35, $0x10;
	v27 =	vld [tilespmem:s29+$0xFFFFDDC0]  }
0x16e: {  	v10 =	vadd.s32 v11, v32;
	v11 =	vand.u32 $0x1, v26;
	v26 =	vshrl.u32 v37, $0x10;
	v30 =	vld [tilespmem:s29+$0xFFFFFDC0]  }
0x16f: {  	v11 =	vadd.s32 v11, v35;
	v26 =	vand.u32 $0x1, v26;
	v32 =	vshrl.u32 v31, $0x10;
	v35 =	vld [tilespmem:s29+$0xFFFFDE40]  }
0x170: {  	v26 =	vadd.s32 v26, v37;
	v32 =	vand.u32 $0x1, v32;
	v36 =	vshrl.u32 v33, $0x10;
	v37 =	vld [tilespmem:s29+$0xFFFFFE40]  }
0x171: {  	v31 =	vadd.s32 v32, v31;
	v32 =	vand.u32 $0x1, v36;
	v36 =	vshrl.u32 v34, $0x10;
	v38 =	vld [tilespmem:s29+$0xFFFFDEC0]  }
0x172: {  	v32 =	vadd.s32 v32, v33;
	v33 =	vand.u32 $0x1, v36;
	v36 =	vshrl.u32 v27, $0x10;
	v39 =	vld [tilespmem:s29+$0xFFFFFEC0]  }
0x173: {  	v33 =	vadd.s32 v33, v34;
	v34 =	vand.u32 $0x1, v36;
	v36 =	vshrl.u32 v30, $0x10;
	v40 =	vld [tilespmem:s29+$0xFFFFDF40]  }
0x174: {  	v27 =	vadd.s32 v34, v27;
	v34 =	vand.u32 $0x1, v36;
	v36 =	vshrl.u32 v35, $0x10;
	v41 =	vld [tilespmem:s29+$0xFFFFFF40]  }
0x175: {  	v30 =	vadd.s32 v34, v30;
	v34 =	vand.u32 $0x1, v36;
	v36 =	vshrl.u32 v37, $0x10  }
0x176: {  	v34 =	vadd.s32 v34, v35;
	v35 =	vand.u32 $0x1, v36;
	v36 =	vshrl.u32 v38, $0x10  }
0x177: {  	v35 =	vadd.s32 v35, v37;
	v36 =	vand.u32 $0x1, v36;
	v37 =	vshrl.u32 v39, $0x10  }
0x178: {  	v36 =	vadd.s32 v36, v38;
	v37 =	vand.u32 $0x1, v37;
	v38 =	vshrl.u32 v40, $0x10  }
0x179: {  	v37 =	vadd.s32 v37, v39;
	v38 =	vand.u32 $0x1, v38;
	v39 =	vshrl.u32 v41, $0x10  }
0x17a: {  	v10 =	vadd.s32 $0x7FFF, v10;
	v38 =	vadd.s32 v38, v40;
	v39 =	vand.u32 $0x1, v39  }
0x17b: {  	v11 =	vadd.s32 $0x7FFF, v11;
	v26 =	vadd.s32 $0x7FFF, v26;
	v39 =	vadd.s32 v39, v41  }
0x17c: {  	v31 =	vadd.s32 $0x7FFF, v31;
	v32 =	vadd.s32 $0x7FFF, v32;
	v33 =	vadd.s32 $0x7FFF, v33  }
0x17d: {  	v27 =	vadd.s32 $0x7FFF, v27;
	v30 =	vadd.s32 $0x7FFF, v30;
	v34 =	vadd.s32 $0x7FFF, v34  }
0x17e: {  	v35 =	vadd.s32 $0x7FFF, v35;
	v36 =	vadd.s32 $0x7FFF, v36;
	v37 =	vadd.s32 $0x7FFF, v37  }
0x17f: {  	v11 =	vand.u32 $0xFFFF0000, v11;
	v38 =	vadd.s32 $0x7FFF, v38;
	v39 =	vadd.s32 $0x7FFF, v39  }
0x180: {  	v10 =	vshrl.u32 v10, $0x10;
	v26 =	vshrl.u32 v26, $0x10;
	v31 =	vand.u32 $0xFFFF0000, v31  }
0x181: {  	v32 =	vshrl.u32 v32, $0x10;
	v33 =	vand.u32 $0xFFFF0000, v33;
	v30 =	vand.u32 $0xFFFF0000, v30  }
0x182: {  	v27 =	vshrl.u32 v27, $0x10;
	v34 =	vshrl.u32 v34, $0x10;
	v35 =	vand.u32 $0xFFFF0000, v35  }
0x183: {  	v36 =	vshrl.u32 v36, $0x10;
	v37 =	vand.u32 $0xFFFF0000, v37;
	v39 =	vand.u32 $0xFFFF0000, v39  }
0x184: {  	v10 =	vor.u32 v10, v11;
	v11 =	vor.u32 v26, v31;
	v26 =	vshrl.u32 v38, $0x10  }
0x185: {  	v27 =	vor.u32 v27, v30;
	v30 =	vor.u32 v34, v35;
	[tilespmem:s24+$0xFFFFFE30] =	vst v10;
	v10 =	vor.u32 v32, v33  }
0x186: {  	v28 =	vadd.s32 v28, v0;
	v26 =	vor.u32 v26, v39;
	v32 =	vor.u32 v36, v37;
	v31 =	vld [tilespmem:s29+$0xFFFFDC50];
	[tilespmem:s24+$0xFFFFFEB0] =	vst v11  }
0x187: {  	v16 =	vadd.s32 v16, v1;
	v1 =	vadd.s32 v18, v3;
	v33 =	vld [tilespmem:s29+$0xFFFFFC50];
	[tilespmem:s24+$0xFFFFFF30] =	vst v10;
	v10 =	vadd.s32 v29, v2  }
0x188: {  	v3 =	vadd.s32 v15, v4;
	v4 =	vadd.s32 v21, v6;
	v11 =	vadd.s32 v19, v5;
	v18 =	vld [tilespmem:s29+$0xFFFFDCD0];
	[tilespmem:s24+$0xFFFFFFB0] =	vst v27  }
0x189: {  	v7 =	vadd.s32 v17, v7;
	v8 =	vadd.s32 v22, v8;
	v5 =	vadd.s32 v23, v9;
	v6 =	vld [tilespmem:s29+$0xFFFFFCD0];
	[tilespmem:s24+$0x30] =	vst v30  }
0x18a: {  	v12 =	vadd.s32 v14, v12;
	v0 =	vadd.s32 $0x7FFF, v25;
	v13 =	vadd.s32 v24, v13;
	v9 =	vld [tilespmem:s29+$0xFFFFDD50];
	[tilespmem:s24+$0xB0] =	vst v32  }
0x18b: {  	v14 =	vadd.s32 $0x7FFF, v20;
	v2 =	vadd.s32 $0x7FFF, v28;
	v15 =	vshrl.u32 v31, $0x10;
	v17 =	vld [tilespmem:s29+$0xFFFFFD50];
	[tilespmem:s24+$0x130] =	vst v26  }
0x18c: {  	v19 =	vand.u32 $0x1, v15;
	v20 =	vshrl.u32 v33, $0x10;
	v21 =	vld [tilespmem:s29+$0xFFFFDDD0];
	v15 =	vadd.s32 $0x7FFF, v16  }
0x18d: {  	v16 =	vadd.s32 v19, v31;
	v19 =	vand.u32 $0x1, v20;
	v20 =	vshrl.u32 v18, $0x10;
	v22 =	vld [tilespmem:s29+$0xFFFFFDD0]  }
0x18e: {  	v19 =	vadd.s32 v19, v33;
	v20 =	vand.u32 $0x1, v20;
	v23 =	vshrl.u32 v6, $0x10;
	v24 =	vld [tilespmem:s29+$0xFFFFDE50]  }
0x18f: {  	v18 =	vadd.s32 v20, v18;
	v20 =	vand.u32 $0x1, v23;
	v23 =	vshrl.u32 v9, $0x10;
	v25 =	vld [tilespmem:s29+$0xFFFFFE50]  }
0x190: {  	v6 =	vadd.s32 v20, v6;
	v20 =	vand.u32 $0x1, v23;
	v23 =	vshrl.u32 v17, $0x10;
	v26 =	vld [tilespmem:s29+$0xFFFFDED0]  }
0x191: {  	v9 =	vadd.s32 v20, v9;
	v20 =	vand.u32 $0x1, v23;
	v23 =	vshrl.u32 v21, $0x10;
	v27 =	vld [tilespmem:s29+$0xFFFFFED0]  }
0x192: {  	v17 =	vadd.s32 v20, v17;
	v20 =	vand.u32 $0x1, v23;
	v23 =	vshrl.u32 v22, $0x10;
	v28 =	vld [tilespmem:s29+$0xFFFFDF50]  }
0x193: {  	v20 =	vadd.s32 v20, v21;
	v21 =	vand.u32 $0x1, v23;
	v23 =	vshrl.u32 v24, $0x10;
	v29 =	vld [tilespmem:s29+$0xFFFFFF50]  }
0x194: {  	v21 =	vadd.s32 v21, v22;
	v22 =	vand.u32 $0x1, v23;
	v23 =	vshrl.u32 v25, $0x10  }
0x195: {  	v22 =	vadd.s32 v22, v24;
	v23 =	vand.u32 $0x1, v23;
	v24 =	vshrl.u32 v26, $0x10  }
0x196: {  	v23 =	vadd.s32 v23, v25;
	v24 =	vand.u32 $0x1, v24;
	v25 =	vshrl.u32 v27, $0x10  }
0x197: {  	v24 =	vadd.s32 v24, v26;
	v25 =	vand.u32 $0x1, v25;
	v26 =	vshrl.u32 v28, $0x10  }
0x198: {  	v25 =	vadd.s32 v25, v27;
	v26 =	vand.u32 $0x1, v26;
	v27 =	vshrl.u32 v29, $0x10  }
0x199: {  	v16 =	vadd.s32 $0x7FFF, v16;
	v26 =	vadd.s32 v26, v28;
	v27 =	vand.u32 $0x1, v27  }
0x19a: {  	v19 =	vadd.s32 $0x7FFF, v19;
	v18 =	vadd.s32 $0x7FFF, v18;
	v27 =	vadd.s32 v27, v29  }
0x19b: {  	v6 =	vadd.s32 $0x7FFF, v6;
	v9 =	vadd.s32 $0x7FFF, v9;
	v17 =	vadd.s32 $0x7FFF, v17  }
0x19c: {  	v20 =	vadd.s32 $0x7FFF, v20;
	v21 =	vadd.s32 $0x7FFF, v21;
	v22 =	vadd.s32 $0x7FFF, v22  }
0x19d: {  	v23 =	vadd.s32 $0x7FFF, v23;
	v24 =	vadd.s32 $0x7FFF, v24;
	v25 =	vadd.s32 $0x7FFF, v25  }
0x19e: {  	v19 =	vand.u32 $0xFFFF0000, v19;
	v26 =	vadd.s32 $0x7FFF, v26;
	v27 =	vadd.s32 $0x7FFF, v27  }
0x19f: {  	v16 =	vshrl.u32 v16, $0x10;
	v18 =	vshrl.u32 v18, $0x10;
	v6 =	vand.u32 $0xFFFF0000, v6  }
0x1a0: {  	v9 =	vshrl.u32 v9, $0x10;
	v17 =	vand.u32 $0xFFFF0000, v17;
	v21 =	vand.u32 $0xFFFF0000, v21  }
0x1a1: {  	v20 =	vshrl.u32 v20, $0x10;
	v22 =	vshrl.u32 v22, $0x10;
	v23 =	vand.u32 $0xFFFF0000, v23  }
0x1a2: {  	v24 =	vshrl.u32 v24, $0x10;
	v25 =	vand.u32 $0xFFFF0000, v25;
	v27 =	vand.u32 $0xFFFF0000, v27  }
0x1a3: {  	v16 =	vor.u32 v16, v19;
	v6 =	vor.u32 v18, v6;
	v18 =	vshrl.u32 v26, $0x10  }
0x1a4: {  	v9 =	vor.u32 v9, v17;
	v17 =	vor.u32 v22, v23;
	[tilespmem:s24+$0xFFFFFE40] =	vst v16;
	v16 =	vor.u32 v20, v21  }
0x1a5: {  	v18 =	vor.u32 v18, v27;
	v20 =	vor.u32 v24, v25;
	v21 =	vadd.s32 $0x7FFF, v10;
	v19 =	vld [tilespmem:s29+$0xFFFFDC60];
	[tilespmem:s24+$0xFFFFFEC0] =	vst v6  }
0x1a6: {  	v3 =	vadd.s32 $0x7FFF, v3;
	v23 =	vadd.s32 $0x7FFF, v1;
	v22 =	vld [tilespmem:s29+$0xFFFFFC60];
	[tilespmem:s24+$0xFFFFFF40] =	vst v9;
	v9 =	vadd.s32 $0x7FFF, v11  }
0x1a7: {  	v7 =	vadd.s32 $0x7FFF, v7;
	v6 =	vadd.s32 $0x7FFF, v4;
	v4 =	vadd.s32 $0x7FFF, v8;
	v24 =	vld [tilespmem:s29+$0xFFFFDCE0];
	[tilespmem:s24+$0xFFFFFFC0] =	vst v16  }
0x1a8: {  	v1 =	vadd.s32 $0x7FFF, v12;
	v10 =	vadd.s32 $0x7FFF, v13;
	v8 =	vadd.s32 $0x7FFF, v5;
	v16 =	vld [tilespmem:s29+$0xFFFFFCE0];
	[tilespmem:s24+$0x40] =	vst v17  }
0x1a9: {  	v0 =	vshrl.u32 v0, $0x10;
	v5 =	vand.u32 $0xFFFF0000, v14;
	v11 =	vand.u32 $0xFFFF0000, v15;
	v17 =	vld [tilespmem:s29+$0xFFFFDD60];
	[tilespmem:s24+$0xC0] =	vst v20  }
0x1aa: {  	v12 =	vshrl.u32 v2, $0x10;
	v2 =	vand.u32 $0xFFFF0000, v23;
	v13 =	vshrl.u32 v19, $0x10;
	v14 =	vld [tilespmem:s29+$0xFFFFFD60];
	[tilespmem:s24+$0x140] =	vst v18  }
0x1ab: {  	v15 =	vand.u32 $0x1, v13;
	v18 =	vshrl.u32 v22, $0x10;
	v20 =	vld [tilespmem:s29+$0xFFFFDDE0];
	v13 =	vshrl.u32 v21, $0x10  }
0x1ac: {  	v15 =	vadd.s32 v15, v19;
	v18 =	vand.u32 $0x1, v18;
	v19 =	vshrl.u32 v24, $0x10;
	v21 =	vld [tilespmem:s29+$0xFFFFFDE0]  }
0x1ad: {  	v18 =	vadd.s32 v18, v22;
	v19 =	vand.u32 $0x1, v19;
	v22 =	vshrl.u32 v16, $0x10;
	v23 =	vld [tilespmem:s29+$0xFFFFDE60]  }
0x1ae: {  	v19 =	vadd.s32 v19, v24;
	v22 =	vand.u32 $0x1, v22;
	v24 =	vshrl.u32 v17, $0x10;
	v25 =	vld [tilespmem:s29+$0xFFFFFE60]  }
0x1af: {  	v16 =	vadd.s32 v22, v16;
	v22 =	vand.u32 $0x1, v24;
	v24 =	vshrl.u32 v14, $0x10;
	v26 =	vld [tilespmem:s29+$0xFFFFDEE0]  }
0x1b0: {  	v17 =	vadd.s32 v22, v17;
	v22 =	vand.u32 $0x1, v24;
	v24 =	vshrl.u32 v20, $0x10;
	v27 =	vld [tilespmem:s29+$0xFFFFFEE0]  }
0x1b1: {  	v14 =	vadd.s32 v22, v14;
	v22 =	vand.u32 $0x1, v24;
	v24 =	vshrl.u32 v21, $0x10;
	v28 =	vld [tilespmem:s29+$0xFFFFDF60]  }
0x1b2: {  	v20 =	vadd.s32 v22, v20;
	v22 =	vand.u32 $0x1, v24;
	v24 =	vshrl.u32 v23, $0x10;
	v29 =	vld [tilespmem:s29+$0xFFFFFF60]  }
0x1b3: {  	v21 =	vadd.s32 v22, v21;
	v22 =	vand.u32 $0x1, v24;
	v24 =	vshrl.u32 v25, $0x10  }
0x1b4: {  	v22 =	vadd.s32 v22, v23;
	v23 =	vand.u32 $0x1, v24;
	v24 =	vshrl.u32 v26, $0x10  }
0x1b5: {  	v23 =	vadd.s32 v23, v25;
	v24 =	vand.u32 $0x1, v24;
	v25 =	vshrl.u32 v27, $0x10  }
0x1b6: {  	v24 =	vadd.s32 v24, v26;
	v25 =	vand.u32 $0x1, v25;
	v26 =	vshrl.u32 v28, $0x10  }
0x1b7: {  	v25 =	vadd.s32 v25, v27;
	v26 =	vand.u32 $0x1, v26;
	v27 =	vshrl.u32 v29, $0x10  }
0x1b8: {  	v15 =	vadd.s32 $0x7FFF, v15;
	v26 =	vadd.s32 v26, v28;
	v27 =	vand.u32 $0x1, v27  }
0x1b9: {  	v18 =	vadd.s32 $0x7FFF, v18;
	v19 =	vadd.s32 $0x7FFF, v19;
	v27 =	vadd.s32 v27, v29  }
0x1ba: {  	v16 =	vadd.s32 $0x7FFF, v16;
	v17 =	vadd.s32 $0x7FFF, v17;
	v14 =	vadd.s32 $0x7FFF, v14  }
0x1bb: {  	v20 =	vadd.s32 $0x7FFF, v20;
	v21 =	vadd.s32 $0x7FFF, v21;
	v22 =	vadd.s32 $0x7FFF, v22  }
0x1bc: {  	v23 =	vadd.s32 $0x7FFF, v23;
	v24 =	vadd.s32 $0x7FFF, v24;
	v25 =	vadd.s32 $0x7FFF, v25  }
0x1bd: {  	v18 =	vand.u32 $0xFFFF0000, v18;
	v26 =	vadd.s32 $0x7FFF, v26;
	v27 =	vadd.s32 $0x7FFF, v27  }
0x1be: {  	v15 =	vshrl.u32 v15, $0x10;
	v19 =	vshrl.u32 v19, $0x10;
	v16 =	vand.u32 $0xFFFF0000, v16  }
0x1bf: {  	v17 =	vshrl.u32 v17, $0x10;
	v14 =	vand.u32 $0xFFFF0000, v14;
	v21 =	vand.u32 $0xFFFF0000, v21  }
0x1c0: {  	v20 =	vshrl.u32 v20, $0x10;
	v22 =	vshrl.u32 v22, $0x10;
	v23 =	vand.u32 $0xFFFF0000, v23  }
0x1c1: {  	v24 =	vshrl.u32 v24, $0x10;
	v25 =	vand.u32 $0xFFFF0000, v25;
	v27 =	vand.u32 $0xFFFF0000, v27  }
0x1c2: {  	v15 =	vor.u32 v15, v18;
	v16 =	vor.u32 v19, v16;
	v18 =	vshrl.u32 v26, $0x10  }
0x1c3: {  	v14 =	vor.u32 v17, v14;
	v17 =	vor.u32 v22, v23;
	[tilespmem:s24+$0xFFFFFE50] =	vst v15;
	v15 =	vor.u32 v20, v21  }
0x1c4: {  	v9 =	vand.u32 $0xFFFF0000, v9;
	v18 =	vor.u32 v18, v27;
	v19 =	vld [tilespmem:s29+$0xFFFFDC70];
	[tilespmem:s24+$0xFFFFFED0] =	vst v16;
	v16 =	vor.u32 v24, v25  }
0x1c5: {  	v7 =	vand.u32 $0xFFFF0000, v7;
	v3 =	vshrl.u32 v3, $0x10;
	v6 =	vshrl.u32 v6, $0x10;
	v20 =	vld [tilespmem:s29+$0xFFFFFC70];
	[tilespmem:s24+$0xFFFFFF50] =	vst v14  }
0x1c6: {  	v10 =	vand.u32 $0xFFFF0000, v10;
	v8 =	vand.u32 $0xFFFF0000, v8;
	v4 =	vshrl.u32 v4, $0x10;
	v14 =	vld [tilespmem:s29+$0xFFFFDCF0];
	[tilespmem:s24+$0xFFFFFFD0] =	vst v15  }
0x1c7: {  	v1 =	vshrl.u32 v1, $0x10;
	v0 =	vor.u32 v0, v5;
	v5 =	vor.u32 v12, v11;
	v15 =	vld [tilespmem:s29+$0xFFFFFCF0];
	[tilespmem:s24+$0x50] =	vst v17  }
0x1c8: {  	v6 =	vor.u32 v6, v7;
	v3 =	vor.u32 v3, v9;
	v2 =	vor.u32 v13, v2;
	v11 =	vld [tilespmem:s29+$0xFFFFDD70];
	[tilespmem:s24+$0xD0] =	vst v16  }
0x1c9: {  	v1 =	vor.u32 v1, v10;
	v4 =	vor.u32 v4, v8;
	v7 =	vshrl.u32 v19, $0x10;
	v9 =	vld [tilespmem:s29+$0xFFFFFD70];
	[tilespmem:s24+$0x150] =	vst v18  }
0x1ca: {  	v7 =	vand.u32 $0x1, v7;
	v8 =	vshrl.u32 v20, $0x10;
	v10 =	vld [tilespmem:s29+$0xFFFFDDF0];
	[tilespmem:s26+$0xFFFFFE70] =	vst v0  }
0x1cb: {  	v0 =	vadd.s32 v7, v19;
	v7 =	vand.u32 $0x1, v8;
	v8 =	vshrl.u32 v14, $0x10;
	v12 =	vld [tilespmem:s29+$0xFFFFFDF0];
	[tilespmem:s26+$0xFFFFFEF0] =	vst v5  }
0x1cc: {  	v5 =	vadd.s32 v7, v20;
	v7 =	vand.u32 $0x1, v8;
	v8 =	vshrl.u32 v15, $0x10;
	v13 =	vld [tilespmem:s29+$0xFFFFDE70];
	[tilespmem:s26+$0xFFFFFF70] =	vst v2  }
0x1cd: {  	v2 =	vadd.s32 v7, v14;
	v7 =	vand.u32 $0x1, v8;
	v8 =	vshrl.u32 v11, $0x10;
	v14 =	vld [tilespmem:s29+$0xFFFFFE70];
	[tilespmem:s26+$0xFFFFFFF0] =	vst v3  }
0x1ce: {  	v3 =	vadd.s32 v7, v15;
	v7 =	vand.u32 $0x1, v8;
	v8 =	vshrl.u32 v9, $0x10;
	v15 =	vld [tilespmem:s29+$0xFFFFDEF0];
	[tilespmem:s26+$0x70] =	vst v6  }
0x1cf: {  	v7 =	vadd.s32 v7, v11;
	v6 =	vand.u32 $0x1, v8;
	v8 =	vshrl.u32 v10, $0x10;
	v11 =	vld [tilespmem:s29+$0xFFFFFEF0];
	[tilespmem:s26+$0xF0] =	vst v4  }
0x1d0: {  	v4 =	vadd.s32 v6, v9;
	v6 =	vand.u32 $0x1, v8;
	v8 =	vshrl.u32 v12, $0x10;
	v9 =	vld [tilespmem:s29+$0xFFFFDF70];
	[tilespmem:s26+$0x170] =	vst v1;
	s26 =	smov.u32 s24  }
0x1d1: {  	v1 =	vadd.s32 v6, v10;
	v6 =	vand.u32 $0x1, v8;
	v8 =	vshrl.u32 v13, $0x10;
	v10 =	vld [tilespmem:s29+$0xFFFFFF70]  }
0x1d2: {  	v16 =	vadd.s32 v6, v12;
	v6 =	vand.u32 $0x1, v8;
	v8 =	vshrl.u32 v14, $0x10  }
0x1d3: {  	v13 =	vadd.s32 v6, v13;
	v6 =	vand.u32 $0x1, v8;
	v8 =	vshrl.u32 v15, $0x10  }
0x1d4: {  	v14 =	vadd.s32 v6, v14;
	v6 =	vand.u32 $0x1, v8;
	v8 =	vshrl.u32 v11, $0x10  }
0x1d5: {  	v15 =	vadd.s32 v6, v15;
	v6 =	vand.u32 $0x1, v8;
	v8 =	vshrl.u32 v9, $0x10  }
0x1d6: {  	v17 =	vadd.s32 v6, v11;
	v8 =	vand.u32 $0x1, v8;
	v11 =	vshrl.u32 v10, $0x10  }
0x1d7: {  	v6 =	vadd.s32 $0x7FFF, v0;
	v0 =	vadd.s32 v8, v9;
	v8 =	vand.u32 $0x1, v11  }
.Ltmp0:
0x1d8: {  	v18 =	vadd.s32 $0x7FFF, v5;
	v9 =	vadd.s32 $0x7FFF, v2;
	v19 =	vadd.s32 v8, v10;
	(pc) =	sbr.rel @p0 .LBB2_3-.Ltmp0, $4  }
0x1d9: {  	v12 =	vadd.s32 $0x7FFF, v3;
	v11 =	vadd.s32 $0x7FFF, v4;
	v8 =	vadd.s32 $0x7FFF, v7  }
0x1da: {  	v5 =	vadd.s32 $0x7FFF, v1;
	v2 =	vadd.s32 $0x7FFF, v13;
	v10 =	vadd.s32 $0x7FFF, v16  }
0x1db: {  	v1 =	vadd.s32 $0x7FFF, v15;
	v3 =	vadd.s32 $0x7FFF, v17;
	v7 =	vadd.s32 $0x7FFF, v14  }
0x1dc: {  	s29 =	sadd.s32 $0x400, s29;
	v13 =	vand.u32 $0xFFFF0000, v18;
	v0 =	vadd.s32 $0x7FFF, v0;
	v4 =	vadd.s32 $0x7FFF, v19  }
0x1dd: {  	v6 =	vshrl.u32 v6, $0x10  }
0x1de: {  	v6 =	vor.u32 v6, v13  }
0x1df: {  	v12 =	vand.u32 $0xFFFF0000, v12;
	v9 =	vshrl.u32 v9, $0x10;
	[tilespmem:s24+$0xFFFFFE60] =	vst v6  }
0x1e0: {  	v44 =	vor.u32 v9, v12;
	v45 =	vld [tilespmem:s23+$0xFFFFDC80]  }
0x1e1: {  	v11 =	vand.u32 $0xFFFF0000, v11;
	v8 =	vshrl.u32 v8, $0x10;
	[tilespmem:s24+$0xFFFFFEE0] =	vst v44;
	v46 =	vld [tilespmem:s23+$0xFFFFFC80]  }
0x1e2: {  	v8 =	vor.u32 v8, v11;
	v47 =	vld [tilespmem:s23+$0xFFFFDD00]  }
0x1e3: {  	v10 =	vand.u32 $0xFFFF0000, v10;
	v5 =	vshrl.u32 v5, $0x10;
	[tilespmem:s24+$0xFFFFFF60] =	vst v8;
	v48 =	vld [tilespmem:s23+$0xFFFFFD00]  }
0x1e4: {  	v5 =	vor.u32 v5, v10;
	v49 =	vld [tilespmem:s23+$0xFFFFDD80]  }
0x1e5: {  	v7 =	vand.u32 $0xFFFF0000, v7;
	v2 =	vshrl.u32 v2, $0x10;
	[tilespmem:s24+$0xFFFFFFE0] =	vst v5;
	v50 =	vld [tilespmem:s23+$0xFFFFFD80]  }
0x1e6: {  	v2 =	vor.u32 v2, v7;
	v51 =	vld [tilespmem:s23+$0xFFFFDE00]  }
0x1e7: {  	v3 =	vand.u32 $0xFFFF0000, v3;
	v1 =	vshrl.u32 v1, $0x10;
	[tilespmem:s24+$0x60] =	vst v2;
	v52 =	vld [tilespmem:s23+$0xFFFFFE00]  }
0x1e8: {  	v1 =	vor.u32 v1, v3;
	v53 =	vld [tilespmem:s23+$0xFFFFDE80]  }
0x1e9: {  	v4 =	vand.u32 $0xFFFF0000, v4;
	v0 =	vshrl.u32 v0, $0x10;
	[tilespmem:s24+$0xE0] =	vst v1;
	v54 =	vld [tilespmem:s23+$0xFFFFFE80]  }
0x1ea: {  	v0 =	vor.u32 v0, v4;
	v55 =	vld [tilespmem:s23+$0xFFFFDF00]  }
0x1eb: {  	[tilespmem:s26+$0x160] =	vst v0;
	v56 =	vld [tilespmem:s23+$0xFFFFFF00]  }
0x1ec: {  	v0 =	vld [tilespmem:s23+$0xFFFFDF80]  }
0x1ed: {  	v14 =	vld [tilespmem:s23+$0xFFFFFF80];
	v57 =	vshrl.u32 v45, $0x10  }
0x1ee: {  	v15 =	vshrl.u32 v46, $0x10;
	v16 =	vshrl.u32 v47, $0x10;
	v17 =	vshrl.u32 v48, $0x10  }
0x1ef: {  	v18 =	vshrl.u32 v49, $0x10;
	v19 =	vshrl.u32 v50, $0x10;
	v20 =	vshrl.u32 v51, $0x10  }
0x1f0: {  	v21 =	vshrl.u32 v52, $0x10;
	v22 =	vshrl.u32 v53, $0x10;
	v23 =	vshrl.u32 v54, $0x10  }
0x1f1: {  	v24 =	vshrl.u32 v55, $0x10;
	v25 =	vshrl.u32 v56, $0x10;
	v26 =	vshrl.u32 v0, $0x10  }
0x1f2: {  	v27 =	vshrl.u32 v14, $0x10;
	v13 =	vand.u32 $0x1, v57;
	v15 =	vand.u32 $0x1, v15  }
0x1f3: {  	v16 =	vand.u32 $0x1, v16;
	v17 =	vand.u32 $0x1, v17;
	v18 =	vand.u32 $0x1, v18  }
0x1f4: {  	v19 =	vand.u32 $0x1, v19;
	v20 =	vand.u32 $0x1, v20;
	v21 =	vand.u32 $0x1, v21  }
0x1f5: {  	v22 =	vand.u32 $0x1, v22;
	v23 =	vand.u32 $0x1, v23;
	v24 =	vand.u32 $0x1, v24  }
0x1f6: {  	v25 =	vand.u32 $0x1, v25;
	v26 =	vand.u32 $0x1, v26;
	v58 =	vand.u32 $0x1, v27  }
0x1f7: {  	v9 =	vadd.s32 v13, v45;
	v6 =	vadd.s32 v15, v46;
	v11 =	vadd.s32 v16, v47  }
0x1f8: {  	v8 =	vadd.s32 v17, v48;
	v10 =	vadd.s32 v18, v49;
	v5 =	vadd.s32 v19, v50  }
0x1f9: {  	v7 =	vadd.s32 v20, v51;
	v2 =	vadd.s32 v21, v52;
	v3 =	vadd.s32 v22, v53  }
0x1fa: {  	v1 =	vadd.s32 v23, v54;
	v12 =	vadd.s32 v24, v55;
	v4 =	vadd.s32 v25, v56  }
0x1fb: {  	v0 =	vadd.s32 v26, v0;
	v13 =	vadd.s32 v58, v14;
	v9 =	vadd.s32 $0x7FFF, v9  }
0x1fc: {  	v6 =	vadd.s32 $0x7FFF, v6;
	v11 =	vadd.s32 $0x7FFF, v11;
	v8 =	vadd.s32 $0x7FFF, v8  }
0x1fd: {  	v10 =	vadd.s32 $0x7FFF, v10;
	v5 =	vadd.s32 $0x7FFF, v5;
	v7 =	vadd.s32 $0x7FFF, v7  }
0x1fe: {  	v2 =	vadd.s32 $0x7FFF, v2;
	v3 =	vadd.s32 $0x7FFF, v3;
	v1 =	vadd.s32 $0x7FFF, v1  }
0x1ff: {  	v12 =	vadd.s32 $0x7FFF, v12;
	v4 =	vadd.s32 $0x7FFF, v4;
	v0 =	vadd.s32 $0x7FFF, v0  }
0x200: {  	v13 =	vadd.s32 $0x7FFF, v13;
	v6 =	vand.u32 $0xFFFF0000, v6;
	v9 =	vshrl.u32 v9, $0x10  }
0x201: {  	v8 =	vand.u32 $0xFFFF0000, v8;
	v11 =	vshrl.u32 v11, $0x10;
	v6 =	vor.u32 v9, v6  }
0x202: {  	v5 =	vand.u32 $0xFFFF0000, v5;
	v59 =	vshrl.u32 v10, $0x10;
	v8 =	vor.u32 v11, v8;
	[tilespmem:s26+$0xFFFFFE70] =	vst v6  }
0x203: {  	s23 =	sadd.s32 $0x4, s22;
	v2 =	vand.u32 $0xFFFF0000, v2;
	v60 =	vshrl.u32 v7, $0x10;
	v5 =	vor.u32 v59, v5;
	[tilespmem:s26+$0xFFFFFEF0] =	vst v8  }
0x204: {  	p0 =	sge.u32 s23, s6;
	v1 =	vand.u32 $0xFFFF0000, v1;
	v3 =	vshrl.u32 v3, $0x10;
	v2 =	vor.u32 v60, v2;
	[tilespmem:s26+$0xFFFFFF70] =	vst v5  }
0x205: {  	s31 =	sadd.s32 s5, s22;
	s28 =	smulhi.u32 @!p0 $0xCCCCCCCD, s23;
	v4 =	vand.u32 $0xFFFF0000, v4;
	v61 =	vshrl.u32 v12, $0x10;
	v1 =	vor.u32 v3, v1;
	[tilespmem:s26+$0xFFFFFFF0] =	vst v2  }
0x206: {  	s24 =	sshll.u32 s31, $0xA;
	v62 =	vand.u32 $0xFFFF0000, v13;
	v0 =	vshrl.u32 v0, $0x10;
	v63 =	vor.u32 v61, v4;
	[tilespmem:s26+$0x70] =	vst v1  }
0x207: {  	s24 =	sand.u32 $0x1FFFFC00, s24;
	s28 =	sshrl.u32 @!p0 s28, $0x2;
	v0 =	vor.u32 v0, v62;
	[tilespmem:s26+$0xF0] =	vst v63  }
0x208: {  	s24 =	sadd.s32 s4, s24;
	[tilespmem:s26+$0x170] =	vst v0;
	s26 =	smul.u32 @!p0 $0x5, s28  }
0x209: {  	[hbm4b:s24+s3] =	stream.linear.scatter [tilespmem:s25], [sflag:$0x2], $0x2000, $0x38;
	[tilespmem:$0x1DC00] =	vst v63  }
0x20a: {  	s24 =	ssub.s32 @!p0 s23, s26  }
0x20b: {  	s22 =	sadd.s32 $0x1, s22;
	s23 =	sshll.u32 @!p0 s23, $0x7;
	s24 =	sshll.u32 @!p0 s24, $0xE  }
0x20c: {  	s25 =	simm.s32 @!p0 $0x80;
	s23 =	sand.u32 @!p0 $0x3FFFFF80, s23;
	s24 =	sor.u32 @!p0 $0x1C00, s24  }
0x20d: {  	[tilespmem:s24], [sflag:$0x1] =	stream.indirect.gather @!p0 [hbm4b:s2+s25], $0x80, s23, s25, $0xb8;
	[tilespmem:$0x1DC00] =	vst v63  }
0x20e: {  	p0 =	sne.s32 s22, s6  }
.Ltmp1:
0x20f: {  	_ = 	snop;
	(pc) =	sbr.rel @p0 .LBB2_2-.Ltmp1, $2  }
0x210: {  	_ =	sdelay $0x2  }
0x211: {  	s21 =	sadd.s32 $0x1, s21;
	s20 =	sadd.s32 $0x4000, s20  }
0x212: {  	_ =	swait.ge [sflag:s18], $0x2000  }
0x213: {  	[sflag:s18] =	ssyncset.done $0x0  }
0x214: {  	s19 =	sadd.s32 $0x1, s19;
	[sflag:s18] =	ssyncadd.s32 $0xFFFFE000  }
0x215: {  	p0 =	sne.s32 s19, s8;
	_ =	swait.ge [sflag:s18], $0x2000  }
.Ltmp2:
0x216: {  	[sflag:s18] =	ssyncset.done $0x0;
	(pc) =	sbr.rel @p0 .LBB2_1-.Ltmp2, $4  }
0x217: {  	[sflag:s18] =	ssyncadd.s32 $0xFFFFE000  }
0x218: {  	_ =	swait.ge [sflag:s18], $0x2000  }
0x219: {  	[sflag:s18] =	ssyncset.done $0x0  }
0x21a: {  	[sflag:s18] =	ssyncadd.s32 $0xFFFFE000  }
0x21b: {  	_ =	sfence.sel $0x180000  }
0x21c: {  	[bflag:$0x0] =	sbarrier.arrive $0xFFFF  }
0x21d: {  	p0 =	sne.s32 s0, $0x0;
	_ =	strace $0x90000047  }
0x21e: {  	s0 =	sadd.s32 @!p0 $0x100000, s1;
	[bflag:$0x2] =	sbarrier.arrive $0xFFFF  }
0x21f: {  	[sflag:s0] =	ssyncadd.tile.s32 @!p0 $0x1;
	_ =	shalt  }
.Lfunc_end2:
_tile_overlayer_lowered:
.L_overlay_start_2:
0x220: {  	(tag) =	ssettag $0x2  }
0x221: {  	s0 =	rddreg [dreg:$0x0];
	s2 =	stileid.u32  }
0x222: {  	s1 =	rddreg [dreg:$0x1];
	p0 =	sne.s32 s2, $0x0  }
0x223: {  	s3 =	rddreg [dreg:$0x2];
	[bflag:$0x3] =	sbarrier.arrive $0xFFFF;
	s2 =	simm.s32 @!p0 $0x1C03  }
0x224: {  	[timem:s3], [sflag:s2] =	dma.local @!p0 [hbm:s0], s1  }
0x225: {  	s0 =	simm.s32 @!p0 $0x3  }
0x226: {  	_ =	swait.ge @!p0 [sflag:s0], s1  }
0x227: {  	s1 =	ssub.s32 @!p0 $0x0, s1;
	[sflag:s0] =	ssyncset.done @!p0 $0x0  }
0x228: {  	[sflag:s0] =	ssyncadd.s32 @!p0 s1  }
0x229: {  	[bflag:$0x3] =	sbarrier.arrive $0xFFFF  }
0x22a: {  	_ =	shalt  }

</sc_bundles>
